<compile_context>
chip_gen: v7x
topology: tpu7x:2x2x1
jax: 0.10.2.dev20260603
libtpu: 0.0.44.dev20260713+nightly
codegen_flags: <defaults>
</compile_context>

<pallas_src>
import jax
import jax.numpy as jnp
from jax import lax
from jax.experimental import pallas as pl
from jax.experimental.pallas import tpu as pltpu
from jax.experimental.pallas import tpu_sc as plsc

_NC = 2
_NS = 16
_CH = 128
_NBUF = 2
_NH = 2

_SELU_ALPHA = 1.6732632423543772
_SELU_LAM = 1.0507009873554805


def _sc_segsum(with_deg, n_pad, d, cpb):
    rps = n_pad // _NS
    cph = cpb // _NH

    out_type = [jax.ShapeDtypeStruct((_NC, n_pad, d), jnp.float32)]
    scratch = [
        pltpu.VMEM((cph, _CH), jnp.int32),
        pltpu.VMEM((cph, _CH), jnp.int32),
        pltpu.VMEM_SHARED((n_pad, d), jnp.float32),
    ]
    scratch += [pltpu.VMEM((_CH, d), jnp.float32) for _ in range(_NBUF)]
    scratch += [pltpu.SemaphoreType.DMA for _ in range(_NBUF)]
    if with_deg:
        out_type.append(jax.ShapeDtypeStruct((_NC, n_pad), jnp.float32))
        scratch += [
            pltpu.VMEM((_CH,), jnp.float32),
            pltpu.VMEM_SHARED((n_pad,), jnp.float32),
        ]

    mesh = plsc.VectorSubcoreMesh(core_axis_name="c", subcore_axis_name="s")

    def body(*refs):
        if with_deg:
            h_hbm, src_hbm, dst_hbm, z2_hbm, z1_hbm = refs[:5]
            agg_out, deg_out = refs[5:7]
            refs = refs[7:]
        else:
            h_hbm, src_hbm, dst_hbm, z2_hbm = refs[:4]
            (agg_out,) = refs[4:5]
            refs = refs[5:]
        src_blk, dst_blk, acc = refs[:3]
        rows = refs[3:3 + _NBUF]
        sems = refs[3 + _NBUF:3 + 2 * _NBUF]
        if with_deg:
            ones_v, dacc = refs[3 + 2 * _NBUF:]

        cid = lax.axis_index("c")
        sid = lax.axis_index("s")
        base = pl.multiple_of(sid * rps, 8)

        pltpu.sync_copy(z2_hbm.at[pl.ds(base, rps)], acc.at[pl.ds(base, rps)])
        if with_deg:
            pltpu.sync_copy(z1_hbm.at[pl.ds(base, rps)], dacc.at[pl.ds(base, rps)])
            for i in range(_CH // 16):
                ones_v[pl.ds(i * 16, 16)] = jnp.ones((16,), jnp.float32)
        plsc.subcore_barrier()

        wid = sid * _NC + cid

        def scat(j, b):
            pltpu.make_async_copy(h_hbm.at[src_blk.at[j]], rows[b],
                                  sems[b]).wait()
            pltpu.sync_copy(rows[b], acc.at[dst_blk.at[j]], add=True)
            if with_deg:
                pltpu.sync_copy(ones_v, dacc.at[dst_blk.at[j]], add=True)

        for hh in range(_NH):
            cbase = pl.multiple_of(wid * cpb + hh * cph, 8)
            pltpu.sync_copy(src_hbm.at[pl.ds(cbase, cph)], src_blk)
            pltpu.sync_copy(dst_hbm.at[pl.ds(cbase, cph)], dst_blk)

            for b in range(_NBUF):
                pltpu.async_copy(h_hbm.at[src_blk.at[b]], rows[b], sems[b])

            def group(g, carry):
                for b in range(_NBUF):
                    j = g * _NBUF + b
                    scat(j, b)
                    pltpu.async_copy(h_hbm.at[src_blk.at[j + _NBUF]],
                                     rows[b], sems[b])
                return carry

            lax.fori_loop(0, cph // _NBUF - 1, group, 0)
            for b in range(_NBUF):
                scat((cph // _NBUF - 1) * _NBUF + b, b)

        plsc.subcore_barrier()
        pltpu.sync_copy(acc.at[pl.ds(base, rps)],
                        agg_out.at[cid, pl.ds(base, rps)])
        if with_deg:
            pltpu.sync_copy(dacc.at[pl.ds(base, rps)],
                            deg_out.at[cid, pl.ds(base, rps)])

    return pl.kernel(body, out_type=tuple(out_type), mesh=mesh,
                     scratch_types=tuple(scratch))


def _tc_layer(h, parts, deg_parts, w_self, w_neigh, b, act, block_rows):
    n_pad, d = h.shape
    hdim = w_self.shape[1]
    grid = n_pad // block_rows

    def body(h_ref, p_ref, dg_ref, ws_ref, wn_ref, b_ref, o_ref):
        hb = h_ref[...]
        agg = p_ref[0] + p_ref[1]
        deg = dg_ref[0] + dg_ref[1]
        mean = agg * (1.0 / jnp.maximum(deg, 1.0))
        y = (jnp.dot(hb, ws_ref[...], preferred_element_type=jnp.float32)
             + jnp.dot(mean, wn_ref[...], preferred_element_type=jnp.float32)
             + b_ref[...])
        if act == "selu":
            o_ref[...] = jnp.where(
                y > 0.0, _SELU_LAM * y,
                (_SELU_LAM * _SELU_ALPHA) * (jnp.exp(y) - 1.0))
        else:
            m = jnp.max(y, axis=1, keepdims=True)
            ey = jnp.exp(y - m)
            o_ref[...] = ey / jnp.sum(ey, axis=1, keepdims=True)

    return pl.pallas_call(
        body,
        grid=(grid,),
        in_specs=[
            pl.BlockSpec((block_rows, d), lambda i: (i, 0)),
            pl.BlockSpec((_NC, block_rows, d), lambda i: (0, i, 0)),
            pl.BlockSpec((_NC, block_rows, 1), lambda i: (0, i, 0)),
            pl.BlockSpec((d, hdim), lambda i: (0, 0)),
            pl.BlockSpec((d, hdim), lambda i: (0, 0)),
            pl.BlockSpec((1, hdim), lambda i: (0, 0)),
        ],
        out_specs=pl.BlockSpec((block_rows, hdim), lambda i: (i, 0)),
        out_shape=jax.ShapeDtypeStruct((n_pad, hdim), jnp.float32),
    )(h, parts, deg_parts, w_self, w_neigh, b)


def kernel(x, edge_index, W_self0, W_neigh0, b0, W_self1, W_neigh1, b1,
           W_self2, W_neigh2, b2):
    n, d = x.shape
    e = edge_index.shape[1]
    n_pad = -(-n // 1280) * 1280

    nw = _NC * _NS
    grain = nw * _CH * _NH * 8
    e_pad = -(-e // grain) * grain
    cpb = e_pad // (nw * _CH)

    src = edge_index[0]
    dst = edge_index[1]
    pad_i = jnp.arange(e_pad - e, dtype=jnp.int32)
    src_p = jnp.concatenate([src, pad_i % n])
    dst_p = jnp.concatenate([dst, n + pad_i % (n_pad - n)])
    src2d = src_p.reshape(e_pad // _CH, _CH)
    dst2d = dst_p.reshape(e_pad // _CH, _CH)

    xp = jnp.zeros((n_pad, d), jnp.float32).at[:n].set(x)
    z2 = jnp.zeros((n_pad, d), jnp.float32)
    z1 = jnp.zeros((n_pad,), jnp.float32)

    seg_deg = _sc_segsum(True, n_pad, d, cpb)
    seg = _sc_segsum(False, n_pad, d, cpb)

    agg0, deg = seg_deg(xp, src2d, dst2d, z2, z1)
    degr = deg.reshape(_NC, n_pad, 1)
    b0r = b0.reshape(1, -1)
    b1r = b1.reshape(1, -1)
    b2r = b2.reshape(1, -1)

    h1 = _tc_layer(xp, agg0, degr, W_self0, W_neigh0, b0r, "selu", 640)
    (agg1,) = seg(h1, src2d, dst2d, z2)
    h2 = _tc_layer(h1, agg1, degr, W_self1, W_neigh1, b1r, "selu", 640)
    (agg2,) = seg(h2, src2d, dst2d, z2)
    out = _tc_layer(h2, agg2, degr, W_self2, W_neigh2, b2r, "softmax", 640)
    return out[:n]

# --- scband reference (transcript-rebuilt; emitter-appended) ---
"""Pipeline reference for scband-graph-sage-full-24094766531343 (READ-ONLY COPY).

The authoritative reference and input builder live on the scoring server;
editing this copy changes nothing except your own understanding.
"""

import jax, jax.numpy as jnp
import numpy as np

N = 10000
E = 320000
D = 128
H = 128
C = 64


def setup_inputs(seed: int = 0) -> dict:
    key = jax.random.key(seed)
    ks = jax.random.split(key, 12)
    x = jax.random.normal(ks[0], (N, D), dtype=jnp.float32)
    edge_index = jax.random.randint(ks[1], (2, E), 0, N, dtype=jnp.int32)
    s = 1.0 / np.sqrt(D)
    sh = 1.0 / np.sqrt(H)
    W_self0 = jax.random.normal(ks[2], (D, H), dtype=jnp.float32) * s
    W_neigh0 = jax.random.normal(ks[3], (D, H), dtype=jnp.float32) * s
    b0 = jnp.zeros((H,), dtype=jnp.float32)
    W_self1 = jax.random.normal(ks[4], (H, H), dtype=jnp.float32) * sh
    W_neigh1 = jax.random.normal(ks[5], (H, H), dtype=jnp.float32) * sh
    b1 = jnp.zeros((H,), dtype=jnp.float32)
    W_self2 = jax.random.normal(ks[6], (H, C), dtype=jnp.float32) * sh
    W_neigh2 = jax.random.normal(ks[7], (H, C), dtype=jnp.float32) * sh
    b2 = jnp.zeros((C,), dtype=jnp.float32)
    return {
        "x": x, "edge_index": edge_index,
        "W_self0": W_self0, "W_neigh0": W_neigh0, "b0": b0,
        "W_self1": W_self1, "W_neigh1": W_neigh1, "b1": b1,
        "W_self2": W_self2, "W_neigh2": W_neigh2, "b2": b2,
    }


def _sage_mean(h, edge_index, W_self, W_neigh, b):
    # DGL SAGEConv with 'mean' aggregator: fc_self(h) + fc_neigh(mean_{u in N(v)} h_u) + bias
    src = edge_index[0]
    dst = edge_index[1]
    msg = jnp.take(h, src, axis=0)
    agg = jax.ops.segment_sum(msg, dst, num_segments=N)
    deg = jax.ops.segment_sum(jnp.ones((E,), dtype=h.dtype), dst, num_segments=N)
    mean = agg / jnp.maximum(deg, 1.0)[:, None]
    return h @ W_self + mean @ W_neigh + b


def reference(x, edge_index, W_self0, W_neigh0, b0, W_self1, W_neigh1, b1, W_self2, W_neigh2, b2):
    h = _sage_mean(x, edge_index, W_self0, W_neigh0, b0)
    h = jax.nn.selu(h)
    h = _sage_mean(h, edge_index, W_self1, W_neigh1, b1)
    h = jax.nn.selu(h)
    h = _sage_mean(h, edge_index, W_self2, W_neigh2, b2)
    out = jax.nn.softmax(h, axis=1)
    return out

if __name__ == "__main__":
    import jax
    _d = setup_inputs()
    print(jax.jit(kernel)(*tuple(_d.values())))

</pallas_src>

<mosaic_0001>
#map = affine_map<(d0, d1) -> (0, 0)>
#map1 = affine_map<(d0, d1) -> (0, 0, 0)>
module attributes {stable_mosaic.version = 14 : i64} {
  func.func @body(%arg0: i32, %arg1: i32, %arg2: memref<10240x128xf32, #tpu.memory_space<hbm>>, %arg3: memref<2560x128xi32, #tpu.memory_space<hbm>>, %arg4: memref<2560x128xi32, #tpu.memory_space<hbm>>, %arg5: memref<10240x128xf32, #tpu.memory_space<hbm>>, %arg6: memref<2x10240x128xf32, #tpu.memory_space<hbm>>, %arg7: memref<40x128xi32, #tpu.memory_space<vmem>>, %arg8: memref<40x128xi32, #tpu.memory_space<vmem>>, %arg9: memref<10240x128xf32, #tpu.memory_space<vmem_shared>>, %arg10: memref<128x128xf32, #tpu.memory_space<vmem>>, %arg11: memref<128x128xf32, #tpu.memory_space<vmem>>, %arg12: memref<!tpu.dma_semaphore, #tpu.memory_space<semaphore_mem>>, %arg13: memref<!tpu.dma_semaphore, #tpu.memory_space<semaphore_mem>>) attributes {dimension_semantics = [#tpu.dimension_semantics<core_parallel>, #tpu.dimension_semantics<subcore_parallel>], iteration_bounds = array<i64: 2, 16>, scalar_prefetch = 0 : i64, scratch_operands = 7 : i64, tpu.core_type = #tpu.core_type<sc_vector_subcore>, window_params = [{transform_indices = #map}, {transform_indices = #map}, {transform_indices = #map}, {transform_indices = #map}, {transform_indices = #map1}]} {
    %mul3A = arith.constant 640 : i32
    %mul3A_0 = arith.muli %arg1, %mul3A : i32
    %multiple_of3A = tpu.assume_multiple %mul3A_0, 8 : i32
    "tpu.region"() ({
      %run_scoped3A_82 = tpu.sem_alloc : memref<!tpu.dma_semaphore, #tpu.memory_space<semaphore_mem>>
      %dma_start3A_83 = arith.constant 0 : i32
      %dma_start3A_84 = tpu.memref_slice %arg9[%multiple_of3A, %dma_start3A_83] : memref<10240x128xf32, #tpu.memory_space<vmem_shared>> -> memref<640x128xf32, #tpu.memory_space<vmem_shared>>
      %dma_start3A_85 = arith.constant 0 : i32
      %dma_start3A_86 = tpu.memref_slice %arg5[%multiple_of3A, %dma_start3A_85] : memref<10240x128xf32, #tpu.memory_space<hbm>> -> memref<640x128xf32, #tpu.memory_space<hbm>>
      tpu.enqueue_dma source(%dma_start3A_86 : memref<640x128xf32, #tpu.memory_space<hbm>>) target(%dma_start3A_84 : memref<640x128xf32, #tpu.memory_space<vmem_shared>>) target_semaphore(%run_scoped3A_82 : memref<!tpu.dma_semaphore, #tpu.memory_space<semaphore_mem>>)
      %dma_wait3A_87 = arith.constant 0 : i32
      %dma_wait3A_88 = tpu.memref_slice %arg9[%multiple_of3A, %dma_wait3A_87] : memref<10240x128xf32, #tpu.memory_space<vmem_shared>> -> memref<640x128xf32, #tpu.memory_space<vmem_shared>>
      %dma_wait3A_89 = arith.constant 0 : i32
      %dma_wait3A_90 = tpu.memref_slice %arg5[%multiple_of3A, %dma_wait3A_89] : memref<10240x128xf32, #tpu.memory_space<hbm>> -> memref<640x128xf32, #tpu.memory_space<hbm>>
      tpu.wait_dma2 semaphore(%run_scoped3A_82 : memref<!tpu.dma_semaphore, #tpu.memory_space<semaphore_mem>>) src(%dma_wait3A_90 : memref<640x128xf32, #tpu.memory_space<hbm>>) dst(%dma_wait3A_88 : memref<640x128xf32, #tpu.memory_space<vmem_shared>>)
      tpu.yield
    }) : () -> ()
    %barrier3A = arith.constant 0 : index
    tpu.barrier barrier_id(%barrier3A)
    %mul3A_1 = arith.constant 2 : i32
    %mul3A_2 = arith.muli %arg1, %mul3A_1 : i32
    %add3A = arith.addi %mul3A_2, %arg0 : i32
    %mul3A_3 = arith.constant 80 : i32
    %mul3A_4 = arith.muli %add3A, %mul3A_3 : i32
    %add3A_5 = arith.constant 0 : i32
    %add3A_6 = arith.addi %mul3A_4, %add3A_5 : i32
    %multiple_of3A_7 = tpu.assume_multiple %add3A_6, 8 : i32
    "tpu.region"() ({
      %run_scoped3A_82 = tpu.sem_alloc : memref<!tpu.dma_semaphore, #tpu.memory_space<semaphore_mem>>
      %dma_start3A_83 = arith.constant 0 : i32
      %dma_start3A_84 = tpu.memref_slice %arg3[%multiple_of3A_7, %dma_start3A_83] : memref<2560x128xi32, #tpu.memory_space<hbm>> -> memref<40x128xi32, #tpu.memory_space<hbm>>
      %dma_start3A_85 = arith.constant 0 : i32
      %dma_start3A_86 = tpu.memref_slice %arg3[%multiple_of3A_7, %dma_start3A_85] : memref<2560x128xi32, #tpu.memory_space<hbm>> -> memref<40x128xi32, #tpu.memory_space<hbm>>
      tpu.enqueue_dma source(%dma_start3A_86 : memref<40x128xi32, #tpu.memory_space<hbm>>) target(%arg7 : memref<40x128xi32, #tpu.memory_space<vmem>>) target_semaphore(%run_scoped3A_82 : memref<!tpu.dma_semaphore, #tpu.memory_space<semaphore_mem>>)
      %dma_wait3A_87 = arith.constant 0 : i32
      %dma_wait3A_88 = tpu.memref_slice %arg3[%multiple_of3A_7, %dma_wait3A_87] : memref<2560x128xi32, #tpu.memory_space<hbm>> -> memref<40x128xi32, #tpu.memory_space<hbm>>
      %dma_wait3A_89 = arith.constant 0 : i32
      %dma_wait3A_90 = tpu.memref_slice %arg3[%multiple_of3A_7, %dma_wait3A_89] : memref<2560x128xi32, #tpu.memory_space<hbm>> -> memref<40x128xi32, #tpu.memory_space<hbm>>
      tpu.wait_dma2 semaphore(%run_scoped3A_82 : memref<!tpu.dma_semaphore, #tpu.memory_space<semaphore_mem>>) src(%dma_wait3A_90 : memref<40x128xi32, #tpu.memory_space<hbm>>) dst(%arg7 : memref<40x128xi32, #tpu.memory_space<vmem>>)
      tpu.yield
    }) : () -> ()
    "tpu.region"() ({
      %run_scoped3A_82 = tpu.sem_alloc : memref<!tpu.dma_semaphore, #tpu.memory_space<semaphore_mem>>
      %dma_start3A_83 = arith.constant 0 : i32
      %dma_start3A_84 = tpu.memref_slice %arg4[%multiple_of3A_7, %dma_start3A_83] : memref<2560x128xi32, #tpu.memory_space<hbm>> -> memref<40x128xi32, #tpu.memory_space<hbm>>
      %dma_start3A_85 = arith.constant 0 : i32
      %dma_start3A_86 = tpu.memref_slice %arg4[%multiple_of3A_7, %dma_start3A_85] : memref<2560x128xi32, #tpu.memory_space<hbm>> -> memref<40x128xi32, #tpu.memory_space<hbm>>
      tpu.enqueue_dma source(%dma_start3A_86 : memref<40x128xi32, #tpu.memory_space<hbm>>) target(%arg8 : memref<40x128xi32, #tpu.memory_space<vmem>>) target_semaphore(%run_scoped3A_82 : memref<!tpu.dma_semaphore, #tpu.memory_space<semaphore_mem>>)
      %dma_wait3A_87 = arith.constant 0 : i32
      %dma_wait3A_88 = tpu.memref_slice %arg4[%multiple_of3A_7, %dma_wait3A_87] : memref<2560x128xi32, #tpu.memory_space<hbm>> -> memref<40x128xi32, #tpu.memory_space<hbm>>
      %dma_wait3A_89 = arith.constant 0 : i32
      %dma_wait3A_90 = tpu.memref_slice %arg4[%multiple_of3A_7, %dma_wait3A_89] : memref<2560x128xi32, #tpu.memory_space<hbm>> -> memref<40x128xi32, #tpu.memory_space<hbm>>
      tpu.wait_dma2 semaphore(%run_scoped3A_82 : memref<!tpu.dma_semaphore, #tpu.memory_space<semaphore_mem>>) src(%dma_wait3A_90 : memref<40x128xi32, #tpu.memory_space<hbm>>) dst(%arg8 : memref<40x128xi32, #tpu.memory_space<vmem>>)
      tpu.yield
    }) : () -> ()
    %dma_start3A = arith.constant 0 : i32
    %dma_start3A_8 = arith.constant 0 : i32
    %dma_start3A_9 = tpu.memref_slice %arg7[%dma_start3A, %dma_start3A_8] : memref<40x128xi32, #tpu.memory_space<vmem>> -> memref<1x128xi32, #tpu.memory_space<vmem>>
    %dma_start3A_10 = tpu.memref_squeeze %dma_start3A_9 : memref<1x128xi32, #tpu.memory_space<vmem>> -> memref<128xi32, #tpu.memory_space<vmem>>
    %dma_start3A_11 = arith.constant 0 : i32
    %dma_start3A_12 = arith.constant 0 : i32
    %dma_start3A_13 = tpu.memref_slice %arg2[%dma_start3A_11, %dma_start3A_12] : memref<10240x128xf32, #tpu.memory_space<hbm>> -> memref<10240x128xf32, #tpu.memory_space<hbm>>
    tpu.enqueue_indirect_dma source(%dma_start3A_13 : memref<10240x128xf32, #tpu.memory_space<hbm>>) target(%arg10 : memref<128x128xf32, #tpu.memory_space<vmem>>) offsets(%dma_start3A_10 : memref<128xi32, #tpu.memory_space<vmem>>) semaphore(%arg12 : memref<!tpu.dma_semaphore, #tpu.memory_space<semaphore_mem>>)
    %dma_start3A_14 = arith.constant 1 : i32
    %dma_start3A_15 = arith.constant 0 : i32
    %dma_start3A_16 = tpu.memref_slice %arg7[%dma_start3A_14, %dma_start3A_15] : memref<40x128xi32, #tpu.memory_space<vmem>> -> memref<1x128xi32, #tpu.memory_space<vmem>>
    %dma_start3A_17 = tpu.memref_squeeze %dma_start3A_16 : memref<1x128xi32, #tpu.memory_space<vmem>> -> memref<128xi32, #tpu.memory_space<vmem>>
    %dma_start3A_18 = arith.constant 0 : i32
    %dma_start3A_19 = arith.constant 0 : i32
    %dma_start3A_20 = tpu.memref_slice %arg2[%dma_start3A_18, %dma_start3A_19] : memref<10240x128xf32, #tpu.memory_space<hbm>> -> memref<10240x128xf32, #tpu.memory_space<hbm>>
    tpu.enqueue_indirect_dma source(%dma_start3A_20 : memref<10240x128xf32, #tpu.memory_space<hbm>>) target(%arg11 : memref<128x128xf32, #tpu.memory_space<vmem>>) offsets(%dma_start3A_17 : memref<128xi32, #tpu.memory_space<vmem>>) semaphore(%arg13 : memref<!tpu.dma_semaphore, #tpu.memory_space<semaphore_mem>>)
    %scan3A = arith.constant 0 : i32
    %scan3A_21 = arith.constant 0 : i32
    %scan3A_22 = arith.constant 19 : i32
    %scan3A_23 = arith.addi %scan3A_21, %scan3A_22 : i32
    %scan3A_24 = arith.constant 1 : i32
    scf.for %scan3A_82 = %scan3A_21 to %scan3A_23 step %scan3A_24  : i32 {
      %mul3A_83 = arith.constant 2 : i32
      %mul3A_84 = arith.muli %scan3A_82, %mul3A_83 : i32
      %add3A_85 = arith.constant 0 : i32
      %add3A_86 = arith.addi %mul3A_84, %add3A_85 : i32
      %dma_wait3A_87 = arith.constant 0 : i32
      %dma_wait3A_88 = tpu.memref_slice %arg7[%add3A_86, %dma_wait3A_87] : memref<40x128xi32, #tpu.memory_space<vmem>> -> memref<1x128xi32, #tpu.memory_space<vmem>>
      %dma_wait3A_89 = tpu.memref_squeeze %dma_wait3A_88 : memref<1x128xi32, #tpu.memory_space<vmem>> -> memref<128xi32, #tpu.memory_space<vmem>>
      %dma_wait3A_90 = arith.constant 0 : i32
      %dma_wait3A_91 = arith.constant 0 : i32
      %dma_wait3A_92 = tpu.memref_slice %arg2[%dma_wait3A_90, %dma_wait3A_91] : memref<10240x128xf32, #tpu.memory_space<hbm>> -> memref<10240x128xf32, #tpu.memory_space<hbm>>
      tpu.wait_indirect_dma semaphore(%arg12 : memref<!tpu.dma_semaphore, #tpu.memory_space<semaphore_mem>>) src(%dma_wait3A_92 : memref<10240x128xf32, #tpu.memory_space<hbm>>) dst(%arg10 : memref<128x128xf32, #tpu.memory_space<vmem>>)
      "tpu.region"() ({
        %run_scoped3A_119 = tpu.sem_alloc : memref<!tpu.dma_semaphore, #tpu.memory_space<semaphore_mem>>
        %dma_start3A_120 = arith.constant 0 : i32
        %dma_start3A_121 = tpu.memref_slice %arg8[%add3A_86, %dma_start3A_120] : memref<40x128xi32, #tpu.memory_space<vmem>> -> memref<1x128xi32, #tpu.memory_space<vmem>>
        %dma_start3A_122 = tpu.memref_squeeze %dma_start3A_121 : memref<1x128xi32, #tpu.memory_space<vmem>> -> memref<128xi32, #tpu.memory_space<vmem>>
        %dma_start3A_123 = arith.constant 0 : i32
        %dma_start3A_124 = arith.constant 0 : i32
        %dma_start3A_125 = tpu.memref_slice %arg9[%dma_start3A_123, %dma_start3A_124] : memref<10240x128xf32, #tpu.memory_space<vmem_shared>> -> memref<10240x128xf32, #tpu.memory_space<vmem_shared>>
        tpu.enqueue_indirect_dma source(%arg10 : memref<128x128xf32, #tpu.memory_space<vmem>>) target(%dma_start3A_125 : memref<10240x128xf32, #tpu.memory_space<vmem_shared>>) offsets(%dma_start3A_122 : memref<128xi32, #tpu.memory_space<vmem>>) semaphore(%run_scoped3A_119 : memref<!tpu.dma_semaphore, #tpu.memory_space<semaphore_mem>>) {add = true}
        %dma_wait3A_126 = arith.constant 0 : i32
        %dma_wait3A_127 = tpu.memref_slice %arg8[%add3A_86, %dma_wait3A_126] : memref<40x128xi32, #tpu.memory_space<vmem>> -> memref<1x128xi32, #tpu.memory_space<vmem>>
        %dma_wait3A_128 = tpu.memref_squeeze %dma_wait3A_127 : memref<1x128xi32, #tpu.memory_space<vmem>> -> memref<128xi32, #tpu.memory_space<vmem>>
        %dma_wait3A_129 = arith.constant 0 : i32
        %dma_wait3A_130 = arith.constant 0 : i32
        %dma_wait3A_131 = tpu.memref_slice %arg9[%dma_wait3A_129, %dma_wait3A_130] : memref<10240x128xf32, #tpu.memory_space<vmem_shared>> -> memref<10240x128xf32, #tpu.memory_space<vmem_shared>>
        tpu.wait_indirect_dma semaphore(%run_scoped3A_119 : memref<!tpu.dma_semaphore, #tpu.memory_space<semaphore_mem>>) src(%arg10 : memref<128x128xf32, #tpu.memory_space<vmem>>) dst(%dma_wait3A_131 : memref<10240x128xf32, #tpu.memory_space<vmem_shared>>)
        tpu.yield
      }) : () -> ()
      %add3A_93 = arith.constant 2 : i32
      %add3A_94 = arith.addi %add3A_86, %add3A_93 : i32
      %dma_start3A_95 = arith.constant 0 : i32
      %dma_start3A_96 = tpu.memref_slice %arg7[%add3A_94, %dma_start3A_95] : memref<40x128xi32, #tpu.memory_space<vmem>> -> memref<1x128xi32, #tpu.memory_space<vmem>>
      %dma_start3A_97 = tpu.memref_squeeze %dma_start3A_96 : memref<1x128xi32, #tpu.memory_space<vmem>> -> memref<128xi32, #tpu.memory_space<vmem>>
      %dma_start3A_98 = arith.constant 0 : i32
      %dma_start3A_99 = arith.constant 0 : i32
      %dma_start3A_100 = tpu.memref_slice %arg2[%dma_start3A_98, %dma_start3A_99] : memref<10240x128xf32, #tpu.memory_space<hbm>> -> memref<10240x128xf32, #tpu.memory_space<hbm>>
      tpu.enqueue_indirect_dma source(%dma_start3A_100 : memref<10240x128xf32, #tpu.memory_space<hbm>>) target(%arg10 : memref<128x128xf32, #tpu.memory_space<vmem>>) offsets(%dma_start3A_97 : memref<128xi32, #tpu.memory_space<vmem>>) semaphore(%arg12 : memref<!tpu.dma_semaphore, #tpu.memory_space<semaphore_mem>>)
      %mul3A_101 = arith.constant 2 : i32
      %mul3A_102 = arith.muli %scan3A_82, %mul3A_101 : i32
      %add3A_103 = arith.constant 1 : i32
      %add3A_104 = arith.addi %mul3A_102, %add3A_103 : i32
      %dma_wait3A_105 = arith.constant 0 : i32
      %dma_wait3A_106 = tpu.memref_slice %arg7[%add3A_104, %dma_wait3A_105] : memref<40x128xi32, #tpu.memory_space<vmem>> -> memref<1x128xi32, #tpu.memory_space<vmem>>
      %dma_wait3A_107 = tpu.memref_squeeze %dma_wait3A_106 : memref<1x128xi32, #tpu.memory_space<vmem>> -> memref<128xi32, #tpu.memory_space<vmem>>
      %dma_wait3A_108 = arith.constant 0 : i32
      %dma_wait3A_109 = arith.constant 0 : i32
      %dma_wait3A_110 = tpu.memref_slice %arg2[%dma_wait3A_108, %dma_wait3A_109] : memref<10240x128xf32, #tpu.memory_space<hbm>> -> memref<10240x128xf32, #tpu.memory_space<hbm>>
      tpu.wait_indirect_dma semaphore(%arg13 : memref<!tpu.dma_semaphore, #tpu.memory_space<semaphore_mem>>) src(%dma_wait3A_110 : memref<10240x128xf32, #tpu.memory_space<hbm>>) dst(%arg11 : memref<128x128xf32, #tpu.memory_space<vmem>>)
      "tpu.region"() ({
        %run_scoped3A_119 = tpu.sem_alloc : memref<!tpu.dma_semaphore, #tpu.memory_space<semaphore_mem>>
        %dma_start3A_120 = arith.constant 0 : i32
        %dma_start3A_121 = tpu.memref_slice %arg8[%add3A_104, %dma_start3A_120] : memref<40x128xi32, #tpu.memory_space<vmem>> -> memref<1x128xi32, #tpu.memory_space<vmem>>
        %dma_start3A_122 = tpu.memref_squeeze %dma_start3A_121 : memref<1x128xi32, #tpu.memory_space<vmem>> -> memref<128xi32, #tpu.memory_space<vmem>>
        %dma_start3A_123 = arith.constant 0 : i32
        %dma_start3A_124 = arith.constant 0 : i32
        %dma_start3A_125 = tpu.memref_slice %arg9[%dma_start3A_123, %dma_start3A_124] : memref<10240x128xf32, #tpu.memory_space<vmem_shared>> -> memref<10240x128xf32, #tpu.memory_space<vmem_shared>>
        tpu.enqueue_indirect_dma source(%arg11 : memref<128x128xf32, #tpu.memory_space<vmem>>) target(%dma_start3A_125 : memref<10240x128xf32, #tpu.memory_space<vmem_shared>>) offsets(%dma_start3A_122 : memref<128xi32, #tpu.memory_space<vmem>>) semaphore(%run_scoped3A_119 : memref<!tpu.dma_semaphore, #tpu.memory_space<semaphore_mem>>) {add = true}
        %dma_wait3A_126 = arith.constant 0 : i32
        %dma_wait3A_127 = tpu.memref_slice %arg8[%add3A_104, %dma_wait3A_126] : memref<40x128xi32, #tpu.memory_space<vmem>> -> memref<1x128xi32, #tpu.memory_space<vmem>>
        %dma_wait3A_128 = tpu.memref_squeeze %dma_wait3A_127 : memref<1x128xi32, #tpu.memory_space<vmem>> -> memref<128xi32, #tpu.memory_space<vmem>>
        %dma_wait3A_129 = arith.constant 0 : i32
        %dma_wait3A_130 = arith.constant 0 : i32
        %dma_wait3A_131 = tpu.memref_slice %arg9[%dma_wait3A_129, %dma_wait3A_130] : memref<10240x128xf32, #tpu.memory_space<vmem_shared>> -> memref<10240x128xf32, #tpu.memory_space<vmem_shared>>
        tpu.wait_indirect_dma semaphore(%run_scoped3A_119 : memref<!tpu.dma_semaphore, #tpu.memory_space<semaphore_mem>>) src(%arg11 : memref<128x128xf32, #tpu.memory_space<vmem>>) dst(%dma_wait3A_131 : memref<10240x128xf32, #tpu.memory_space<vmem_shared>>)
        tpu.yield
      }) : () -> ()
      %add3A_111 = arith.constant 2 : i32
      %add3A_112 = arith.addi %add3A_104, %add3A_111 : i32
      %dma_start3A_113 = arith.constant 0 : i32
      %dma_start3A_114 = tpu.memref_slice %arg7[%add3A_112, %dma_start3A_113] : memref<40x128xi32, #tpu.memory_space<vmem>> -> memref<1x128xi32, #tpu.memory_space<vmem>>
      %dma_start3A_115 = tpu.memref_squeeze %dma_start3A_114 : memref<1x128xi32, #tpu.memory_space<vmem>> -> memref<128xi32, #tpu.memory_space<vmem>>
      %dma_start3A_116 = arith.constant 0 : i32
      %dma_start3A_117 = arith.constant 0 : i32
      %dma_start3A_118 = tpu.memref_slice %arg2[%dma_start3A_116, %dma_start3A_117] : memref<10240x128xf32, #tpu.memory_space<hbm>> -> memref<10240x128xf32, #tpu.memory_space<hbm>>
      tpu.enqueue_indirect_dma source(%dma_start3A_118 : memref<10240x128xf32, #tpu.memory_space<hbm>>) target(%arg11 : memref<128x128xf32, #tpu.memory_space<vmem>>) offsets(%dma_start3A_115 : memref<128xi32, #tpu.memory_space<vmem>>) semaphore(%arg13 : memref<!tpu.dma_semaphore, #tpu.memory_space<semaphore_mem>>)
    }
    %scan3A_25 = arith.constant 19 : i32
    %dma_wait3A = arith.constant 38 : i32
    %dma_wait3A_26 = arith.constant 0 : i32
    %dma_wait3A_27 = tpu.memref_slice %arg7[%dma_wait3A, %dma_wait3A_26] : memref<40x128xi32, #tpu.memory_space<vmem>> -> memref<1x128xi32, #tpu.memory_space<vmem>>
    %dma_wait3A_28 = tpu.memref_squeeze %dma_wait3A_27 : memref<1x128xi32, #tpu.memory_space<vmem>> -> memref<128xi32, #tpu.memory_space<vmem>>
    %dma_wait3A_29 = arith.constant 0 : i32
    %dma_wait3A_30 = arith.constant 0 : i32
    %dma_wait3A_31 = tpu.memref_slice %arg2[%dma_wait3A_29, %dma_wait3A_30] : memref<10240x128xf32, #tpu.memory_space<hbm>> -> memref<10240x128xf32, #tpu.memory_space<hbm>>
    tpu.wait_indirect_dma semaphore(%arg12 : memref<!tpu.dma_semaphore, #tpu.memory_space<semaphore_mem>>) src(%dma_wait3A_31 : memref<10240x128xf32, #tpu.memory_space<hbm>>) dst(%arg10 : memref<128x128xf32, #tpu.memory_space<vmem>>)
    %run_scoped3A = arith.constant 38 : i32
    "tpu.region"() ({
      %run_scoped3A_82 = tpu.sem_alloc : memref<!tpu.dma_semaphore, #tpu.memory_space<semaphore_mem>>
      %dma_start3A_83 = arith.constant 0 : i32
      %dma_start3A_84 = tpu.memref_slice %arg8[%run_scoped3A, %dma_start3A_83] : memref<40x128xi32, #tpu.memory_space<vmem>> -> memref<1x128xi32, #tpu.memory_space<vmem>>
      %dma_start3A_85 = tpu.memref_squeeze %dma_start3A_84 : memref<1x128xi32, #tpu.memory_space<vmem>> -> memref<128xi32, #tpu.memory_space<vmem>>
      %dma_start3A_86 = arith.constant 0 : i32
      %dma_start3A_87 = arith.constant 0 : i32
      %dma_start3A_88 = tpu.memref_slice %arg9[%dma_start3A_86, %dma_start3A_87] : memref<10240x128xf32, #tpu.memory_space<vmem_shared>> -> memref<10240x128xf32, #tpu.memory_space<vmem_shared>>
      tpu.enqueue_indirect_dma source(%arg10 : memref<128x128xf32, #tpu.memory_space<vmem>>) target(%dma_start3A_88 : memref<10240x128xf32, #tpu.memory_space<vmem_shared>>) offsets(%dma_start3A_85 : memref<128xi32, #tpu.memory_space<vmem>>) semaphore(%run_scoped3A_82 : memref<!tpu.dma_semaphore, #tpu.memory_space<semaphore_mem>>) {add = true}
      %dma_wait3A_89 = arith.constant 0 : i32
      %dma_wait3A_90 = tpu.memref_slice %arg8[%run_scoped3A, %dma_wait3A_89] : memref<40x128xi32, #tpu.memory_space<vmem>> -> memref<1x128xi32, #tpu.memory_space<vmem>>
      %dma_wait3A_91 = tpu.memref_squeeze %dma_wait3A_90 : memref<1x128xi32, #tpu.memory_space<vmem>> -> memref<128xi32, #tpu.memory_space<vmem>>
      %dma_wait3A_92 = arith.constant 0 : i32
      %dma_wait3A_93 = arith.constant 0 : i32
      %dma_wait3A_94 = tpu.memref_slice %arg9[%dma_wait3A_92, %dma_wait3A_93] : memref<10240x128xf32, #tpu.memory_space<vmem_shared>> -> memref<10240x128xf32, #tpu.memory_space<vmem_shared>>
      tpu.wait_indirect_dma semaphore(%run_scoped3A_82 : memref<!tpu.dma_semaphore, #tpu.memory_space<semaphore_mem>>) src(%arg10 : memref<128x128xf32, #tpu.memory_space<vmem>>) dst(%dma_wait3A_94 : memref<10240x128xf32, #tpu.memory_space<vmem_shared>>)
      tpu.yield
    }) : () -> ()
    %dma_wait3A_32 = arith.constant 39 : i32
    %dma_wait3A_33 = arith.constant 0 : i32
    %dma_wait3A_34 = tpu.memref_slice %arg7[%dma_wait3A_32, %dma_wait3A_33] : memref<40x128xi32, #tpu.memory_space<vmem>> -> memref<1x128xi32, #tpu.memory_space<vmem>>
    %dma_wait3A_35 = tpu.memref_squeeze %dma_wait3A_34 : memref<1x128xi32, #tpu.memory_space<vmem>> -> memref<128xi32, #tpu.memory_space<vmem>>
    %dma_wait3A_36 = arith.constant 0 : i32
    %dma_wait3A_37 = arith.constant 0 : i32
    %dma_wait3A_38 = tpu.memref_slice %arg2[%dma_wait3A_36, %dma_wait3A_37] : memref<10240x128xf32, #tpu.memory_space<hbm>> -> memref<10240x128xf32, #tpu.memory_space<hbm>>
    tpu.wait_indirect_dma semaphore(%arg13 : memref<!tpu.dma_semaphore, #tpu.memory_space<semaphore_mem>>) src(%dma_wait3A_38 : memref<10240x128xf32, #tpu.memory_space<hbm>>) dst(%arg11 : memref<128x128xf32, #tpu.memory_space<vmem>>)
    %run_scoped3A_39 = arith.constant 39 : i32
    "tpu.region"() ({
      %run_scoped3A_82 = tpu.sem_alloc : memref<!tpu.dma_semaphore, #tpu.memory_space<semaphore_mem>>
      %dma_start3A_83 = arith.constant 0 : i32
      %dma_start3A_84 = tpu.memref_slice %arg8[%run_scoped3A_39, %dma_start3A_83] : memref<40x128xi32, #tpu.memory_space<vmem>> -> memref<1x128xi32, #tpu.memory_space<vmem>>
      %dma_start3A_85 = tpu.memref_squeeze %dma_start3A_84 : memref<1x128xi32, #tpu.memory_space<vmem>> -> memref<128xi32, #tpu.memory_space<vmem>>
      %dma_start3A_86 = arith.constant 0 : i32
      %dma_start3A_87 = arith.constant 0 : i32
      %dma_start3A_88 = tpu.memref_slice %arg9[%dma_start3A_86, %dma_start3A_87] : memref<10240x128xf32, #tpu.memory_space<vmem_shared>> -> memref<10240x128xf32, #tpu.memory_space<vmem_shared>>
      tpu.enqueue_indirect_dma source(%arg11 : memref<128x128xf32, #tpu.memory_space<vmem>>) target(%dma_start3A_88 : memref<10240x128xf32, #tpu.memory_space<vmem_shared>>) offsets(%dma_start3A_85 : memref<128xi32, #tpu.memory_space<vmem>>) semaphore(%run_scoped3A_82 : memref<!tpu.dma_semaphore, #tpu.memory_space<semaphore_mem>>) {add = true}
      %dma_wait3A_89 = arith.constant 0 : i32
      %dma_wait3A_90 = tpu.memref_slice %arg8[%run_scoped3A_39, %dma_wait3A_89] : memref<40x128xi32, #tpu.memory_space<vmem>> -> memref<1x128xi32, #tpu.memory_space<vmem>>
      %dma_wait3A_91 = tpu.memref_squeeze %dma_wait3A_90 : memref<1x128xi32, #tpu.memory_space<vmem>> -> memref<128xi32, #tpu.memory_space<vmem>>
      %dma_wait3A_92 = arith.constant 0 : i32
      %dma_wait3A_93 = arith.constant 0 : i32
      %dma_wait3A_94 = tpu.memref_slice %arg9[%dma_wait3A_92, %dma_wait3A_93] : memref<10240x128xf32, #tpu.memory_space<vmem_shared>> -> memref<10240x128xf32, #tpu.memory_space<vmem_shared>>
      tpu.wait_indirect_dma semaphore(%run_scoped3A_82 : memref<!tpu.dma_semaphore, #tpu.memory_space<semaphore_mem>>) src(%arg11 : memref<128x128xf32, #tpu.memory_space<vmem>>) dst(%dma_wait3A_94 : memref<10240x128xf32, #tpu.memory_space<vmem_shared>>)
      tpu.yield
    }) : () -> ()
    %mul3A_40 = arith.constant 80 : i32
    %mul3A_41 = arith.muli %add3A, %mul3A_40 : i32
    %add3A_42 = arith.constant 40 : i32
    %add3A_43 = arith.addi %mul3A_41, %add3A_42 : i32
    %multiple_of3A_44 = tpu.assume_multiple %add3A_43, 8 : i32
    "tpu.region"() ({
      %run_scoped3A_82 = tpu.sem_alloc : memref<!tpu.dma_semaphore, #tpu.memory_space<semaphore_mem>>
      %dma_start3A_83 = arith.constant 0 : i32
      %dma_start3A_84 = tpu.memref_slice %arg3[%multiple_of3A_44, %dma_start3A_83] : memref<2560x128xi32, #tpu.memory_space<hbm>> -> memref<40x128xi32, #tpu.memory_space<hbm>>
      %dma_start3A_85 = arith.constant 0 : i32
      %dma_start3A_86 = tpu.memref_slice %arg3[%multiple_of3A_44, %dma_start3A_85] : memref<2560x128xi32, #tpu.memory_space<hbm>> -> memref<40x128xi32, #tpu.memory_space<hbm>>
      tpu.enqueue_dma source(%dma_start3A_86 : memref<40x128xi32, #tpu.memory_space<hbm>>) target(%arg7 : memref<40x128xi32, #tpu.memory_space<vmem>>) target_semaphore(%run_scoped3A_82 : memref<!tpu.dma_semaphore, #tpu.memory_space<semaphore_mem>>)
      %dma_wait3A_87 = arith.constant 0 : i32
      %dma_wait3A_88 = tpu.memref_slice %arg3[%multiple_of3A_44, %dma_wait3A_87] : memref<2560x128xi32, #tpu.memory_space<hbm>> -> memref<40x128xi32, #tpu.memory_space<hbm>>
      %dma_wait3A_89 = arith.constant 0 : i32
      %dma_wait3A_90 = tpu.memref_slice %arg3[%multiple_of3A_44, %dma_wait3A_89] : memref<2560x128xi32, #tpu.memory_space<hbm>> -> memref<40x128xi32, #tpu.memory_space<hbm>>
      tpu.wait_dma2 semaphore(%run_scoped3A_82 : memref<!tpu.dma_semaphore, #tpu.memory_space<semaphore_mem>>) src(%dma_wait3A_90 : memref<40x128xi32, #tpu.memory_space<hbm>>) dst(%arg7 : memref<40x128xi32, #tpu.memory_space<vmem>>)
      tpu.yield
    }) : () -> ()
    "tpu.region"() ({
      %run_scoped3A_82 = tpu.sem_alloc : memref<!tpu.dma_semaphore, #tpu.memory_space<semaphore_mem>>
      %dma_start3A_83 = arith.constant 0 : i32
      %dma_start3A_84 = tpu.memref_slice %arg4[%multiple_of3A_44, %dma_start3A_83] : memref<2560x128xi32, #tpu.memory_space<hbm>> -> memref<40x128xi32, #tpu.memory_space<hbm>>
      %dma_start3A_85 = arith.constant 0 : i32
      %dma_start3A_86 = tpu.memref_slice %arg4[%multiple_of3A_44, %dma_start3A_85] : memref<2560x128xi32, #tpu.memory_space<hbm>> -> memref<40x128xi32, #tpu.memory_space<hbm>>
      tpu.enqueue_dma source(%dma_start3A_86 : memref<40x128xi32, #tpu.memory_space<hbm>>) target(%arg8 : memref<40x128xi32, #tpu.memory_space<vmem>>) target_semaphore(%run_scoped3A_82 : memref<!tpu.dma_semaphore, #tpu.memory_space<semaphore_mem>>)
      %dma_wait3A_87 = arith.constant 0 : i32
      %dma_wait3A_88 = tpu.memref_slice %arg4[%multiple_of3A_44, %dma_wait3A_87] : memref<2560x128xi32, #tpu.memory_space<hbm>> -> memref<40x128xi32, #tpu.memory_space<hbm>>
      %dma_wait3A_89 = arith.constant 0 : i32
      %dma_wait3A_90 = tpu.memref_slice %arg4[%multiple_of3A_44, %dma_wait3A_89] : memref<2560x128xi32, #tpu.memory_space<hbm>> -> memref<40x128xi32, #tpu.memory_space<hbm>>
      tpu.wait_dma2 semaphore(%run_scoped3A_82 : memref<!tpu.dma_semaphore, #tpu.memory_space<semaphore_mem>>) src(%dma_wait3A_90 : memref<40x128xi32, #tpu.memory_space<hbm>>) dst(%arg8 : memref<40x128xi32, #tpu.memory_space<vmem>>)
      tpu.yield
    }) : () -> ()
    %dma_start3A_45 = arith.constant 0 : i32
    %dma_start3A_46 = arith.constant 0 : i32
    %dma_start3A_47 = tpu.memref_slice %arg7[%dma_start3A_45, %dma_start3A_46] : memref<40x128xi32, #tpu.memory_space<vmem>> -> memref<1x128xi32, #tpu.memory_space<vmem>>
    %dma_start3A_48 = tpu.memref_squeeze %dma_start3A_47 : memref<1x128xi32, #tpu.memory_space<vmem>> -> memref<128xi32, #tpu.memory_space<vmem>>
    %dma_start3A_49 = arith.constant 0 : i32
    %dma_start3A_50 = arith.constant 0 : i32
    %dma_start3A_51 = tpu.memref_slice %arg2[%dma_start3A_49, %dma_start3A_50] : memref<10240x128xf32, #tpu.memory_space<hbm>> -> memref<10240x128xf32, #tpu.memory_space<hbm>>
    tpu.enqueue_indirect_dma source(%dma_start3A_51 : memref<10240x128xf32, #tpu.memory_space<hbm>>) target(%arg10 : memref<128x128xf32, #tpu.memory_space<vmem>>) offsets(%dma_start3A_48 : memref<128xi32, #tpu.memory_space<vmem>>) semaphore(%arg12 : memref<!tpu.dma_semaphore, #tpu.memory_space<semaphore_mem>>)
    %dma_start3A_52 = arith.constant 1 : i32
    %dma_start3A_53 = arith.constant 0 : i32
    %dma_start3A_54 = tpu.memref_slice %arg7[%dma_start3A_52, %dma_start3A_53] : memref<40x128xi32, #tpu.memory_space<vmem>> -> memref<1x128xi32, #tpu.memory_space<vmem>>
    %dma_start3A_55 = tpu.memref_squeeze %dma_start3A_54 : memref<1x128xi32, #tpu.memory_space<vmem>> -> memref<128xi32, #tpu.memory_space<vmem>>
    %dma_start3A_56 = arith.constant 0 : i32
    %dma_start3A_57 = arith.constant 0 : i32
    %dma_start3A_58 = tpu.memref_slice %arg2[%dma_start3A_56, %dma_start3A_57] : memref<10240x128xf32, #tpu.memory_space<hbm>> -> memref<10240x128xf32, #tpu.memory_space<hbm>>
    tpu.enqueue_indirect_dma source(%dma_start3A_58 : memref<10240x128xf32, #tpu.memory_space<hbm>>) target(%arg11 : memref<128x128xf32, #tpu.memory_space<vmem>>) offsets(%dma_start3A_55 : memref<128xi32, #tpu.memory_space<vmem>>) semaphore(%arg13 : memref<!tpu.dma_semaphore, #tpu.memory_space<semaphore_mem>>)
    %scan3A_59 = arith.constant 0 : i32
    %scan3A_60 = arith.constant 0 : i32
    %scan3A_61 = arith.constant 19 : i32
    %scan3A_62 = arith.addi %scan3A_60, %scan3A_61 : i32
    %scan3A_63 = arith.constant 1 : i32
    scf.for %scan3A_82 = %scan3A_60 to %scan3A_62 step %scan3A_63  : i32 {
      %mul3A_83 = arith.constant 2 : i32
      %mul3A_84 = arith.muli %scan3A_82, %mul3A_83 : i32
      %add3A_85 = arith.constant 0 : i32
      %add3A_86 = arith.addi %mul3A_84, %add3A_85 : i32
      %dma_wait3A_87 = arith.constant 0 : i32
      %dma_wait3A_88 = tpu.memref_slice %arg7[%add3A_86, %dma_wait3A_87] : memref<40x128xi32, #tpu.memory_space<vmem>> -> memref<1x128xi32, #tpu.memory_space<vmem>>
      %dma_wait3A_89 = tpu.memref_squeeze %dma_wait3A_88 : memref<1x128xi32, #tpu.memory_space<vmem>> -> memref<128xi32, #tpu.memory_space<vmem>>
      %dma_wait3A_90 = arith.constant 0 : i32
      %dma_wait3A_91 = arith.constant 0 : i32
      %dma_wait3A_92 = tpu.memref_slice %arg2[%dma_wait3A_90, %dma_wait3A_91] : memref<10240x128xf32, #tpu.memory_space<hbm>> -> memref<10240x128xf32, #tpu.memory_space<hbm>>
      tpu.wait_indirect_dma semaphore(%arg12 : memref<!tpu.dma_semaphore, #tpu.memory_space<semaphore_mem>>) src(%dma_wait3A_92 : memref<10240x128xf32, #tpu.memory_space<hbm>>) dst(%arg10 : memref<128x128xf32, #tpu.memory_space<vmem>>)
      "tpu.region"() ({
        %run_scoped3A_119 = tpu.sem_alloc : memref<!tpu.dma_semaphore, #tpu.memory_space<semaphore_mem>>
        %dma_start3A_120 = arith.constant 0 : i32
        %dma_start3A_121 = tpu.memref_slice %arg8[%add3A_86, %dma_start3A_120] : memref<40x128xi32, #tpu.memory_space<vmem>> -> memref<1x128xi32, #tpu.memory_space<vmem>>
        %dma_start3A_122 = tpu.memref_squeeze %dma_start3A_121 : memref<1x128xi32, #tpu.memory_space<vmem>> -> memref<128xi32, #tpu.memory_space<vmem>>
        %dma_start3A_123 = arith.constant 0 : i32
        %dma_start3A_124 = arith.constant 0 : i32
        %dma_start3A_125 = tpu.memref_slice %arg9[%dma_start3A_123, %dma_start3A_124] : memref<10240x128xf32, #tpu.memory_space<vmem_shared>> -> memref<10240x128xf32, #tpu.memory_space<vmem_shared>>
        tpu.enqueue_indirect_dma source(%arg10 : memref<128x128xf32, #tpu.memory_space<vmem>>) target(%dma_start3A_125 : memref<10240x128xf32, #tpu.memory_space<vmem_shared>>) offsets(%dma_start3A_122 : memref<128xi32, #tpu.memory_space<vmem>>) semaphore(%run_scoped3A_119 : memref<!tpu.dma_semaphore, #tpu.memory_space<semaphore_mem>>) {add = true}
        %dma_wait3A_126 = arith.constant 0 : i32
        %dma_wait3A_127 = tpu.memref_slice %arg8[%add3A_86, %dma_wait3A_126] : memref<40x128xi32, #tpu.memory_space<vmem>> -> memref<1x128xi32, #tpu.memory_space<vmem>>
        %dma_wait3A_128 = tpu.memref_squeeze %dma_wait3A_127 : memref<1x128xi32, #tpu.memory_space<vmem>> -> memref<128xi32, #tpu.memory_space<vmem>>
        %dma_wait3A_129 = arith.constant 0 : i32
        %dma_wait3A_130 = arith.constant 0 : i32
        %dma_wait3A_131 = tpu.memref_slice %arg9[%dma_wait3A_129, %dma_wait3A_130] : memref<10240x128xf32, #tpu.memory_space<vmem_shared>> -> memref<10240x128xf32, #tpu.memory_space<vmem_shared>>
        tpu.wait_indirect_dma semaphore(%run_scoped3A_119 : memref<!tpu.dma_semaphore, #tpu.memory_space<semaphore_mem>>) src(%arg10 : memref<128x128xf32, #tpu.memory_space<vmem>>) dst(%dma_wait3A_131 : memref<10240x128xf32, #tpu.memory_space<vmem_shared>>)
        tpu.yield
      }) : () -> ()
      %add3A_93 = arith.constant 2 : i32
      %add3A_94 = arith.addi %add3A_86, %add3A_93 : i32
      %dma_start3A_95 = arith.constant 0 : i32
      %dma_start3A_96 = tpu.memref_slice %arg7[%add3A_94, %dma_start3A_95] : memref<40x128xi32, #tpu.memory_space<vmem>> -> memref<1x128xi32, #tpu.memory_space<vmem>>
      %dma_start3A_97 = tpu.memref_squeeze %dma_start3A_96 : memref<1x128xi32, #tpu.memory_space<vmem>> -> memref<128xi32, #tpu.memory_space<vmem>>
      %dma_start3A_98 = arith.constant 0 : i32
      %dma_start3A_99 = arith.constant 0 : i32
      %dma_start3A_100 = tpu.memref_slice %arg2[%dma_start3A_98, %dma_start3A_99] : memref<10240x128xf32, #tpu.memory_space<hbm>> -> memref<10240x128xf32, #tpu.memory_space<hbm>>
      tpu.enqueue_indirect_dma source(%dma_start3A_100 : memref<10240x128xf32, #tpu.memory_space<hbm>>) target(%arg10 : memref<128x128xf32, #tpu.memory_space<vmem>>) offsets(%dma_start3A_97 : memref<128xi32, #tpu.memory_space<vmem>>) semaphore(%arg12 : memref<!tpu.dma_semaphore, #tpu.memory_space<semaphore_mem>>)
      %mul3A_101 = arith.constant 2 : i32
      %mul3A_102 = arith.muli %scan3A_82, %mul3A_101 : i32
      %add3A_103 = arith.constant 1 : i32
      %add3A_104 = arith.addi %mul3A_102, %add3A_103 : i32
      %dma_wait3A_105 = arith.constant 0 : i32
      %dma_wait3A_106 = tpu.memref_slice %arg7[%add3A_104, %dma_wait3A_105] : memref<40x128xi32, #tpu.memory_space<vmem>> -> memref<1x128xi32, #tpu.memory_space<vmem>>
      %dma_wait3A_107 = tpu.memref_squeeze %dma_wait3A_106 : memref<1x128xi32, #tpu.memory_space<vmem>> -> memref<128xi32, #tpu.memory_space<vmem>>
      %dma_wait3A_108 = arith.constant 0 : i32
      %dma_wait3A_109 = arith.constant 0 : i32
      %dma_wait3A_110 = tpu.memref_slice %arg2[%dma_wait3A_108, %dma_wait3A_109] : memref<10240x128xf32, #tpu.memory_space<hbm>> -> memref<10240x128xf32, #tpu.memory_space<hbm>>
      tpu.wait_indirect_dma semaphore(%arg13 : memref<!tpu.dma_semaphore, #tpu.memory_space<semaphore_mem>>) src(%dma_wait3A_110 : memref<10240x128xf32, #tpu.memory_space<hbm>>) dst(%arg11 : memref<128x128xf32, #tpu.memory_space<vmem>>)
      "tpu.region"() ({
        %run_scoped3A_119 = tpu.sem_alloc : memref<!tpu.dma_semaphore, #tpu.memory_space<semaphore_mem>>
        %dma_start3A_120 = arith.constant 0 : i32
        %dma_start3A_121 = tpu.memref_slice %arg8[%add3A_104, %dma_start3A_120] : memref<40x128xi32, #tpu.memory_space<vmem>> -> memref<1x128xi32, #tpu.memory_space<vmem>>
        %dma_start3A_122 = tpu.memref_squeeze %dma_start3A_121 : memref<1x128xi32, #tpu.memory_space<vmem>> -> memref<128xi32, #tpu.memory_space<vmem>>
        %dma_start3A_123 = arith.constant 0 : i32
        %dma_start3A_124 = arith.constant 0 : i32
        %dma_start3A_125 = tpu.memref_slice %arg9[%dma_start3A_123, %dma_start3A_124] : memref<10240x128xf32, #tpu.memory_space<vmem_shared>> -> memref<10240x128xf32, #tpu.memory_space<vmem_shared>>
        tpu.enqueue_indirect_dma source(%arg11 : memref<128x128xf32, #tpu.memory_space<vmem>>) target(%dma_start3A_125 : memref<10240x128xf32, #tpu.memory_space<vmem_shared>>) offsets(%dma_start3A_122 : memref<128xi32, #tpu.memory_space<vmem>>) semaphore(%run_scoped3A_119 : memref<!tpu.dma_semaphore, #tpu.memory_space<semaphore_mem>>) {add = true}
        %dma_wait3A_126 = arith.constant 0 : i32
        %dma_wait3A_127 = tpu.memref_slice %arg8[%add3A_104, %dma_wait3A_126] : memref<40x128xi32, #tpu.memory_space<vmem>> -> memref<1x128xi32, #tpu.memory_space<vmem>>
        %dma_wait3A_128 = tpu.memref_squeeze %dma_wait3A_127 : memref<1x128xi32, #tpu.memory_space<vmem>> -> memref<128xi32, #tpu.memory_space<vmem>>
        %dma_wait3A_129 = arith.constant 0 : i32
        %dma_wait3A_130 = arith.constant 0 : i32
        %dma_wait3A_131 = tpu.memref_slice %arg9[%dma_wait3A_129, %dma_wait3A_130] : memref<10240x128xf32, #tpu.memory_space<vmem_shared>> -> memref<10240x128xf32, #tpu.memory_space<vmem_shared>>
        tpu.wait_indirect_dma semaphore(%run_scoped3A_119 : memref<!tpu.dma_semaphore, #tpu.memory_space<semaphore_mem>>) src(%arg11 : memref<128x128xf32, #tpu.memory_space<vmem>>) dst(%dma_wait3A_131 : memref<10240x128xf32, #tpu.memory_space<vmem_shared>>)
        tpu.yield
      }) : () -> ()
      %add3A_111 = arith.constant 2 : i32
      %add3A_112 = arith.addi %add3A_104, %add3A_111 : i32
      %dma_start3A_113 = arith.constant 0 : i32
      %dma_start3A_114 = tpu.memref_slice %arg7[%add3A_112, %dma_start3A_113] : memref<40x128xi32, #tpu.memory_space<vmem>> -> memref<1x128xi32, #tpu.memory_space<vmem>>
      %dma_start3A_115 = tpu.memref_squeeze %dma_start3A_114 : memref<1x128xi32, #tpu.memory_space<vmem>> -> memref<128xi32, #tpu.memory_space<vmem>>
      %dma_start3A_116 = arith.constant 0 : i32
      %dma_start3A_117 = arith.constant 0 : i32
      %dma_start3A_118 = tpu.memref_slice %arg2[%dma_start3A_116, %dma_start3A_117] : memref<10240x128xf32, #tpu.memory_space<hbm>> -> memref<10240x128xf32, #tpu.memory_space<hbm>>
      tpu.enqueue_indirect_dma source(%dma_start3A_118 : memref<10240x128xf32, #tpu.memory_space<hbm>>) target(%arg11 : memref<128x128xf32, #tpu.memory_space<vmem>>) offsets(%dma_start3A_115 : memref<128xi32, #tpu.memory_space<vmem>>) semaphore(%arg13 : memref<!tpu.dma_semaphore, #tpu.memory_space<semaphore_mem>>)
    }
    %scan3A_64 = arith.constant 19 : i32
    %dma_wait3A_65 = arith.constant 38 : i32
    %dma_wait3A_66 = arith.constant 0 : i32
    %dma_wait3A_67 = tpu.memref_slice %arg7[%dma_wait3A_65, %dma_wait3A_66] : memref<40x128xi32, #tpu.memory_space<vmem>> -> memref<1x128xi32, #tpu.memory_space<vmem>>
    %dma_wait3A_68 = tpu.memref_squeeze %dma_wait3A_67 : memref<1x128xi32, #tpu.memory_space<vmem>> -> memref<128xi32, #tpu.memory_space<vmem>>
    %dma_wait3A_69 = arith.constant 0 : i32
    %dma_wait3A_70 = arith.constant 0 : i32
    %dma_wait3A_71 = tpu.memref_slice %arg2[%dma_wait3A_69, %dma_wait3A_70] : memref<10240x128xf32, #tpu.memory_space<hbm>> -> memref<10240x128xf32, #tpu.memory_space<hbm>>
    tpu.wait_indirect_dma semaphore(%arg12 : memref<!tpu.dma_semaphore, #tpu.memory_space<semaphore_mem>>) src(%dma_wait3A_71 : memref<10240x128xf32, #tpu.memory_space<hbm>>) dst(%arg10 : memref<128x128xf32, #tpu.memory_space<vmem>>)
    %run_scoped3A_72 = arith.constant 38 : i32
    "tpu.region"() ({
      %run_scoped3A_82 = tpu.sem_alloc : memref<!tpu.dma_semaphore, #tpu.memory_space<semaphore_mem>>
      %dma_start3A_83 = arith.constant 0 : i32
      %dma_start3A_84 = tpu.memref_slice %arg8[%run_scoped3A_72, %dma_start3A_83] : memref<40x128xi32, #tpu.memory_space<vmem>> -> memref<1x128xi32, #tpu.memory_space<vmem>>
      %dma_start3A_85 = tpu.memref_squeeze %dma_start3A_84 : memref<1x128xi32, #tpu.memory_space<vmem>> -> memref<128xi32, #tpu.memory_space<vmem>>
      %dma_start3A_86 = arith.constant 0 : i32
      %dma_start3A_87 = arith.constant 0 : i32
      %dma_start3A_88 = tpu.memref_slice %arg9[%dma_start3A_86, %dma_start3A_87] : memref<10240x128xf32, #tpu.memory_space<vmem_shared>> -> memref<10240x128xf32, #tpu.memory_space<vmem_shared>>
      tpu.enqueue_indirect_dma source(%arg10 : memref<128x128xf32, #tpu.memory_space<vmem>>) target(%dma_start3A_88 : memref<10240x128xf32, #tpu.memory_space<vmem_shared>>) offsets(%dma_start3A_85 : memref<128xi32, #tpu.memory_space<vmem>>) semaphore(%run_scoped3A_82 : memref<!tpu.dma_semaphore, #tpu.memory_space<semaphore_mem>>) {add = true}
      %dma_wait3A_89 = arith.constant 0 : i32
      %dma_wait3A_90 = tpu.memref_slice %arg8[%run_scoped3A_72, %dma_wait3A_89] : memref<40x128xi32, #tpu.memory_space<vmem>> -> memref<1x128xi32, #tpu.memory_space<vmem>>
      %dma_wait3A_91 = tpu.memref_squeeze %dma_wait3A_90 : memref<1x128xi32, #tpu.memory_space<vmem>> -> memref<128xi32, #tpu.memory_space<vmem>>
      %dma_wait3A_92 = arith.constant 0 : i32
      %dma_wait3A_93 = arith.constant 0 : i32
      %dma_wait3A_94 = tpu.memref_slice %arg9[%dma_wait3A_92, %dma_wait3A_93] : memref<10240x128xf32, #tpu.memory_space<vmem_shared>> -> memref<10240x128xf32, #tpu.memory_space<vmem_shared>>
      tpu.wait_indirect_dma semaphore(%run_scoped3A_82 : memref<!tpu.dma_semaphore, #tpu.memory_space<semaphore_mem>>) src(%arg10 : memref<128x128xf32, #tpu.memory_space<vmem>>) dst(%dma_wait3A_94 : memref<10240x128xf32, #tpu.memory_space<vmem_shared>>)
      tpu.yield
    }) : () -> ()
    %dma_wait3A_73 = arith.constant 39 : i32
    %dma_wait3A_74 = arith.constant 0 : i32
    %dma_wait3A_75 = tpu.memref_slice %arg7[%dma_wait3A_73, %dma_wait3A_74] : memref<40x128xi32, #tpu.memory_space<vmem>> -> memref<1x128xi32, #tpu.memory_space<vmem>>
    %dma_wait3A_76 = tpu.memref_squeeze %dma_wait3A_75 : memref<1x128xi32, #tpu.memory_space<vmem>> -> memref<128xi32, #tpu.memory_space<vmem>>
    %dma_wait3A_77 = arith.constant 0 : i32
    %dma_wait3A_78 = arith.constant 0 : i32
    %dma_wait3A_79 = tpu.memref_slice %arg2[%dma_wait3A_77, %dma_wait3A_78] : memref<10240x128xf32, #tpu.memory_space<hbm>> -> memref<10240x128xf32, #tpu.memory_space<hbm>>
    tpu.wait_indirect_dma semaphore(%arg13 : memref<!tpu.dma_semaphore, #tpu.memory_space<semaphore_mem>>) src(%dma_wait3A_79 : memref<10240x128xf32, #tpu.memory_space<hbm>>) dst(%arg11 : memref<128x128xf32, #tpu.memory_space<vmem>>)
    %run_scoped3A_80 = arith.constant 39 : i32
    "tpu.region"() ({
      %run_scoped3A_82 = tpu.sem_alloc : memref<!tpu.dma_semaphore, #tpu.memory_space<semaphore_mem>>
      %dma_start3A_83 = arith.constant 0 : i32
      %dma_start3A_84 = tpu.memref_slice %arg8[%run_scoped3A_80, %dma_start3A_83] : memref<40x128xi32, #tpu.memory_space<vmem>> -> memref<1x128xi32, #tpu.memory_space<vmem>>
      %dma_start3A_85 = tpu.memref_squeeze %dma_start3A_84 : memref<1x128xi32, #tpu.memory_space<vmem>> -> memref<128xi32, #tpu.memory_space<vmem>>
      %dma_start3A_86 = arith.constant 0 : i32
      %dma_start3A_87 = arith.constant 0 : i32
      %dma_start3A_88 = tpu.memref_slice %arg9[%dma_start3A_86, %dma_start3A_87] : memref<10240x128xf32, #tpu.memory_space<vmem_shared>> -> memref<10240x128xf32, #tpu.memory_space<vmem_shared>>
      tpu.enqueue_indirect_dma source(%arg11 : memref<128x128xf32, #tpu.memory_space<vmem>>) target(%dma_start3A_88 : memref<10240x128xf32, #tpu.memory_space<vmem_shared>>) offsets(%dma_start3A_85 : memref<128xi32, #tpu.memory_space<vmem>>) semaphore(%run_scoped3A_82 : memref<!tpu.dma_semaphore, #tpu.memory_space<semaphore_mem>>) {add = true}
      %dma_wait3A_89 = arith.constant 0 : i32
      %dma_wait3A_90 = tpu.memref_slice %arg8[%run_scoped3A_80, %dma_wait3A_89] : memref<40x128xi32, #tpu.memory_space<vmem>> -> memref<1x128xi32, #tpu.memory_space<vmem>>
      %dma_wait3A_91 = tpu.memref_squeeze %dma_wait3A_90 : memref<1x128xi32, #tpu.memory_space<vmem>> -> memref<128xi32, #tpu.memory_space<vmem>>
      %dma_wait3A_92 = arith.constant 0 : i32
      %dma_wait3A_93 = arith.constant 0 : i32
      %dma_wait3A_94 = tpu.memref_slice %arg9[%dma_wait3A_92, %dma_wait3A_93] : memref<10240x128xf32, #tpu.memory_space<vmem_shared>> -> memref<10240x128xf32, #tpu.memory_space<vmem_shared>>
      tpu.wait_indirect_dma semaphore(%run_scoped3A_82 : memref<!tpu.dma_semaphore, #tpu.memory_space<semaphore_mem>>) src(%arg11 : memref<128x128xf32, #tpu.memory_space<vmem>>) dst(%dma_wait3A_94 : memref<10240x128xf32, #tpu.memory_space<vmem_shared>>)
      tpu.yield
    }) : () -> ()
    %barrier3A_81 = arith.constant 0 : index
    tpu.barrier barrier_id(%barrier3A_81)
    "tpu.region"() ({
      %run_scoped3A_82 = tpu.sem_alloc : memref<!tpu.dma_semaphore, #tpu.memory_space<semaphore_mem>>
      %dma_start3A_83 = arith.constant 0 : i32
      %dma_start3A_84 = tpu.memref_slice %arg6[%arg0, %multiple_of3A, %dma_start3A_83] : memref<2x10240x128xf32, #tpu.memory_space<hbm>> -> memref<1x640x128xf32, #tpu.memory_space<hbm>>
      %dma_start3A_85 = tpu.memref_squeeze %dma_start3A_84 : memref<1x640x128xf32, #tpu.memory_space<hbm>> -> memref<640x128xf32, #tpu.memory_space<hbm>>
      %dma_start3A_86 = arith.constant 0 : i32
      %dma_start3A_87 = tpu.memref_slice %arg9[%multiple_of3A, %dma_start3A_86] : memref<10240x128xf32, #tpu.memory_space<vmem_shared>> -> memref<640x128xf32, #tpu.memory_space<vmem_shared>>
      tpu.enqueue_dma source(%dma_start3A_87 : memref<640x128xf32, #tpu.memory_space<vmem_shared>>) target(%dma_start3A_85 : memref<640x128xf32, #tpu.memory_space<hbm>>) target_semaphore(%run_scoped3A_82 : memref<!tpu.dma_semaphore, #tpu.memory_space<semaphore_mem>>)
      %dma_wait3A_88 = arith.constant 0 : i32
      %dma_wait3A_89 = tpu.memref_slice %arg6[%arg0, %multiple_of3A, %dma_wait3A_88] : memref<2x10240x128xf32, #tpu.memory_space<hbm>> -> memref<1x640x128xf32, #tpu.memory_space<hbm>>
      %dma_wait3A_90 = tpu.memref_squeeze %dma_wait3A_89 : memref<1x640x128xf32, #tpu.memory_space<hbm>> -> memref<640x128xf32, #tpu.memory_space<hbm>>
      %dma_wait3A_91 = arith.constant 0 : i32
      %dma_wait3A_92 = tpu.memref_slice %arg9[%multiple_of3A, %dma_wait3A_91] : memref<10240x128xf32, #tpu.memory_space<vmem_shared>> -> memref<640x128xf32, #tpu.memory_space<vmem_shared>>
      tpu.wait_dma2 semaphore(%run_scoped3A_82 : memref<!tpu.dma_semaphore, #tpu.memory_space<semaphore_mem>>) src(%dma_wait3A_92 : memref<640x128xf32, #tpu.memory_space<vmem_shared>>) dst(%dma_wait3A_90 : memref<640x128xf32, #tpu.memory_space<hbm>>)
      tpu.yield
    }) : () -> ()
    return
  }
}

#map = affine_map<(d0, d1) -> (0, 0)>
#map1 = affine_map<(d0, d1) -> (0, 0, 0)>
module attributes {stable_mosaic.version = 14 : i64} {
  func.func @body(%arg0: i32, %arg1: i32, %arg2: memref<10240x128xf32, #tpu.memory_space<hbm>>, %arg3: memref<2560x128xi32, #tpu.memory_space<hbm>>, %arg4: memref<2560x128xi32, #tpu.memory_space<hbm>>, %arg5: memref<10240x128xf32, #tpu.memory_space<hbm>>, %arg6: memref<2x10240x128xf32, #tpu.memory_space<hbm>>, %arg7: memref<40x128xi32, #tpu.memory_space<vmem>>, %arg8: memref<40x128xi32, #tpu.memory_space<vmem>>, %arg9: memref<10240x128xf32, #tpu.memory_space<vmem_shared>>, %arg10: memref<128x128xf32, #tpu.memory_space<vmem>>, %arg11: memref<128x128xf32, #tpu.memory_space<vmem>>, %arg12: memref<!tpu.dma_semaphore, #tpu.memory_space<semaphore_mem>>, %arg13: memref<!tpu.dma_semaphore, #tpu.memory_space<semaphore_mem>>) attributes {dimension_semantics = [#tpu.dimension_semantics<core_parallel>, #tpu.dimension_semantics<subcore_parallel>], iteration_bounds = array<i64: 2, 16>, scalar_prefetch = 0 : i64, scratch_operands = 7 : i64, tpu.core_type = #tpu.core_type<sc_vector_subcore>, window_params = [{transform_indices = #map}, {transform_indices = #map}, {transform_indices = #map}, {transform_indices = #map}, {transform_indices = #map1}]} {
    %mul3A = arith.constant 640 : i32
    %mul3A_0 = arith.muli %arg1, %mul3A : i32
    %multiple_of3A = tpu.assume_multiple %mul3A_0, 8 : i32
    "tpu.region"() ({
      %run_scoped3A_82 = tpu.sem_alloc : memref<!tpu.dma_semaphore, #tpu.memory_space<semaphore_mem>>
      %dma_start3A_83 = arith.constant 0 : i32
      %dma_start3A_84 = tpu.memref_slice %arg9[%multiple_of3A, %dma_start3A_83] : memref<10240x128xf32, #tpu.memory_space<vmem_shared>> -> memref<640x128xf32, #tpu.memory_space<vmem_shared>>
      %dma_start3A_85 = arith.constant 0 : i32
      %dma_start3A_86 = tpu.memref_slice %arg5[%multiple_of3A, %dma_start3A_85] : memref<10240x128xf32, #tpu.memory_space<hbm>> -> memref<640x128xf32, #tpu.memory_space<hbm>>
      tpu.enqueue_dma source(%dma_start3A_86 : memref<640x128xf32, #tpu.memory_space<hbm>>) target(%dma_start3A_84 : memref<640x128xf32, #tpu.memory_space<vmem_shared>>) target_semaphore(%run_scoped3A_82 : memref<!tpu.dma_semaphore, #tpu.memory_space<semaphore_mem>>)
      %dma_wait3A_87 = arith.constant 0 : i32
      %dma_wait3A_88 = tpu.memref_slice %arg9[%multiple_of3A, %dma_wait3A_87] : memref<10240x128xf32, #tpu.memory_space<vmem_shared>> -> memref<640x128xf32, #tpu.memory_space<vmem_shared>>
      %dma_wait3A_89 = arith.constant 0 : i32
      %dma_wait3A_90 = tpu.memref_slice %arg5[%multiple_of3A, %dma_wait3A_89] : memref<10240x128xf32, #tpu.memory_space<hbm>> -> memref<640x128xf32, #tpu.memory_space<hbm>>
      tpu.wait_dma2 semaphore(%run_scoped3A_82 : memref<!tpu.dma_semaphore, #tpu.memory_space<semaphore_mem>>) src(%dma_wait3A_90 : memref<640x128xf32, #tpu.memory_space<hbm>>) dst(%dma_wait3A_88 : memref<640x128xf32, #tpu.memory_space<vmem_shared>>)
      tpu.yield
    }) : () -> ()
    %barrier3A = arith.constant 0 : index
    tpu.barrier barrier_id(%barrier3A)
    %mul3A_1 = arith.constant 2 : i32
    %mul3A_2 = arith.muli %arg1, %mul3A_1 : i32
    %add3A = arith.addi %mul3A_2, %arg0 : i32
    %mul3A_3 = arith.constant 80 : i32
    %mul3A_4 = arith.muli %add3A, %mul3A_3 : i32
    %add3A_5 = arith.constant 0 : i32
    %add3A_6 = arith.addi %mul3A_4, %add3A_5 : i32
    %multiple_of3A_7 = tpu.assume_multiple %add3A_6, 8 : i32
    "tpu.region"() ({
      %run_scoped3A_82 = tpu.sem_alloc : memref<!tpu.dma_semaphore, #tpu.memory_space<semaphore_mem>>
      %dma_start3A_83 = arith.constant 0 : i32
      %dma_start3A_84 = tpu.memref_slice %arg3[%multiple_of3A_7, %dma_start3A_83] : memref<2560x128xi32, #tpu.memory_space<hbm>> -> memref<40x128xi32, #tpu.memory_space<hbm>>
      %dma_start3A_85 = arith.constant 0 : i32
      %dma_start3A_86 = tpu.memref_slice %arg3[%multiple_of3A_7, %dma_start3A_85] : memref<2560x128xi32, #tpu.memory_space<hbm>> -> memref<40x128xi32, #tpu.memory_space<hbm>>
      tpu.enqueue_dma source(%dma_start3A_86 : memref<40x128xi32, #tpu.memory_space<hbm>>) target(%arg7 : memref<40x128xi32, #tpu.memory_space<vmem>>) target_semaphore(%run_scoped3A_82 : memref<!tpu.dma_semaphore, #tpu.memory_space<semaphore_mem>>)
      %dma_wait3A_87 = arith.constant 0 : i32
      %dma_wait3A_88 = tpu.memref_slice %arg3[%multiple_of3A_7, %dma_wait3A_87] : memref<2560x128xi32, #tpu.memory_space<hbm>> -> memref<40x128xi32, #tpu.memory_space<hbm>>
      %dma_wait3A_89 = arith.constant 0 : i32
      %dma_wait3A_90 = tpu.memref_slice %arg3[%multiple_of3A_7, %dma_wait3A_89] : memref<2560x128xi32, #tpu.memory_space<hbm>> -> memref<40x128xi32, #tpu.memory_space<hbm>>
      tpu.wait_dma2 semaphore(%run_scoped3A_82 : memref<!tpu.dma_semaphore, #tpu.memory_space<semaphore_mem>>) src(%dma_wait3A_90 : memref<40x128xi32, #tpu.memory_space<hbm>>) dst(%arg7 : memref<40x128xi32, #tpu.memory_space<vmem>>)
      tpu.yield
    }) : () -> ()
    "tpu.region"() ({
      %run_scoped3A_82 = tpu.sem_alloc : memref<!tpu.dma_semaphore, #tpu.memory_space<semaphore_mem>>
      %dma_start3A_83 = arith.constant 0 : i32
      %dma_start3A_84 = tpu.memref_slice %arg4[%multiple_of3A_7, %dma_start3A_83] : memref<2560x128xi32, #tpu.memory_space<hbm>> -> memref<40x128xi32, #tpu.memory_space<hbm>>
      %dma_start3A_85 = arith.constant 0 : i32
      %dma_start3A_86 = tpu.memref_slice %arg4[%multiple_of3A_7, %dma_start3A_85] : memref<2560x128xi32, #tpu.memory_space<hbm>> -> memref<40x128xi32, #tpu.memory_space<hbm>>
      tpu.enqueue_dma source(%dma_start3A_86 : memref<40x128xi32, #tpu.memory_space<hbm>>) target(%arg8 : memref<40x128xi32, #tpu.memory_space<vmem>>) target_semaphore(%run_scoped3A_82 : memref<!tpu.dma_semaphore, #tpu.memory_space<semaphore_mem>>)
      %dma_wait3A_87 = arith.constant 0 : i32
      %dma_wait3A_88 = tpu.memref_slice %arg4[%multiple_of3A_7, %dma_wait3A_87] : memref<2560x128xi32, #tpu.memory_space<hbm>> -> memref<40x128xi32, #tpu.memory_space<hbm>>
      %dma_wait3A_89 = arith.constant 0 : i32
      %dma_wait3A_90 = tpu.memref_slice %arg4[%multiple_of3A_7, %dma_wait3A_89] : memref<2560x128xi32, #tpu.memory_space<hbm>> -> memref<40x128xi32, #tpu.memory_space<hbm>>
      tpu.wait_dma2 semaphore(%run_scoped3A_82 : memref<!tpu.dma_semaphore, #tpu.memory_space<semaphore_mem>>) src(%dma_wait3A_90 : memref<40x128xi32, #tpu.memory_space<hbm>>) dst(%arg8 : memref<40x128xi32, #tpu.memory_space<vmem>>)
      tpu.yield
    }) : () -> ()
    %dma_start3A = arith.constant 0 : i32
    %dma_start3A_8 = arith.constant 0 : i32
    %dma_start3A_9 = tpu.memref_slice %arg7[%dma_start3A, %dma_start3A_8] : memref<40x128xi32, #tpu.memory_space<vmem>> -> memref<1x128xi32, #tpu.memory_space<vmem>>
    %dma_start3A_10 = tpu.memref_squeeze %dma_start3A_9 : memref<1x128xi32, #tpu.memory_space<vmem>> -> memref<128xi32, #tpu.memory_space<vmem>>
    %dma_start3A_11 = arith.constant 0 : i32
    %dma_start3A_12 = arith.constant 0 : i32
    %dma_start3A_13 = tpu.memref_slice %arg2[%dma_start3A_11, %dma_start3A_12] : memref<10240x128xf32, #tpu.memory_space<hbm>> -> memref<10240x128xf32, #tpu.memory_space<hbm>>
    tpu.enqueue_indirect_dma source(%dma_start3A_13 : memref<10240x128xf32, #tpu.memory_space<hbm>>) target(%arg10 : memref<128x128xf32, #tpu.memory_space<vmem>>) offsets(%dma_start3A_10 : memref<128xi32, #tpu.memory_space<vmem>>) semaphore(%arg12 : memref<!tpu.dma_semaphore, #tpu.memory_space<semaphore_mem>>)
    %dma_start3A_14 = arith.constant 1 : i32
    %dma_start3A_15 = arith.constant 0 : i32
    %dma_start3A_16 = tpu.memref_slice %arg7[%dma_start3A_14, %dma_start3A_15] : memref<40x128xi32, #tpu.memory_space<vmem>> -> memref<1x128xi32, #tpu.memory_space<vmem>>
    %dma_start3A_17 = tpu.memref_squeeze %dma_start3A_16 : memref<1x128xi32, #tpu.memory_space<vmem>> -> memref<128xi32, #tpu.memory_space<vmem>>
    %dma_start3A_18 = arith.constant 0 : i32
    %dma_start3A_19 = arith.constant 0 : i32
    %dma_start3A_20 = tpu.memref_slice %arg2[%dma_start3A_18, %dma_start3A_19] : memref<10240x128xf32, #tpu.memory_space<hbm>> -> memref<10240x128xf32, #tpu.memory_space<hbm>>
    tpu.enqueue_indirect_dma source(%dma_start3A_20 : memref<10240x128xf32, #tpu.memory_space<hbm>>) target(%arg11 : memref<128x128xf32, #tpu.memory_space<vmem>>) offsets(%dma_start3A_17 : memref<128xi32, #tpu.memory_space<vmem>>) semaphore(%arg13 : memref<!tpu.dma_semaphore, #tpu.memory_space<semaphore_mem>>)
    %scan3A = arith.constant 0 : i32
    %scan3A_21 = arith.constant 0 : i32
    %scan3A_22 = arith.constant 19 : i32
    %scan3A_23 = arith.addi %scan3A_21, %scan3A_22 : i32
    %scan3A_24 = arith.constant 1 : i32
    scf.for %scan3A_82 = %scan3A_21 to %scan3A_23 step %scan3A_24  : i32 {
      %mul3A_83 = arith.constant 2 : i32
      %mul3A_84 = arith.muli %scan3A_82, %mul3A_83 : i32
      %add3A_85 = arith.constant 0 : i32
      %add3A_86 = arith.addi %mul3A_84, %add3A_85 : i32
      %dma_wait3A_87 = arith.constant 0 : i32
      %dma_wait3A_88 = tpu.memref_slice %arg7[%add3A_86, %dma_wait3A_87] : memref<40x128xi32, #tpu.memory_space<vmem>> -> memref<1x128xi32, #tpu.memory_space<vmem>>
      %dma_wait3A_89 = tpu.memref_squeeze %dma_wait3A_88 : memref<1x128xi32, #tpu.memory_space<vmem>> -> memref<128xi32, #tpu.memory_space<vmem>>
      %dma_wait3A_90 = arith.constant 0 : i32
      %dma_wait3A_91 = arith.constant 0 : i32
      %dma_wait3A_92 = tpu.memref_slice %arg2[%dma_wait3A_90, %dma_wait3A_91] : memref<10240x128xf32, #tpu.memory_space<hbm>> -> memref<10240x128xf32, #tpu.memory_space<hbm>>
      tpu.wait_indirect_dma semaphore(%arg12 : memref<!tpu.dma_semaphore, #tpu.memory_space<semaphore_mem>>) src(%dma_wait3A_92 : memref<10240x128xf32, #tpu.memory_space<hbm>>) dst(%arg10 : memref<128x128xf32, #tpu.memory_space<vmem>>)
      "tpu.region"() ({
        %run_scoped3A_119 = tpu.sem_alloc : memref<!tpu.dma_semaphore, #tpu.memory_space<semaphore_mem>>
        %dma_start3A_120 = arith.constant 0 : i32
        %dma_start3A_121 = tpu.memref_slice %arg8[%add3A_86, %dma_start3A_120] : memref<40x128xi32, #tpu.memory_space<vmem>> -> memref<1x128xi32, #tpu.memory_space<vmem>>
        %dma_start3A_122 = tpu.memref_squeeze %dma_start3A_121 : memref<1x128xi32, #tpu.memory_space<vmem>> -> memref<128xi32, #tpu.memory_space<vmem>>
        %dma_start3A_123 = arith.constant 0 : i32
        %dma_start3A_124 = arith.constant 0 : i32
        %dma_start3A_125 = tpu.memref_slice %arg9[%dma_start3A_123, %dma_start3A_124] : memref<10240x128xf32, #tpu.memory_space<vmem_shared>> -> memref<10240x128xf32, #tpu.memory_space<vmem_shared>>
        tpu.enqueue_indirect_dma source(%arg10 : memref<128x128xf32, #tpu.memory_space<vmem>>) target(%dma_start3A_125 : memref<10240x128xf32, #tpu.memory_space<vmem_shared>>) offsets(%dma_start3A_122 : memref<128xi32, #tpu.memory_space<vmem>>) semaphore(%run_scoped3A_119 : memref<!tpu.dma_semaphore, #tpu.memory_space<semaphore_mem>>) {add = true}
        %dma_wait3A_126 = arith.constant 0 : i32
        %dma_wait3A_127 = tpu.memref_slice %arg8[%add3A_86, %dma_wait3A_126] : memref<40x128xi32, #tpu.memory_space<vmem>> -> memref<1x128xi32, #tpu.memory_space<vmem>>
        %dma_wait3A_128 = tpu.memref_squeeze %dma_wait3A_127 : memref<1x128xi32, #tpu.memory_space<vmem>> -> memref<128xi32, #tpu.memory_space<vmem>>
        %dma_wait3A_129 = arith.constant 0 : i32
        %dma_wait3A_130 = arith.constant 0 : i32
        %dma_wait3A_131 = tpu.memref_slice %arg9[%dma_wait3A_129, %dma_wait3A_130] : memref<10240x128xf32, #tpu.memory_space<vmem_shared>> -> memref<10240x128xf32, #tpu.memory_space<vmem_shared>>
        tpu.wait_indirect_dma semaphore(%run_scoped3A_119 : memref<!tpu.dma_semaphore, #tpu.memory_space<semaphore_mem>>) src(%arg10 : memref<128x128xf32, #tpu.memory_space<vmem>>) dst(%dma_wait3A_131 : memref<10240x128xf32, #tpu.memory_space<vmem_shared>>)
        tpu.yield
      }) : () -> ()
      %add3A_93 = arith.constant 2 : i32
      %add3A_94 = arith.addi %add3A_86, %add3A_93 : i32
      %dma_start3A_95 = arith.constant 0 : i32
      %dma_start3A_96 = tpu.memref_slice %arg7[%add3A_94, %dma_start3A_95] : memref<40x128xi32, #tpu.memory_space<vmem>> -> memref<1x128xi32, #tpu.memory_space<vmem>>
      %dma_start3A_97 = tpu.memref_squeeze %dma_start3A_96 : memref<1x128xi32, #tpu.memory_space<vmem>> -> memref<128xi32, #tpu.memory_space<vmem>>
      %dma_start3A_98 = arith.constant 0 : i32
      %dma_start3A_99 = arith.constant 0 : i32
      %dma_start3A_100 = tpu.memref_slice %arg2[%dma_start3A_98, %dma_start3A_99] : memref<10240x128xf32, #tpu.memory_space<hbm>> -> memref<10240x128xf32, #tpu.memory_space<hbm>>
      tpu.enqueue_indirect_dma source(%dma_start3A_100 : memref<10240x128xf32, #tpu.memory_space<hbm>>) target(%arg10 : memref<128x128xf32, #tpu.memory_space<vmem>>) offsets(%dma_start3A_97 : memref<128xi32, #tpu.memory_space<vmem>>) semaphore(%arg12 : memref<!tpu.dma_semaphore, #tpu.memory_space<semaphore_mem>>)
      %mul3A_101 = arith.constant 2 : i32
      %mul3A_102 = arith.muli %scan3A_82, %mul3A_101 : i32
      %add3A_103 = arith.constant 1 : i32
      %add3A_104 = arith.addi %mul3A_102, %add3A_103 : i32
      %dma_wait3A_105 = arith.constant 0 : i32
      %dma_wait3A_106 = tpu.memref_slice %arg7[%add3A_104, %dma_wait3A_105] : memref<40x128xi32, #tpu.memory_space<vmem>> -> memref<1x128xi32, #tpu.memory_space<vmem>>
      %dma_wait3A_107 = tpu.memref_squeeze %dma_wait3A_106 : memref<1x128xi32, #tpu.memory_space<vmem>> -> memref<128xi32, #tpu.memory_space<vmem>>
      %dma_wait3A_108 = arith.constant 0 : i32
      %dma_wait3A_109 = arith.constant 0 : i32
      %dma_wait3A_110 = tpu.memref_slice %arg2[%dma_wait3A_108, %dma_wait3A_109] : memref<10240x128xf32, #tpu.memory_space<hbm>> -> memref<10240x128xf32, #tpu.memory_space<hbm>>
      tpu.wait_indirect_dma semaphore(%arg13 : memref<!tpu.dma_semaphore, #tpu.memory_space<semaphore_mem>>) src(%dma_wait3A_110 : memref<10240x128xf32, #tpu.memory_space<hbm>>) dst(%arg11 : memref<128x128xf32, #tpu.memory_space<vmem>>)
      "tpu.region"() ({
        %run_scoped3A_119 = tpu.sem_alloc : memref<!tpu.dma_semaphore, #tpu.memory_space<semaphore_mem>>
        %dma_start3A_120 = arith.constant 0 : i32
        %dma_start3A_121 = tpu.memref_slice %arg8[%add3A_104, %dma_start3A_120] : memref<40x128xi32, #tpu.memory_space<vmem>> -> memref<1x128xi32, #tpu.memory_space<vmem>>
        %dma_start3A_122 = tpu.memref_squeeze %dma_start3A_121 : memref<1x128xi32, #tpu.memory_space<vmem>> -> memref<128xi32, #tpu.memory_space<vmem>>
        %dma_start3A_123 = arith.constant 0 : i32
        %dma_start3A_124 = arith.constant 0 : i32
        %dma_start3A_125 = tpu.memref_slice %arg9[%dma_start3A_123, %dma_start3A_124] : memref<10240x128xf32, #tpu.memory_space<vmem_shared>> -> memref<10240x128xf32, #tpu.memory_space<vmem_shared>>
        tpu.enqueue_indirect_dma source(%arg11 : memref<128x128xf32, #tpu.memory_space<vmem>>) target(%dma_start3A_125 : memref<10240x128xf32, #tpu.memory_space<vmem_shared>>) offsets(%dma_start3A_122 : memref<128xi32, #tpu.memory_space<vmem>>) semaphore(%run_scoped3A_119 : memref<!tpu.dma_semaphore, #tpu.memory_space<semaphore_mem>>) {add = true}
        %dma_wait3A_126 = arith.constant 0 : i32
        %dma_wait3A_127 = tpu.memref_slice %arg8[%add3A_104, %dma_wait3A_126] : memref<40x128xi32, #tpu.memory_space<vmem>> -> memref<1x128xi32, #tpu.memory_space<vmem>>
        %dma_wait3A_128 = tpu.memref_squeeze %dma_wait3A_127 : memref<1x128xi32, #tpu.memory_space<vmem>> -> memref<128xi32, #tpu.memory_space<vmem>>
        %dma_wait3A_129 = arith.constant 0 : i32
        %dma_wait3A_130 = arith.constant 0 : i32
        %dma_wait3A_131 = tpu.memref_slice %arg9[%dma_wait3A_129, %dma_wait3A_130] : memref<10240x128xf32, #tpu.memory_space<vmem_shared>> -> memref<10240x128xf32, #tpu.memory_space<vmem_shared>>
        tpu.wait_indirect_dma semaphore(%run_scoped3A_119 : memref<!tpu.dma_semaphore, #tpu.memory_space<semaphore_mem>>) src(%arg11 : memref<128x128xf32, #tpu.memory_space<vmem>>) dst(%dma_wait3A_131 : memref<10240x128xf32, #tpu.memory_space<vmem_shared>>)
        tpu.yield
      }) : () -> ()
      %add3A_111 = arith.constant 2 : i32
      %add3A_112 = arith.addi %add3A_104, %add3A_111 : i32
      %dma_start3A_113 = arith.constant 0 : i32
      %dma_start3A_114 = tpu.memref_slice %arg7[%add3A_112, %dma_start3A_113] : memref<40x128xi32, #tpu.memory_space<vmem>> -> memref<1x128xi32, #tpu.memory_space<vmem>>
      %dma_start3A_115 = tpu.memref_squeeze %dma_start3A_114 : memref<1x128xi32, #tpu.memory_space<vmem>> -> memref<128xi32, #tpu.memory_space<vmem>>
      %dma_start3A_116 = arith.constant 0 : i32
      %dma_start3A_117 = arith.constant 0 : i32
      %dma_start3A_118 = tpu.memref_slice %arg2[%dma_start3A_116, %dma_start3A_117] : memref<10240x128xf32, #tpu.memory_space<hbm>> -> memref<10240x128xf32, #tpu.memory_space<hbm>>
      tpu.enqueue_indirect_dma source(%dma_start3A_118 : memref<10240x128xf32, #tpu.memory_space<hbm>>) target(%arg11 : memref<128x128xf32, #tpu.memory_space<vmem>>) offsets(%dma_start3A_115 : memref<128xi32, #tpu.memory_space<vmem>>) semaphore(%arg13 : memref<!tpu.dma_semaphore, #tpu.memory_space<semaphore_mem>>)
    }
    %scan3A_25 = arith.constant 19 : i32
    %dma_wait3A = arith.constant 38 : i32
    %dma_wait3A_26 = arith.constant 0 : i32
    %dma_wait3A_27 = tpu.memref_slice %arg7[%dma_wait3A, %dma_wait3A_26] : memref<40x128xi32, #tpu.memory_space<vmem>> -> memref<1x128xi32, #tpu.memory_space<vmem>>
    %dma_wait3A_28 = tpu.memref_squeeze %dma_wait3A_27 : memref<1x128xi32, #tpu.memory_space<vmem>> -> memref<128xi32, #tpu.memory_space<vmem>>
    %dma_wait3A_29 = arith.constant 0 : i32
    %dma_wait3A_30 = arith.constant 0 : i32
    %dma_wait3A_31 = tpu.memref_slice %arg2[%dma_wait3A_29, %dma_wait3A_30] : memref<10240x128xf32, #tpu.memory_space<hbm>> -> memref<10240x128xf32, #tpu.memory_space<hbm>>
    tpu.wait_indirect_dma semaphore(%arg12 : memref<!tpu.dma_semaphore, #tpu.memory_space<semaphore_mem>>) src(%dma_wait3A_31 : memref<10240x128xf32, #tpu.memory_space<hbm>>) dst(%arg10 : memref<128x128xf32, #tpu.memory_space<vmem>>)
    %run_scoped3A = arith.constant 38 : i32
    "tpu.region"() ({
      %run_scoped3A_82 = tpu.sem_alloc : memref<!tpu.dma_semaphore, #tpu.memory_space<semaphore_mem>>
      %dma_start3A_83 = arith.constant 0 : i32
      %dma_start3A_84 = tpu.memref_slice %arg8[%run_scoped3A, %dma_start3A_83] : memref<40x128xi32, #tpu.memory_space<vmem>> -> memref<1x128xi32, #tpu.memory_space<vmem>>
      %dma_start3A_85 = tpu.memref_squeeze %dma_start3A_84 : memref<1x128xi32, #tpu.memory_space<vmem>> -> memref<128xi32, #tpu.memory_space<vmem>>
      %dma_start3A_86 = arith.constant 0 : i32
      %dma_start3A_87 = arith.constant 0 : i32
      %dma_start3A_88 = tpu.memref_slice %arg9[%dma_start3A_86, %dma_start3A_87] : memref<10240x128xf32, #tpu.memory_space<vmem_shared>> -> memref<10240x128xf32, #tpu.memory_space<vmem_shared>>
      tpu.enqueue_indirect_dma source(%arg10 : memref<128x128xf32, #tpu.memory_space<vmem>>) target(%dma_start3A_88 : memref<10240x128xf32, #tpu.memory_space<vmem_shared>>) offsets(%dma_start3A_85 : memref<128xi32, #tpu.memory_space<vmem>>) semaphore(%run_scoped3A_82 : memref<!tpu.dma_semaphore, #tpu.memory_space<semaphore_mem>>) {add = true}
      %dma_wait3A_89 = arith.constant 0 : i32
      %dma_wait3A_90 = tpu.memref_slice %arg8[%run_scoped3A, %dma_wait3A_89] : memref<40x128xi32, #tpu.memory_space<vmem>> -> memref<1x128xi32, #tpu.memory_space<vmem>>
      %dma_wait3A_91 = tpu.memref_squeeze %dma_wait3A_90 : memref<1x128xi32, #tpu.memory_space<vmem>> -> memref<128xi32, #tpu.memory_space<vmem>>
      %dma_wait3A_92 = arith.constant 0 : i32
      %dma_wait3A_93 = arith.constant 0 : i32
      %dma_wait3A_94 = tpu.memref_slice %arg9[%dma_wait3A_92, %dma_wait3A_93] : memref<10240x128xf32, #tpu.memory_space<vmem_shared>> -> memref<10240x128xf32, #tpu.memory_space<vmem_shared>>
      tpu.wait_indirect_dma semaphore(%run_scoped3A_82 : memref<!tpu.dma_semaphore, #tpu.memory_space<semaphore_mem>>) src(%arg10 : memref<128x128xf32, #tpu.memory_space<vmem>>) dst(%dma_wait3A_94 : memref<10240x128xf32, #tpu.memory_space<vmem_shared>>)
      tpu.yield
    }) : () -> ()
    %dma_wait3A_32 = arith.constant 39 : i32
    %dma_wait3A_33 = arith.constant 0 : i32
    %dma_wait3A_34 = tpu.memref_slice %arg7[%dma_wait3A_32, %dma_wait3A_33] : memref<40x128xi32, #tpu.memory_space<vmem>> -> memref<1x128xi32, #tpu.memory_space<vmem>>
    %dma_wait3A_35 = tpu.memref_squeeze %dma_wait3A_34 : memref<1x128xi32, #tpu.memory_space<vmem>> -> memref<128xi32, #tpu.memory_space<vmem>>
    %dma_wait3A_36 = arith.constant 0 : i32
    %dma_wait3A_37 = arith.constant 0 : i32
    %dma_wait3A_38 = tpu.memref_slice %arg2[%dma_wait3A_36, %dma_wait3A_37] : memref<10240x128xf32, #tpu.memory_space<hbm>> -> memref<10240x128xf32, #tpu.memory_space<hbm>>
    tpu.wait_indirect_dma semaphore(%arg13 : memref<!tpu.dma_semaphore, #tpu.memory_space<semaphore_mem>>) src(%dma_wait3A_38 : memref<10240x128xf32, #tpu.memory_space<hbm>>) dst(%arg11 : memref<128x128xf32, #tpu.memory_space<vmem>>)
    %run_scoped3A_39 = arith.constant 39 : i32
    "tpu.region"() ({
      %run_scoped3A_82 = tpu.sem_alloc : memref<!tpu.dma_semaphore, #tpu.memory_space<semaphore_mem>>
      %dma_start3A_83 = arith.constant 0 : i32
      %dma_start3A_84 = tpu.memref_slice %arg8[%run_scoped3A_39, %dma_start3A_83] : memref<40x128xi32, #tpu.memory_space<vmem>> -> memref<1x128xi32, #tpu.memory_space<vmem>>
      %dma_start3A_85 = tpu.memref_squeeze %dma_start3A_84 : memref<1x128xi32, #tpu.memory_space<vmem>> -> memref<128xi32, #tpu.memory_space<vmem>>
      %dma_start3A_86 = arith.constant 0 : i32
      %dma_start3A_87 = arith.constant 0 : i32
      %dma_start3A_88 = tpu.memref_slice %arg9[%dma_start3A_86, %dma_start3A_87] : memref<10240x128xf32, #tpu.memory_space<vmem_shared>> -> memref<10240x128xf32, #tpu.memory_space<vmem_shared>>
      tpu.enqueue_indirect_dma source(%arg11 : memref<128x128xf32, #tpu.memory_space<vmem>>) target(%dma_start3A_88 : memref<10240x128xf32, #tpu.memory_space<vmem_shared>>) offsets(%dma_start3A_85 : memref<128xi32, #tpu.memory_space<vmem>>) semaphore(%run_scoped3A_82 : memref<!tpu.dma_semaphore, #tpu.memory_space<semaphore_mem>>) {add = true}
      %dma_wait3A_89 = arith.constant 0 : i32
      %dma_wait3A_90 = tpu.memref_slice %arg8[%run_scoped3A_39, %dma_wait3A_89] : memref<40x128xi32, #tpu.memory_space<vmem>> -> memref<1x128xi32, #tpu.memory_space<vmem>>
      %dma_wait3A_91 = tpu.memref_squeeze %dma_wait3A_90 : memref<1x128xi32, #tpu.memory_space<vmem>> -> memref<128xi32, #tpu.memory_space<vmem>>
      %dma_wait3A_92 = arith.constant 0 : i32
      %dma_wait3A_93 = arith.constant 0 : i32
      %dma_wait3A_94 = tpu.memref_slice %arg9[%dma_wait3A_92, %dma_wait3A_93] : memref<10240x128xf32, #tpu.memory_space<vmem_shared>> -> memref<10240x128xf32, #tpu.memory_space<vmem_shared>>
      tpu.wait_indirect_dma semaphore(%run_scoped3A_82 : memref<!tpu.dma_semaphore, #tpu.memory_space<semaphore_mem>>) src(%arg11 : memref<128x128xf32, #tpu.memory_space<vmem>>) dst(%dma_wait3A_94 : memref<10240x128xf32, #tpu.memory_space<vmem_shared>>)
      tpu.yield
    }) : () -> ()
    %mul3A_40 = arith.constant 80 : i32
    %mul3A_41 = arith.muli %add3A, %mul3A_40 : i32
    %add3A_42 = arith.constant 40 : i32
    %add3A_43 = arith.addi %mul3A_41, %add3A_42 : i32
    %multiple_of3A_44 = tpu.assume_multiple %add3A_43, 8 : i32
    "tpu.region"() ({
      %run_scoped3A_82 = tpu.sem_alloc : memref<!tpu.dma_semaphore, #tpu.memory_space<semaphore_mem>>
      %dma_start3A_83 = arith.constant 0 : i32
      %dma_start3A_84 = tpu.memref_slice %arg3[%multiple_of3A_44, %dma_start3A_83] : memref<2560x128xi32, #tpu.memory_space<hbm>> -> memref<40x128xi32, #tpu.memory_space<hbm>>
      %dma_start3A_85 = arith.constant 0 : i32
      %dma_start3A_86 = tpu.memref_slice %arg3[%multiple_of3A_44, %dma_start3A_85] : memref<2560x128xi32, #tpu.memory_space<hbm>> -> memref<40x128xi32, #tpu.memory_space<hbm>>
      tpu.enqueue_dma source(%dma_start3A_86 : memref<40x128xi32, #tpu.memory_space<hbm>>) target(%arg7 : memref<40x128xi32, #tpu.memory_space<vmem>>) target_semaphore(%run_scoped3A_82 : memref<!tpu.dma_semaphore, #tpu.memory_space<semaphore_mem>>)
      %dma_wait3A_87 = arith.constant 0 : i32
      %dma_wait3A_88 = tpu.memref_slice %arg3[%multiple_of3A_44, %dma_wait3A_87] : memref<2560x128xi32, #tpu.memory_space<hbm>> -> memref<40x128xi32, #tpu.memory_space<hbm>>
      %dma_wait3A_89 = arith.constant 0 : i32
      %dma_wait3A_90 = tpu.memref_slice %arg3[%multiple_of3A_44, %dma_wait3A_89] : memref<2560x128xi32, #tpu.memory_space<hbm>> -> memref<40x128xi32, #tpu.memory_space<hbm>>
      tpu.wait_dma2 semaphore(%run_scoped3A_82 : memref<!tpu.dma_semaphore, #tpu.memory_space<semaphore_mem>>) src(%dma_wait3A_90 : memref<40x128xi32, #tpu.memory_space<hbm>>) dst(%arg7 : memref<40x128xi32, #tpu.memory_space<vmem>>)
      tpu.yield
    }) : () -> ()
    "tpu.region"() ({
      %run_scoped3A_82 = tpu.sem_alloc : memref<!tpu.dma_semaphore, #tpu.memory_space<semaphore_mem>>
      %dma_start3A_83 = arith.constant 0 : i32
      %dma_start3A_84 = tpu.memref_slice %arg4[%multiple_of3A_44, %dma_start3A_83] : memref<2560x128xi32, #tpu.memory_space<hbm>> -> memref<40x128xi32, #tpu.memory_space<hbm>>
      %dma_start3A_85 = arith.constant 0 : i32
      %dma_start3A_86 = tpu.memref_slice %arg4[%multiple_of3A_44, %dma_start3A_85] : memref<2560x128xi32, #tpu.memory_space<hbm>> -> memref<40x128xi32, #tpu.memory_space<hbm>>
      tpu.enqueue_dma source(%dma_start3A_86 : memref<40x128xi32, #tpu.memory_space<hbm>>) target(%arg8 : memref<40x128xi32, #tpu.memory_space<vmem>>) target_semaphore(%run_scoped3A_82 : memref<!tpu.dma_semaphore, #tpu.memory_space<semaphore_mem>>)
      %dma_wait3A_87 = arith.constant 0 : i32
      %dma_wait3A_88 = tpu.memref_slice %arg4[%multiple_of3A_44, %dma_wait3A_87] : memref<2560x128xi32, #tpu.memory_space<hbm>> -> memref<40x128xi32, #tpu.memory_space<hbm>>
      %dma_wait3A_89 = arith.constant 0 : i32
      %dma_wait3A_90 = tpu.memref_slice %arg4[%multiple_of3A_44, %dma_wait3A_89] : memref<2560x128xi32, #tpu.memory_space<hbm>> -> memref<40x128xi32, #tpu.memory_space<hbm>>
      tpu.wait_dma2 semaphore(%run_scoped3A_82 : memref<!tpu.dma_semaphore, #tpu.memory_space<semaphore_mem>>) src(%dma_wait3A_90 : memref<40x128xi32, #tpu.memory_space<hbm>>) dst(%arg8 : memref<40x128xi32, #tpu.memory_space<vmem>>)
      tpu.yield
    }) : () -> ()
    %dma_start3A_45 = arith.constant 0 : i32
    %dma_start3A_46 = arith.constant 0 : i32
    %dma_start3A_47 = tpu.memref_slice %arg7[%dma_start3A_45, %dma_start3A_46] : memref<40x128xi32, #tpu.memory_space<vmem>> -> memref<1x128xi32, #tpu.memory_space<vmem>>
    %dma_start3A_48 = tpu.memref_squeeze %dma_start3A_47 : memref<1x128xi32, #tpu.memory_space<vmem>> -> memref<128xi32, #tpu.memory_space<vmem>>
    %dma_start3A_49 = arith.constant 0 : i32
    %dma_start3A_50 = arith.constant 0 : i32
    %dma_start3A_51 = tpu.memref_slice %arg2[%dma_start3A_49, %dma_start3A_50] : memref<10240x128xf32, #tpu.memory_space<hbm>> -> memref<10240x128xf32, #tpu.memory_space<hbm>>
    tpu.enqueue_indirect_dma source(%dma_start3A_51 : memref<10240x128xf32, #tpu.memory_space<hbm>>) target(%arg10 : memref<128x128xf32, #tpu.memory_space<vmem>>) offsets(%dma_start3A_48 : memref<128xi32, #tpu.memory_space<vmem>>) semaphore(%arg12 : memref<!tpu.dma_semaphore, #tpu.memory_space<semaphore_mem>>)
    %dma_start3A_52 = arith.constant 1 : i32
    %dma_start3A_53 = arith.constant 0 : i32
    %dma_start3A_54 = tpu.memref_slice %arg7[%dma_start3A_52, %dma_start3A_53] : memref<40x128xi32, #tpu.memory_space<vmem>> -> memref<1x128xi32, #tpu.memory_space<vmem>>
    %dma_start3A_55 = tpu.memref_squeeze %dma_start3A_54 : memref<1x128xi32, #tpu.memory_space<vmem>> -> memref<128xi32, #tpu.memory_space<vmem>>
    %dma_start3A_56 = arith.constant 0 : i32
    %dma_start3A_57 = arith.constant 0 : i32
    %dma_start3A_58 = tpu.memref_slice %arg2[%dma_start3A_56, %dma_start3A_57] : memref<10240x128xf32, #tpu.memory_space<hbm>> -> memref<10240x128xf32, #tpu.memory_space<hbm>>
    tpu.enqueue_indirect_dma source(%dma_start3A_58 : memref<10240x128xf32, #tpu.memory_space<hbm>>) target(%arg11 : memref<128x128xf32, #tpu.memory_space<vmem>>) offsets(%dma_start3A_55 : memref<128xi32, #tpu.memory_space<vmem>>) semaphore(%arg13 : memref<!tpu.dma_semaphore, #tpu.memory_space<semaphore_mem>>)
    %scan3A_59 = arith.constant 0 : i32
    %scan3A_60 = arith.constant 0 : i32
    %scan3A_61 = arith.constant 19 : i32
    %scan3A_62 = arith.addi %scan3A_60, %scan3A_61 : i32
    %scan3A_63 = arith.constant 1 : i32
    scf.for %scan3A_82 = %scan3A_60 to %scan3A_62 step %scan3A_63  : i32 {
      %mul3A_83 = arith.constant 2 : i32
      %mul3A_84 = arith.muli %scan3A_82, %mul3A_83 : i32
      %add3A_85 = arith.constant 0 : i32
      %add3A_86 = arith.addi %mul3A_84, %add3A_85 : i32
      %dma_wait3A_87 = arith.constant 0 : i32
      %dma_wait3A_88 = tpu.memref_slice %arg7[%add3A_86, %dma_wait3A_87] : memref<40x128xi32, #tpu.memory_space<vmem>> -> memref<1x128xi32, #tpu.memory_space<vmem>>
      %dma_wait3A_89 = tpu.memref_squeeze %dma_wait3A_88 : memref<1x128xi32, #tpu.memory_space<vmem>> -> memref<128xi32, #tpu.memory_space<vmem>>
      %dma_wait3A_90 = arith.constant 0 : i32
      %dma_wait3A_91 = arith.constant 0 : i32
      %dma_wait3A_92 = tpu.memref_slice %arg2[%dma_wait3A_90, %dma_wait3A_91] : memref<10240x128xf32, #tpu.memory_space<hbm>> -> memref<10240x128xf32, #tpu.memory_space<hbm>>
      tpu.wait_indirect_dma semaphore(%arg12 : memref<!tpu.dma_semaphore, #tpu.memory_space<semaphore_mem>>) src(%dma_wait3A_92 : memref<10240x128xf32, #tpu.memory_space<hbm>>) dst(%arg10 : memref<128x128xf32, #tpu.memory_space<vmem>>)
      "tpu.region"() ({
        %run_scoped3A_119 = tpu.sem_alloc : memref<!tpu.dma_semaphore, #tpu.memory_space<semaphore_mem>>
        %dma_start3A_120 = arith.constant 0 : i32
        %dma_start3A_121 = tpu.memref_slice %arg8[%add3A_86, %dma_start3A_120] : memref<40x128xi32, #tpu.memory_space<vmem>> -> memref<1x128xi32, #tpu.memory_space<vmem>>
        %dma_start3A_122 = tpu.memref_squeeze %dma_start3A_121 : memref<1x128xi32, #tpu.memory_space<vmem>> -> memref<128xi32, #tpu.memory_space<vmem>>
        %dma_start3A_123 = arith.constant 0 : i32
        %dma_start3A_124 = arith.constant 0 : i32
        %dma_start3A_125 = tpu.memref_slice %arg9[%dma_start3A_123, %dma_start3A_124] : memref<10240x128xf32, #tpu.memory_space<vmem_shared>> -> memref<10240x128xf32, #tpu.memory_space<vmem_shared>>
        tpu.enqueue_indirect_dma source(%arg10 : memref<128x128xf32, #tpu.memory_space<vmem>>) target(%dma_start3A_125 : memref<10240x128xf32, #tpu.memory_space<vmem_shared>>) offsets(%dma_start3A_122 : memref<128xi32, #tpu.memory_space<vmem>>) semaphore(%run_scoped3A_119 : memref<!tpu.dma_semaphore, #tpu.memory_space<semaphore_mem>>) {add = true}
        %dma_wait3A_126 = arith.constant 0 : i32
        %dma_wait3A_127 = tpu.memref_slice %arg8[%add3A_86, %dma_wait3A_126] : memref<40x128xi32, #tpu.memory_space<vmem>> -> memref<1x128xi32, #tpu.memory_space<vmem>>
        %dma_wait3A_128 = tpu.memref_squeeze %dma_wait3A_127 : memref<1x128xi32, #tpu.memory_space<vmem>> -> memref<128xi32, #tpu.memory_space<vmem>>
        %dma_wait3A_129 = arith.constant 0 : i32
        %dma_wait3A_130 = arith.constant 0 : i32
        %dma_wait3A_131 = tpu.memref_slice %arg9[%dma_wait3A_129, %dma_wait3A_130] : memref<10240x128xf32, #tpu.memory_space<vmem_shared>> -> memref<10240x128xf32, #tpu.memory_space<vmem_shared>>
        tpu.wait_indirect_dma semaphore(%run_scoped3A_119 : memref<!tpu.dma_semaphore, #tpu.memory_space<semaphore_mem>>) src(%arg10 : memref<128x128xf32, #tpu.memory_space<vmem>>) dst(%dma_wait3A_131 : memref<10240x128xf32, #tpu.memory_space<vmem_shared>>)
        tpu.yield
      }) : () -> ()
      %add3A_93 = arith.constant 2 : i32
      %add3A_94 = arith.addi %add3A_86, %add3A_93 : i32
      %dma_start3A_95 = arith.constant 0 : i32
      %dma_start3A_96 = tpu.memref_slice %arg7[%add3A_94, %dma_start3A_95] : memref<40x128xi32, #tpu.memory_space<vmem>> -> memref<1x128xi32, #tpu.memory_space<vmem>>
      %dma_start3A_97 = tpu.memref_squeeze %dma_start3A_96 : memref<1x128xi32, #tpu.memory_space<vmem>> -> memref<128xi32, #tpu.memory_space<vmem>>
      %dma_start3A_98 = arith.constant 0 : i32
      %dma_start3A_99 = arith.constant 0 : i32
      %dma_start3A_100 = tpu.memref_slice %arg2[%dma_start3A_98, %dma_start3A_99] : memref<10240x128xf32, #tpu.memory_space<hbm>> -> memref<10240x128xf32, #tpu.memory_space<hbm>>
      tpu.enqueue_indirect_dma source(%dma_start3A_100 : memref<10240x128xf32, #tpu.memory_space<hbm>>) target(%arg10 : memref<128x128xf32, #tpu.memory_space<vmem>>) offsets(%dma_start3A_97 : memref<128xi32, #tpu.memory_space<vmem>>) semaphore(%arg12 : memref<!tpu.dma_semaphore, #tpu.memory_space<semaphore_mem>>)
      %mul3A_101 = arith.constant 2 : i32
      %mul3A_102 = arith.muli %scan3A_82, %mul3A_101 : i32
      %add3A_103 = arith.constant 1 : i32
      %add3A_104 = arith.addi %mul3A_102, %add3A_103 : i32
      %dma_wait3A_105 = arith.constant 0 : i32
      %dma_wait3A_106 = tpu.memref_slice %arg7[%add3A_104, %dma_wait3A_105] : memref<40x128xi32, #tpu.memory_space<vmem>> -> memref<1x128xi32, #tpu.memory_space<vmem>>
      %dma_wait3A_107 = tpu.memref_squeeze %dma_wait3A_106 : memref<1x128xi32, #tpu.memory_space<vmem>> -> memref<128xi32, #tpu.memory_space<vmem>>
      %dma_wait3A_108 = arith.constant 0 : i32
      %dma_wait3A_109 = arith.constant 0 : i32
      %dma_wait3A_110 = tpu.memref_slice %arg2[%dma_wait3A_108, %dma_wait3A_109] : memref<10240x128xf32, #tpu.memory_space<hbm>> -> memref<10240x128xf32, #tpu.memory_space<hbm>>
      tpu.wait_indirect_dma semaphore(%arg13 : memref<!tpu.dma_semaphore, #tpu.memory_space<semaphore_mem>>) src(%dma_wait3A_110 : memref<10240x128xf32, #tpu.memory_space<hbm>>) dst(%arg11 : memref<128x128xf32, #tpu.memory_space<vmem>>)
      "tpu.region"() ({
        %run_scoped3A_119 = tpu.sem_alloc : memref<!tpu.dma_semaphore, #tpu.memory_space<semaphore_mem>>
        %dma_start3A_120 = arith.constant 0 : i32
        %dma_start3A_121 = tpu.memref_slice %arg8[%add3A_104, %dma_start3A_120] : memref<40x128xi32, #tpu.memory_space<vmem>> -> memref<1x128xi32, #tpu.memory_space<vmem>>
        %dma_start3A_122 = tpu.memref_squeeze %dma_start3A_121 : memref<1x128xi32, #tpu.memory_space<vmem>> -> memref<128xi32, #tpu.memory_space<vmem>>
        %dma_start3A_123 = arith.constant 0 : i32
        %dma_start3A_124 = arith.constant 0 : i32
        %dma_start3A_125 = tpu.memref_slice %arg9[%dma_start3A_123, %dma_start3A_124] : memref<10240x128xf32, #tpu.memory_space<vmem_shared>> -> memref<10240x128xf32, #tpu.memory_space<vmem_shared>>
        tpu.enqueue_indirect_dma source(%arg11 : memref<128x128xf32, #tpu.memory_space<vmem>>) target(%dma_start3A_125 : memref<10240x128xf32, #tpu.memory_space<vmem_shared>>) offsets(%dma_start3A_122 : memref<128xi32, #tpu.memory_space<vmem>>) semaphore(%run_scoped3A_119 : memref<!tpu.dma_semaphore, #tpu.memory_space<semaphore_mem>>) {add = true}
        %dma_wait3A_126 = arith.constant 0 : i32
        %dma_wait3A_127 = tpu.memref_slice %arg8[%add3A_104, %dma_wait3A_126] : memref<40x128xi32, #tpu.memory_space<vmem>> -> memref<1x128xi32, #tpu.memory_space<vmem>>
        %dma_wait3A_128 = tpu.memref_squeeze %dma_wait3A_127 : memref<1x128xi32, #tpu.memory_space<vmem>> -> memref<128xi32, #tpu.memory_space<vmem>>
        %dma_wait3A_129 = arith.constant 0 : i32
        %dma_wait3A_130 = arith.constant 0 : i32
        %dma_wait3A_131 = tpu.memref_slice %arg9[%dma_wait3A_129, %dma_wait3A_130] : memref<10240x128xf32, #tpu.memory_space<vmem_shared>> -> memref<10240x128xf32, #tpu.memory_space<vmem_shared>>
        tpu.wait_indirect_dma semaphore(%run_scoped3A_119 : memref<!tpu.dma_semaphore, #tpu.memory_space<semaphore_mem>>) src(%arg11 : memref<128x128xf32, #tpu.memory_space<vmem>>) dst(%dma_wait3A_131 : memref<10240x128xf32, #tpu.memory_space<vmem_shared>>)
        tpu.yield
      }) : () -> ()
      %add3A_111 = arith.constant 2 : i32
      %add3A_112 = arith.addi %add3A_104, %add3A_111 : i32
      %dma_start3A_113 = arith.constant 0 : i32
      %dma_start3A_114 = tpu.memref_slice %arg7[%add3A_112, %dma_start3A_113] : memref<40x128xi32, #tpu.memory_space<vmem>> -> memref<1x128xi32, #tpu.memory_space<vmem>>
      %dma_start3A_115 = tpu.memref_squeeze %dma_start3A_114 : memref<1x128xi32, #tpu.memory_space<vmem>> -> memref<128xi32, #tpu.memory_space<vmem>>
      %dma_start3A_116 = arith.constant 0 : i32
      %dma_start3A_117 = arith.constant 0 : i32
      %dma_start3A_118 = tpu.memref_slice %arg2[%dma_start3A_116, %dma_start3A_117] : memref<10240x128xf32, #tpu.memory_space<hbm>> -> memref<10240x128xf32, #tpu.memory_space<hbm>>
      tpu.enqueue_indirect_dma source(%dma_start3A_118 : memref<10240x128xf32, #tpu.memory_space<hbm>>) target(%arg11 : memref<128x128xf32, #tpu.memory_space<vmem>>) offsets(%dma_start3A_115 : memref<128xi32, #tpu.memory_space<vmem>>) semaphore(%arg13 : memref<!tpu.dma_semaphore, #tpu.memory_space<semaphore_mem>>)
    }
    %scan3A_64 = arith.constant 19 : i32
    %dma_wait3A_65 = arith.constant 38 : i32
    %dma_wait3A_66 = arith.constant 0 : i32
    %dma_wait3A_67 = tpu.memref_slice %arg7[%dma_wait3A_65, %dma_wait3A_66] : memref<40x128xi32, #tpu.memory_space<vmem>> -> memref<1x128xi32, #tpu.memory_space<vmem>>
    %dma_wait3A_68 = tpu.memref_squeeze %dma_wait3A_67 : memref<1x128xi32, #tpu.memory_space<vmem>> -> memref<128xi32, #tpu.memory_space<vmem>>
    %dma_wait3A_69 = arith.constant 0 : i32
    %dma_wait3A_70 = arith.constant 0 : i32
    %dma_wait3A_71 = tpu.memref_slice %arg2[%dma_wait3A_69, %dma_wait3A_70] : memref<10240x128xf32, #tpu.memory_space<hbm>> -> memref<10240x128xf32, #tpu.memory_space<hbm>>
    tpu.wait_indirect_dma semaphore(%arg12 : memref<!tpu.dma_semaphore, #tpu.memory_space<semaphore_mem>>) src(%dma_wait3A_71 : memref<10240x128xf32, #tpu.memory_space<hbm>>) dst(%arg10 : memref<128x128xf32, #tpu.memory_space<vmem>>)
    %run_scoped3A_72 = arith.constant 38 : i32
    "tpu.region"() ({
      %run_scoped3A_82 = tpu.sem_alloc : memref<!tpu.dma_semaphore, #tpu.memory_space<semaphore_mem>>
      %dma_start3A_83 = arith.constant 0 : i32
      %dma_start3A_84 = tpu.memref_slice %arg8[%run_scoped3A_72, %dma_start3A_83] : memref<40x128xi32, #tpu.memory_space<vmem>> -> memref<1x128xi32, #tpu.memory_space<vmem>>
      %dma_start3A_85 = tpu.memref_squeeze %dma_start3A_84 : memref<1x128xi32, #tpu.memory_space<vmem>> -> memref<128xi32, #tpu.memory_space<vmem>>
      %dma_start3A_86 = arith.constant 0 : i32
      %dma_start3A_87 = arith.constant 0 : i32
      %dma_start3A_88 = tpu.memref_slice %arg9[%dma_start3A_86, %dma_start3A_87] : memref<10240x128xf32, #tpu.memory_space<vmem_shared>> -> memref<10240x128xf32, #tpu.memory_space<vmem_shared>>
      tpu.enqueue_indirect_dma source(%arg10 : memref<128x128xf32, #tpu.memory_space<vmem>>) target(%dma_start3A_88 : memref<10240x128xf32, #tpu.memory_space<vmem_shared>>) offsets(%dma_start3A_85 : memref<128xi32, #tpu.memory_space<vmem>>) semaphore(%run_scoped3A_82 : memref<!tpu.dma_semaphore, #tpu.memory_space<semaphore_mem>>) {add = true}
      %dma_wait3A_89 = arith.constant 0 : i32
      %dma_wait3A_90 = tpu.memref_slice %arg8[%run_scoped3A_72, %dma_wait3A_89] : memref<40x128xi32, #tpu.memory_space<vmem>> -> memref<1x128xi32, #tpu.memory_space<vmem>>
      %dma_wait3A_91 = tpu.memref_squeeze %dma_wait3A_90 : memref<1x128xi32, #tpu.memory_space<vmem>> -> memref<128xi32, #tpu.memory_space<vmem>>
      %dma_wait3A_92 = arith.constant 0 : i32
      %dma_wait3A_93 = arith.constant 0 : i32
      %dma_wait3A_94 = tpu.memref_slice %arg9[%dma_wait3A_92, %dma_wait3A_93] : memref<10240x128xf32, #tpu.memory_space<vmem_shared>> -> memref<10240x128xf32, #tpu.memory_space<vmem_shared>>
      tpu.wait_indirect_dma semaphore(%run_scoped3A_82 : memref<!tpu.dma_semaphore, #tpu.memory_space<semaphore_mem>>) src(%arg10 : memref<128x128xf32, #tpu.memory_space<vmem>>) dst(%dma_wait3A_94 : memref<10240x128xf32, #tpu.memory_space<vmem_shared>>)
      tpu.yield
    }) : () -> ()
    %dma_wait3A_73 = arith.constant 39 : i32
    %dma_wait3A_74 = arith.constant 0 : i32
    %dma_wait3A_75 = tpu.memref_slice %arg7[%dma_wait3A_73, %dma_wait3A_74] : memref<40x128xi32, #tpu.memory_space<vmem>> -> memref<1x128xi32, #tpu.memory_space<vmem>>
    %dma_wait3A_76 = tpu.memref_squeeze %dma_wait3A_75 : memref<1x128xi32, #tpu.memory_space<vmem>> -> memref<128xi32, #tpu.memory_space<vmem>>
    %dma_wait3A_77 = arith.constant 0 : i32
    %dma_wait3A_78 = arith.constant 0 : i32
    %dma_wait3A_79 = tpu.memref_slice %arg2[%dma_wait3A_77, %dma_wait3A_78] : memref<10240x128xf32, #tpu.memory_space<hbm>> -> memref<10240x128xf32, #tpu.memory_space<hbm>>
    tpu.wait_indirect_dma semaphore(%arg13 : memref<!tpu.dma_semaphore, #tpu.memory_space<semaphore_mem>>) src(%dma_wait3A_79 : memref<10240x128xf32, #tpu.memory_space<hbm>>) dst(%arg11 : memref<128x128xf32, #tpu.memory_space<vmem>>)
    %run_scoped3A_80 = arith.constant 39 : i32
    "tpu.region"() ({
      %run_scoped3A_82 = tpu.sem_alloc : memref<!tpu.dma_semaphore, #tpu.memory_space<semaphore_mem>>
      %dma_start3A_83 = arith.constant 0 : i32
      %dma_start3A_84 = tpu.memref_slice %arg8[%run_scoped3A_80, %dma_start3A_83] : memref<40x128xi32, #tpu.memory_space<vmem>> -> memref<1x128xi32, #tpu.memory_space<vmem>>
      %dma_start3A_85 = tpu.memref_squeeze %dma_start3A_84 : memref<1x128xi32, #tpu.memory_space<vmem>> -> memref<128xi32, #tpu.memory_space<vmem>>
      %dma_start3A_86 = arith.constant 0 : i32
      %dma_start3A_87 = arith.constant 0 : i32
      %dma_start3A_88 = tpu.memref_slice %arg9[%dma_start3A_86, %dma_start3A_87] : memref<10240x128xf32, #tpu.memory_space<vmem_shared>> -> memref<10240x128xf32, #tpu.memory_space<vmem_shared>>
      tpu.enqueue_indirect_dma source(%arg11 : memref<128x128xf32, #tpu.memory_space<vmem>>) target(%dma_start3A_88 : memref<10240x128xf32, #tpu.memory_space<vmem_shared>>) offsets(%dma_start3A_85 : memref<128xi32, #tpu.memory_space<vmem>>) semaphore(%run_scoped3A_82 : memref<!tpu.dma_semaphore, #tpu.memory_space<semaphore_mem>>) {add = true}
      %dma_wait3A_89 = arith.constant 0 : i32
      %dma_wait3A_90 = tpu.memref_slice %arg8[%run_scoped3A_80, %dma_wait3A_89] : memref<40x128xi32, #tpu.memory_space<vmem>> -> memref<1x128xi32, #tpu.memory_space<vmem>>
      %dma_wait3A_91 = tpu.memref_squeeze %dma_wait3A_90 : memref<1x128xi32, #tpu.memory_space<vmem>> -> memref<128xi32, #tpu.memory_space<vmem>>
      %dma_wait3A_92 = arith.constant 0 : i32
      %dma_wait3A_93 = arith.constant 0 : i32
      %dma_wait3A_94 = tpu.memref_slice %arg9[%dma_wait3A_92, %dma_wait3A_93] : memref<10240x128xf32, #tpu.memory_space<vmem_shared>> -> memref<10240x128xf32, #tpu.memory_space<vmem_shared>>
      tpu.wait_indirect_dma semaphore(%run_scoped3A_82 : memref<!tpu.dma_semaphore, #tpu.memory_space<semaphore_mem>>) src(%arg11 : memref<128x128xf32, #tpu.memory_space<vmem>>) dst(%dma_wait3A_94 : memref<10240x128xf32, #tpu.memory_space<vmem_shared>>)
      tpu.yield
    }) : () -> ()
    %barrier3A_81 = arith.constant 0 : index
    tpu.barrier barrier_id(%barrier3A_81)
    "tpu.region"() ({
      %run_scoped3A_82 = tpu.sem_alloc : memref<!tpu.dma_semaphore, #tpu.memory_space<semaphore_mem>>
      %dma_start3A_83 = arith.constant 0 : i32
      %dma_start3A_84 = tpu.memref_slice %arg6[%arg0, %multiple_of3A, %dma_start3A_83] : memref<2x10240x128xf32, #tpu.memory_space<hbm>> -> memref<1x640x128xf32, #tpu.memory_space<hbm>>
      %dma_start3A_85 = tpu.memref_squeeze %dma_start3A_84 : memref<1x640x128xf32, #tpu.memory_space<hbm>> -> memref<640x128xf32, #tpu.memory_space<hbm>>
      %dma_start3A_86 = arith.constant 0 : i32
      %dma_start3A_87 = tpu.memref_slice %arg9[%multiple_of3A, %dma_start3A_86] : memref<10240x128xf32, #tpu.memory_space<vmem_shared>> -> memref<640x128xf32, #tpu.memory_space<vmem_shared>>
      tpu.enqueue_dma source(%dma_start3A_87 : memref<640x128xf32, #tpu.memory_space<vmem_shared>>) target(%dma_start3A_85 : memref<640x128xf32, #tpu.memory_space<hbm>>) target_semaphore(%run_scoped3A_82 : memref<!tpu.dma_semaphore, #tpu.memory_space<semaphore_mem>>)
      %dma_wait3A_88 = arith.constant 0 : i32
      %dma_wait3A_89 = tpu.memref_slice %arg6[%arg0, %multiple_of3A, %dma_wait3A_88] : memref<2x10240x128xf32, #tpu.memory_space<hbm>> -> memref<1x640x128xf32, #tpu.memory_space<hbm>>
      %dma_wait3A_90 = tpu.memref_squeeze %dma_wait3A_89 : memref<1x640x128xf32, #tpu.memory_space<hbm>> -> memref<640x128xf32, #tpu.memory_space<hbm>>
      %dma_wait3A_91 = arith.constant 0 : i32
      %dma_wait3A_92 = tpu.memref_slice %arg9[%multiple_of3A, %dma_wait3A_91] : memref<10240x128xf32, #tpu.memory_space<vmem_shared>> -> memref<640x128xf32, #tpu.memory_space<vmem_shared>>
      tpu.wait_dma2 semaphore(%run_scoped3A_82 : memref<!tpu.dma_semaphore, #tpu.memory_space<semaphore_mem>>) src(%dma_wait3A_92 : memref<640x128xf32, #tpu.memory_space<vmem_shared>>) dst(%dma_wait3A_90 : memref<640x128xf32, #tpu.memory_space<hbm>>)
      tpu.yield
    }) : () -> ()
    return
  }
}

#map = affine_map<(d0, d1) -> (0, 0)>
#map1 = affine_map<(d0, d1) -> (0)>
#map2 = affine_map<(d0, d1) -> (0, 0, 0)>
module attributes {stable_mosaic.version = 14 : i64} {
  func.func @body(%arg0: i32, %arg1: i32, %arg2: memref<10240x128xf32, #tpu.memory_space<hbm>>, %arg3: memref<2560x128xi32, #tpu.memory_space<hbm>>, %arg4: memref<2560x128xi32, #tpu.memory_space<hbm>>, %arg5: memref<10240x128xf32, #tpu.memory_space<hbm>>, %arg6: memref<10240xf32, #tpu.memory_space<hbm>>, %arg7: memref<2x10240x128xf32, #tpu.memory_space<hbm>>, %arg8: memref<2x10240xf32, #tpu.memory_space<hbm>>, %arg9: memref<40x128xi32, #tpu.memory_space<vmem>>, %arg10: memref<40x128xi32, #tpu.memory_space<vmem>>, %arg11: memref<10240x128xf32, #tpu.memory_space<vmem_shared>>, %arg12: memref<128x128xf32, #tpu.memory_space<vmem>>, %arg13: memref<128x128xf32, #tpu.memory_space<vmem>>, %arg14: memref<!tpu.dma_semaphore, #tpu.memory_space<semaphore_mem>>, %arg15: memref<!tpu.dma_semaphore, #tpu.memory_space<semaphore_mem>>, %arg16: memref<128xf32, #tpu.memory_space<vmem>>, %arg17: memref<10240xf32, #tpu.memory_space<vmem_shared>>) attributes {dimension_semantics = [#tpu.dimension_semantics<core_parallel>, #tpu.dimension_semantics<subcore_parallel>], iteration_bounds = array<i64: 2, 16>, scalar_prefetch = 0 : i64, scratch_operands = 9 : i64, tpu.core_type = #tpu.core_type<sc_vector_subcore>, window_params = [{transform_indices = #map}, {transform_indices = #map}, {transform_indices = #map}, {transform_indices = #map}, {transform_indices = #map1}, {transform_indices = #map2}, {transform_indices = #map}]} {
    %mul3A = arith.constant 640 : i32
    %mul3A_0 = arith.muli %arg1, %mul3A : i32
    %multiple_of3A = tpu.assume_multiple %mul3A_0, 8 : i32
    "tpu.region"() ({
      %run_scoped3A_132 = tpu.sem_alloc : memref<!tpu.dma_semaphore, #tpu.memory_space<semaphore_mem>>
      %dma_start3A_133 = arith.constant 0 : i32
      %dma_start3A_134 = tpu.memref_slice %arg11[%multiple_of3A, %dma_start3A_133] : memref<10240x128xf32, #tpu.memory_space<vmem_shared>> -> memref<640x128xf32, #tpu.memory_space<vmem_shared>>
      %dma_start3A_135 = arith.constant 0 : i32
      %dma_start3A_136 = tpu.memref_slice %arg5[%multiple_of3A, %dma_start3A_135] : memref<10240x128xf32, #tpu.memory_space<hbm>> -> memref<640x128xf32, #tpu.memory_space<hbm>>
      tpu.enqueue_dma source(%dma_start3A_136 : memref<640x128xf32, #tpu.memory_space<hbm>>) target(%dma_start3A_134 : memref<640x128xf32, #tpu.memory_space<vmem_shared>>) target_semaphore(%run_scoped3A_132 : memref<!tpu.dma_semaphore, #tpu.memory_space<semaphore_mem>>)
      %dma_wait3A_137 = arith.constant 0 : i32
      %dma_wait3A_138 = tpu.memref_slice %arg11[%multiple_of3A, %dma_wait3A_137] : memref<10240x128xf32, #tpu.memory_space<vmem_shared>> -> memref<640x128xf32, #tpu.memory_space<vmem_shared>>
      %dma_wait3A_139 = arith.constant 0 : i32
      %dma_wait3A_140 = tpu.memref_slice %arg5[%multiple_of3A, %dma_wait3A_139] : memref<10240x128xf32, #tpu.memory_space<hbm>> -> memref<640x128xf32, #tpu.memory_space<hbm>>
      tpu.wait_dma2 semaphore(%run_scoped3A_132 : memref<!tpu.dma_semaphore, #tpu.memory_space<semaphore_mem>>) src(%dma_wait3A_140 : memref<640x128xf32, #tpu.memory_space<hbm>>) dst(%dma_wait3A_138 : memref<640x128xf32, #tpu.memory_space<vmem_shared>>)
      tpu.yield
    }) : () -> ()
    "tpu.region"() ({
      %run_scoped3A_132 = tpu.sem_alloc : memref<!tpu.dma_semaphore, #tpu.memory_space<semaphore_mem>>
      %dma_start3A_133 = tpu.memref_slice %arg17[%multiple_of3A] : memref<10240xf32, #tpu.memory_space<vmem_shared>> -> memref<640xf32, #tpu.memory_space<vmem_shared>>
      %dma_start3A_134 = tpu.memref_slice %arg6[%multiple_of3A] : memref<10240xf32, #tpu.memory_space<hbm>> -> memref<640xf32, #tpu.memory_space<hbm>>
      tpu.enqueue_dma source(%dma_start3A_134 : memref<640xf32, #tpu.memory_space<hbm>>) target(%dma_start3A_133 : memref<640xf32, #tpu.memory_space<vmem_shared>>) target_semaphore(%run_scoped3A_132 : memref<!tpu.dma_semaphore, #tpu.memory_space<semaphore_mem>>)
      %dma_wait3A_135 = tpu.memref_slice %arg17[%multiple_of3A] : memref<10240xf32, #tpu.memory_space<vmem_shared>> -> memref<640xf32, #tpu.memory_space<vmem_shared>>
      %dma_wait3A_136 = tpu.memref_slice %arg6[%multiple_of3A] : memref<10240xf32, #tpu.memory_space<hbm>> -> memref<640xf32, #tpu.memory_space<hbm>>
      tpu.wait_dma2 semaphore(%run_scoped3A_132 : memref<!tpu.dma_semaphore, #tpu.memory_space<semaphore_mem>>) src(%dma_wait3A_136 : memref<640xf32, #tpu.memory_space<hbm>>) dst(%dma_wait3A_135 : memref<640xf32, #tpu.memory_space<vmem_shared>>)
      tpu.yield
    }) : () -> ()
    %broadcast_in_dim3A = arith.constant 1.000000e+00 : f32
    %broadcast_in_dim3A_1 = vector.broadcast %broadcast_in_dim3A : f32 to vector<16xf32>
    %swap3A = arith.constant 0 : index
    %swap3A_2 = tpu.vector_load %arg16[%swap3A] {strides = array<i32>} : memref<128xf32, #tpu.memory_space<vmem>>, vector<16xf32>,
    %swap3A_3 = vector.shape_cast %swap3A_2 : vector<16xf32> to vector<16xf32>
    %swap3A_4 = vector.shape_cast %broadcast_in_dim3A_1 : vector<16xf32> to vector<16xf32>
    tpu.vector_store %arg16[%swap3A], %swap3A_4 {strides = array<i32>} : memref<128xf32, #tpu.memory_space<vmem>>, vector<16xf32>,
    %broadcast_in_dim3A_5 = arith.constant 1.000000e+00 : f32
    %broadcast_in_dim3A_6 = vector.broadcast %broadcast_in_dim3A_5 : f32 to vector<16xf32>
    %swap3A_7 = arith.constant 16 : index
    %swap3A_8 = tpu.vector_load %arg16[%swap3A_7] {strides = array<i32>} : memref<128xf32, #tpu.memory_space<vmem>>, vector<16xf32>,
    %swap3A_9 = vector.shape_cast %swap3A_8 : vector<16xf32> to vector<16xf32>
    %swap3A_10 = vector.shape_cast %broadcast_in_dim3A_6 : vector<16xf32> to vector<16xf32>
    tpu.vector_store %arg16[%swap3A_7], %swap3A_10 {strides = array<i32>} : memref<128xf32, #tpu.memory_space<vmem>>, vector<16xf32>,
    %broadcast_in_dim3A_11 = arith.constant 1.000000e+00 : f32
    %broadcast_in_dim3A_12 = vector.broadcast %broadcast_in_dim3A_11 : f32 to vector<16xf32>
    %swap3A_13 = arith.constant 32 : index
    %swap3A_14 = tpu.vector_load %arg16[%swap3A_13] {strides = array<i32>} : memref<128xf32, #tpu.memory_space<vmem>>, vector<16xf32>,
    %swap3A_15 = vector.shape_cast %swap3A_14 : vector<16xf32> to vector<16xf32>
    %swap3A_16 = vector.shape_cast %broadcast_in_dim3A_12 : vector<16xf32> to vector<16xf32>
    tpu.vector_store %arg16[%swap3A_13], %swap3A_16 {strides = array<i32>} : memref<128xf32, #tpu.memory_space<vmem>>, vector<16xf32>,
    %broadcast_in_dim3A_17 = arith.constant 1.000000e+00 : f32
    %broadcast_in_dim3A_18 = vector.broadcast %broadcast_in_dim3A_17 : f32 to vector<16xf32>
    %swap3A_19 = arith.constant 48 : index
    %swap3A_20 = tpu.vector_load %arg16[%swap3A_19] {strides = array<i32>} : memref<128xf32, #tpu.memory_space<vmem>>, vector<16xf32>,
    %swap3A_21 = vector.shape_cast %swap3A_20 : vector<16xf32> to vector<16xf32>
    %swap3A_22 = vector.shape_cast %broadcast_in_dim3A_18 : vector<16xf32> to vector<16xf32>
    tpu.vector_store %arg16[%swap3A_19], %swap3A_22 {strides = array<i32>} : memref<128xf32, #tpu.memory_space<vmem>>, vector<16xf32>,
    %broadcast_in_dim3A_23 = arith.constant 1.000000e+00 : f32
    %broadcast_in_dim3A_24 = vector.broadcast %broadcast_in_dim3A_23 : f32 to vector<16xf32>
    %swap3A_25 = arith.constant 64 : index
    %swap3A_26 = tpu.vector_load %arg16[%swap3A_25] {strides = array<i32>} : memref<128xf32, #tpu.memory_space<vmem>>, vector<16xf32>,
    %swap3A_27 = vector.shape_cast %swap3A_26 : vector<16xf32> to vector<16xf32>
    %swap3A_28 = vector.shape_cast %broadcast_in_dim3A_24 : vector<16xf32> to vector<16xf32>
    tpu.vector_store %arg16[%swap3A_25], %swap3A_28 {strides = array<i32>} : memref<128xf32, #tpu.memory_space<vmem>>, vector<16xf32>,
    %broadcast_in_dim3A_29 = arith.constant 1.000000e+00 : f32
    %broadcast_in_dim3A_30 = vector.broadcast %broadcast_in_dim3A_29 : f32 to vector<16xf32>
    %swap3A_31 = arith.constant 80 : index
    %swap3A_32 = tpu.vector_load %arg16[%swap3A_31] {strides = array<i32>} : memref<128xf32, #tpu.memory_space<vmem>>, vector<16xf32>,
    %swap3A_33 = vector.shape_cast %swap3A_32 : vector<16xf32> to vector<16xf32>
    %swap3A_34 = vector.shape_cast %broadcast_in_dim3A_30 : vector<16xf32> to vector<16xf32>
    tpu.vector_store %arg16[%swap3A_31], %swap3A_34 {strides = array<i32>} : memref<128xf32, #tpu.memory_space<vmem>>, vector<16xf32>,
    %broadcast_in_dim3A_35 = arith.constant 1.000000e+00 : f32
    %broadcast_in_dim3A_36 = vector.broadcast %broadcast_in_dim3A_35 : f32 to vector<16xf32>
    %swap3A_37 = arith.constant 96 : index
    %swap3A_38 = tpu.vector_load %arg16[%swap3A_37] {strides = array<i32>} : memref<128xf32, #tpu.memory_space<vmem>>, vector<16xf32>,
    %swap3A_39 = vector.shape_cast %swap3A_38 : vector<16xf32> to vector<16xf32>
    %swap3A_40 = vector.shape_cast %broadcast_in_dim3A_36 : vector<16xf32> to vector<16xf32>
    tpu.vector_store %arg16[%swap3A_37], %swap3A_40 {strides = array<i32>} : memref<128xf32, #tpu.memory_space<vmem>>, vector<16xf32>,
    %broadcast_in_dim3A_41 = arith.constant 1.000000e+00 : f32
    %broadcast_in_dim3A_42 = vector.broadcast %broadcast_in_dim3A_41 : f32 to vector<16xf32>
    %swap3A_43 = arith.constant 112 : index
    %swap3A_44 = tpu.vector_load %arg16[%swap3A_43] {strides = array<i32>} : memref<128xf32, #tpu.memory_space<vmem>>, vector<16xf32>,
    %swap3A_45 = vector.shape_cast %swap3A_44 : vector<16xf32> to vector<16xf32>
    %swap3A_46 = vector.shape_cast %broadcast_in_dim3A_42 : vector<16xf32> to vector<16xf32>
    tpu.vector_store %arg16[%swap3A_43], %swap3A_46 {strides = array<i32>} : memref<128xf32, #tpu.memory_space<vmem>>, vector<16xf32>,
    %barrier3A = arith.constant 0 : index
    tpu.barrier barrier_id(%barrier3A)
    %mul3A_47 = arith.constant 2 : i32
    %mul3A_48 = arith.muli %arg1, %mul3A_47 : i32
    %add3A = arith.addi %mul3A_48, %arg0 : i32
    %mul3A_49 = arith.constant 80 : i32
    %mul3A_50 = arith.muli %add3A, %mul3A_49 : i32
    %add3A_51 = arith.constant 0 : i32
    %add3A_52 = arith.addi %mul3A_50, %add3A_51 : i32
    %multiple_of3A_53 = tpu.assume_multiple %add3A_52, 8 : i32
    "tpu.region"() ({
      %run_scoped3A_132 = tpu.sem_alloc : memref<!tpu.dma_semaphore, #tpu.memory_space<semaphore_mem>>
      %dma_start3A_133 = arith.constant 0 : i32
      %dma_start3A_134 = tpu.memref_slice %arg3[%multiple_of3A_53, %dma_start3A_133] : memref<2560x128xi32, #tpu.memory_space<hbm>> -> memref<40x128xi32, #tpu.memory_space<hbm>>
      %dma_start3A_135 = arith.constant 0 : i32
      %dma_start3A_136 = tpu.memref_slice %arg3[%multiple_of3A_53, %dma_start3A_135] : memref<2560x128xi32, #tpu.memory_space<hbm>> -> memref<40x128xi32, #tpu.memory_space<hbm>>
      tpu.enqueue_dma source(%dma_start3A_136 : memref<40x128xi32, #tpu.memory_space<hbm>>) target(%arg9 : memref<40x128xi32, #tpu.memory_space<vmem>>) target_semaphore(%run_scoped3A_132 : memref<!tpu.dma_semaphore, #tpu.memory_space<semaphore_mem>>)
      %dma_wait3A_137 = arith.constant 0 : i32
      %dma_wait3A_138 = tpu.memref_slice %arg3[%multiple_of3A_53, %dma_wait3A_137] : memref<2560x128xi32, #tpu.memory_space<hbm>> -> memref<40x128xi32, #tpu.memory_space<hbm>>
      %dma_wait3A_139 = arith.constant 0 : i32
      %dma_wait3A_140 = tpu.memref_slice %arg3[%multiple_of3A_53, %dma_wait3A_139] : memref<2560x128xi32, #tpu.memory_space<hbm>> -> memref<40x128xi32, #tpu.memory_space<hbm>>
      tpu.wait_dma2 semaphore(%run_scoped3A_132 : memref<!tpu.dma_semaphore, #tpu.memory_space<semaphore_mem>>) src(%dma_wait3A_140 : memref<40x128xi32, #tpu.memory_space<hbm>>) dst(%arg9 : memref<40x128xi32, #tpu.memory_space<vmem>>)
      tpu.yield
    }) : () -> ()
    "tpu.region"() ({
      %run_scoped3A_132 = tpu.sem_alloc : memref<!tpu.dma_semaphore, #tpu.memory_space<semaphore_mem>>
      %dma_start3A_133 = arith.constant 0 : i32
      %dma_start3A_134 = tpu.memref_slice %arg4[%multiple_of3A_53, %dma_start3A_133] : memref<2560x128xi32, #tpu.memory_space<hbm>> -> memref<40x128xi32, #tpu.memory_space<hbm>>
      %dma_start3A_135 = arith.constant 0 : i32
      %dma_start3A_136 = tpu.memref_slice %arg4[%multiple_of3A_53, %dma_start3A_135] : memref<2560x128xi32, #tpu.memory_space<hbm>> -> memref<40x128xi32, #tpu.memory_space<hbm>>
      tpu.enqueue_dma source(%dma_start3A_136 : memref<40x128xi32, #tpu.memory_space<hbm>>) target(%arg10 : memref<40x128xi32, #tpu.memory_space<vmem>>) target_semaphore(%run_scoped3A_132 : memref<!tpu.dma_semaphore, #tpu.memory_space<semaphore_mem>>)
      %dma_wait3A_137 = arith.constant 0 : i32
      %dma_wait3A_138 = tpu.memref_slice %arg4[%multiple_of3A_53, %dma_wait3A_137] : memref<2560x128xi32, #tpu.memory_space<hbm>> -> memref<40x128xi32, #tpu.memory_space<hbm>>
      %dma_wait3A_139 = arith.constant 0 : i32
      %dma_wait3A_140 = tpu.memref_slice %arg4[%multiple_of3A_53, %dma_wait3A_139] : memref<2560x128xi32, #tpu.memory_space<hbm>> -> memref<40x128xi32, #tpu.memory_space<hbm>>
      tpu.wait_dma2 semaphore(%run_scoped3A_132 : memref<!tpu.dma_semaphore, #tpu.memory_space<semaphore_mem>>) src(%dma_wait3A_140 : memref<40x128xi32, #tpu.memory_space<hbm>>) dst(%arg10 : memref<40x128xi32, #tpu.memory_space<vmem>>)
      tpu.yield
    }) : () -> ()
    %dma_start3A = arith.constant 0 : i32
    %dma_start3A_54 = arith.constant 0 : i32
    %dma_start3A_55 = tpu.memref_slice %arg9[%dma_start3A, %dma_start3A_54] : memref<40x128xi32, #tpu.memory_space<vmem>> -> memref<1x128xi32, #tpu.memory_space<vmem>>
    %dma_start3A_56 = tpu.memref_squeeze %dma_start3A_55 : memref<1x128xi32, #tpu.memory_space<vmem>> -> memref<128xi32, #tpu.memory_space<vmem>>
    %dma_start3A_57 = arith.constant 0 : i32
    %dma_start3A_58 = arith.constant 0 : i32
    %dma_start3A_59 = tpu.memref_slice %arg2[%dma_start3A_57, %dma_start3A_58] : memref<10240x128xf32, #tpu.memory_space<hbm>> -> memref<10240x128xf32, #tpu.memory_space<hbm>>
    tpu.enqueue_indirect_dma source(%dma_start3A_59 : memref<10240x128xf32, #tpu.memory_space<hbm>>) target(%arg12 : memref<128x128xf32, #tpu.memory_space<vmem>>) offsets(%dma_start3A_56 : memref<128xi32, #tpu.memory_space<vmem>>) semaphore(%arg14 : memref<!tpu.dma_semaphore, #tpu.memory_space<semaphore_mem>>)
    %dma_start3A_60 = arith.constant 1 : i32
    %dma_start3A_61 = arith.constant 0 : i32
    %dma_start3A_62 = tpu.memref_slice %arg9[%dma_start3A_60, %dma_start3A_61] : memref<40x128xi32, #tpu.memory_space<vmem>> -> memref<1x128xi32, #tpu.memory_space<vmem>>
    %dma_start3A_63 = tpu.memref_squeeze %dma_start3A_62 : memref<1x128xi32, #tpu.memory_space<vmem>> -> memref<128xi32, #tpu.memory_space<vmem>>
    %dma_start3A_64 = arith.constant 0 : i32
    %dma_start3A_65 = arith.constant 0 : i32
    %dma_start3A_66 = tpu.memref_slice %arg2[%dma_start3A_64, %dma_start3A_65] : memref<10240x128xf32, #tpu.memory_space<hbm>> -> memref<10240x128xf32, #tpu.memory_space<hbm>>
    tpu.enqueue_indirect_dma source(%dma_start3A_66 : memref<10240x128xf32, #tpu.memory_space<hbm>>) target(%arg13 : memref<128x128xf32, #tpu.memory_space<vmem>>) offsets(%dma_start3A_63 : memref<128xi32, #tpu.memory_space<vmem>>) semaphore(%arg15 : memref<!tpu.dma_semaphore, #tpu.memory_space<semaphore_mem>>)
    %scan3A = arith.constant 0 : i32
    %scan3A_67 = arith.constant 0 : i32
    %scan3A_68 = arith.constant 19 : i32
    %scan3A_69 = arith.addi %scan3A_67, %scan3A_68 : i32
    %scan3A_70 = arith.constant 1 : i32
    scf.for %scan3A_132 = %scan3A_67 to %scan3A_69 step %scan3A_70  : i32 {
      %mul3A_133 = arith.constant 2 : i32
      %mul3A_134 = arith.muli %scan3A_132, %mul3A_133 : i32
      %add3A_135 = arith.constant 0 : i32
      %add3A_136 = arith.addi %mul3A_134, %add3A_135 : i32
      %dma_wait3A_137 = arith.constant 0 : i32
      %dma_wait3A_138 = tpu.memref_slice %arg9[%add3A_136, %dma_wait3A_137] : memref<40x128xi32, #tpu.memory_space<vmem>> -> memref<1x128xi32, #tpu.memory_space<vmem>>
      %dma_wait3A_139 = tpu.memref_squeeze %dma_wait3A_138 : memref<1x128xi32, #tpu.memory_space<vmem>> -> memref<128xi32, #tpu.memory_space<vmem>>
      %dma_wait3A_140 = arith.constant 0 : i32
      %dma_wait3A_141 = arith.constant 0 : i32
      %dma_wait3A_142 = tpu.memref_slice %arg2[%dma_wait3A_140, %dma_wait3A_141] : memref<10240x128xf32, #tpu.memory_space<hbm>> -> memref<10240x128xf32, #tpu.memory_space<hbm>>
      tpu.wait_indirect_dma semaphore(%arg14 : memref<!tpu.dma_semaphore, #tpu.memory_space<semaphore_mem>>) src(%dma_wait3A_142 : memref<10240x128xf32, #tpu.memory_space<hbm>>) dst(%arg12 : memref<128x128xf32, #tpu.memory_space<vmem>>)
      "tpu.region"() ({
        %run_scoped3A_169 = tpu.sem_alloc : memref<!tpu.dma_semaphore, #tpu.memory_space<semaphore_mem>>
        %dma_start3A_170 = arith.constant 0 : i32
        %dma_start3A_171 = tpu.memref_slice %arg10[%add3A_136, %dma_start3A_170] : memref<40x128xi32, #tpu.memory_space<vmem>> -> memref<1x128xi32, #tpu.memory_space<vmem>>
        %dma_start3A_172 = tpu.memref_squeeze %dma_start3A_171 : memref<1x128xi32, #tpu.memory_space<vmem>> -> memref<128xi32, #tpu.memory_space<vmem>>
        %dma_start3A_173 = arith.constant 0 : i32
        %dma_start3A_174 = arith.constant 0 : i32
        %dma_start3A_175 = tpu.memref_slice %arg11[%dma_start3A_173, %dma_start3A_174] : memref<10240x128xf32, #tpu.memory_space<vmem_shared>> -> memref<10240x128xf32, #tpu.memory_space<vmem_shared>>
        tpu.enqueue_indirect_dma source(%arg12 : memref<128x128xf32, #tpu.memory_space<vmem>>) target(%dma_start3A_175 : memref<10240x128xf32, #tpu.memory_space<vmem_shared>>) offsets(%dma_start3A_172 : memref<128xi32, #tpu.memory_space<vmem>>) semaphore(%run_scoped3A_169 : memref<!tpu.dma_semaphore, #tpu.memory_space<semaphore_mem>>) {add = true}
        %dma_wait3A_176 = arith.constant 0 : i32
        %dma_wait3A_177 = tpu.memref_slice %arg10[%add3A_136, %dma_wait3A_176] : memref<40x128xi32, #tpu.memory_space<vmem>> -> memref<1x128xi32, #tpu.memory_space<vmem>>
        %dma_wait3A_178 = tpu.memref_squeeze %dma_wait3A_177 : memref<1x128xi32, #tpu.memory_space<vmem>> -> memref<128xi32, #tpu.memory_space<vmem>>
        %dma_wait3A_179 = arith.constant 0 : i32
        %dma_wait3A_180 = arith.constant 0 : i32
        %dma_wait3A_181 = tpu.memref_slice %arg11[%dma_wait3A_179, %dma_wait3A_180] : memref<10240x128xf32, #tpu.memory_space<vmem_shared>> -> memref<10240x128xf32, #tpu.memory_space<vmem_shared>>
        tpu.wait_indirect_dma semaphore(%run_scoped3A_169 : memref<!tpu.dma_semaphore, #tpu.memory_space<semaphore_mem>>) src(%arg12 : memref<128x128xf32, #tpu.memory_space<vmem>>) dst(%dma_wait3A_181 : memref<10240x128xf32, #tpu.memory_space<vmem_shared>>)
        tpu.yield
      }) : () -> ()
      "tpu.region"() ({
        %run_scoped3A_169 = tpu.sem_alloc : memref<!tpu.dma_semaphore, #tpu.memory_space<semaphore_mem>>
        %dma_start3A_170 = arith.constant 0 : i32
        %dma_start3A_171 = tpu.memref_slice %arg10[%add3A_136, %dma_start3A_170] : memref<40x128xi32, #tpu.memory_space<vmem>> -> memref<1x128xi32, #tpu.memory_space<vmem>>
        %dma_start3A_172 = tpu.memref_squeeze %dma_start3A_171 : memref<1x128xi32, #tpu.memory_space<vmem>> -> memref<128xi32, #tpu.memory_space<vmem>>
        %dma_start3A_173 = arith.constant 0 : i32
        %dma_start3A_174 = tpu.memref_slice %arg17[%dma_start3A_173] : memref<10240xf32, #tpu.memory_space<vmem_shared>> -> memref<10240xf32, #tpu.memory_space<vmem_shared>>
        tpu.enqueue_indirect_dma source(%arg16 : memref<128xf32, #tpu.memory_space<vmem>>) target(%dma_start3A_174 : memref<10240xf32, #tpu.memory_space<vmem_shared>>) offsets(%dma_start3A_172 : memref<128xi32, #tpu.memory_space<vmem>>) semaphore(%run_scoped3A_169 : memref<!tpu.dma_semaphore, #tpu.memory_space<semaphore_mem>>) {add = true}
        %dma_wait3A_175 = arith.constant 0 : i32
        %dma_wait3A_176 = tpu.memref_slice %arg10[%add3A_136, %dma_wait3A_175] : memref<40x128xi32, #tpu.memory_space<vmem>> -> memref<1x128xi32, #tpu.memory_space<vmem>>
        %dma_wait3A_177 = tpu.memref_squeeze %dma_wait3A_176 : memref<1x128xi32, #tpu.memory_space<vmem>> -> memref<128xi32, #tpu.memory_space<vmem>>
        %dma_wait3A_178 = arith.constant 0 : i32
        %dma_wait3A_179 = tpu.memref_slice %arg17[%dma_wait3A_178] : memref<10240xf32, #tpu.memory_space<vmem_shared>> -> memref<10240xf32, #tpu.memory_space<vmem_shared>>
        tpu.wait_indirect_dma semaphore(%run_scoped3A_169 : memref<!tpu.dma_semaphore, #tpu.memory_space<semaphore_mem>>) src(%arg16 : memref<128xf32, #tpu.memory_space<vmem>>) dst(%dma_wait3A_179 : memref<10240xf32, #tpu.memory_space<vmem_shared>>)
        tpu.yield
      }) : () -> ()
      %add3A_143 = arith.constant 2 : i32
      %add3A_144 = arith.addi %add3A_136, %add3A_143 : i32
      %dma_start3A_145 = arith.constant 0 : i32
      %dma_start3A_146 = tpu.memref_slice %arg9[%add3A_144, %dma_start3A_145] : memref<40x128xi32, #tpu.memory_space<vmem>> -> memref<1x128xi32, #tpu.memory_space<vmem>>
      %dma_start3A_147 = tpu.memref_squeeze %dma_start3A_146 : memref<1x128xi32, #tpu.memory_space<vmem>> -> memref<128xi32, #tpu.memory_space<vmem>>
      %dma_start3A_148 = arith.constant 0 : i32
      %dma_start3A_149 = arith.constant 0 : i32
      %dma_start3A_150 = tpu.memref_slice %arg2[%dma_start3A_148, %dma_start3A_149] : memref<10240x128xf32, #tpu.memory_space<hbm>> -> memref<10240x128xf32, #tpu.memory_space<hbm>>
      tpu.enqueue_indirect_dma source(%dma_start3A_150 : memref<10240x128xf32, #tpu.memory_space<hbm>>) target(%arg12 : memref<128x128xf32, #tpu.memory_space<vmem>>) offsets(%dma_start3A_147 : memref<128xi32, #tpu.memory_space<vmem>>) semaphore(%arg14 : memref<!tpu.dma_semaphore, #tpu.memory_space<semaphore_mem>>)
      %mul3A_151 = arith.constant 2 : i32
      %mul3A_152 = arith.muli %scan3A_132, %mul3A_151 : i32
      %add3A_153 = arith.constant 1 : i32
      %add3A_154 = arith.addi %mul3A_152, %add3A_153 : i32
      %dma_wait3A_155 = arith.constant 0 : i32
      %dma_wait3A_156 = tpu.memref_slice %arg9[%add3A_154, %dma_wait3A_155] : memref<40x128xi32, #tpu.memory_space<vmem>> -> memref<1x128xi32, #tpu.memory_space<vmem>>
      %dma_wait3A_157 = tpu.memref_squeeze %dma_wait3A_156 : memref<1x128xi32, #tpu.memory_space<vmem>> -> memref<128xi32, #tpu.memory_space<vmem>>
      %dma_wait3A_158 = arith.constant 0 : i32
      %dma_wait3A_159 = arith.constant 0 : i32
      %dma_wait3A_160 = tpu.memref_slice %arg2[%dma_wait3A_158, %dma_wait3A_159] : memref<10240x128xf32, #tpu.memory_space<hbm>> -> memref<10240x128xf32, #tpu.memory_space<hbm>>
      tpu.wait_indirect_dma semaphore(%arg15 : memref<!tpu.dma_semaphore, #tpu.memory_space<semaphore_mem>>) src(%dma_wait3A_160 : memref<10240x128xf32, #tpu.memory_space<hbm>>) dst(%arg13 : memref<128x128xf32, #tpu.memory_space<vmem>>)
      "tpu.region"() ({
        %run_scoped3A_169 = tpu.sem_alloc : memref<!tpu.dma_semaphore, #tpu.memory_space<semaphore_mem>>
        %dma_start3A_170 = arith.constant 0 : i32
        %dma_start3A_171 = tpu.memref_slice %arg10[%add3A_154, %dma_start3A_170] : memref<40x128xi32, #tpu.memory_space<vmem>> -> memref<1x128xi32, #tpu.memory_space<vmem>>
        %dma_start3A_172 = tpu.memref_squeeze %dma_start3A_171 : memref<1x128xi32, #tpu.memory_space<vmem>> -> memref<128xi32, #tpu.memory_space<vmem>>
        %dma_start3A_173 = arith.constant 0 : i32
        %dma_start3A_174 = arith.constant 0 : i32
        %dma_start3A_175 = tpu.memref_slice %arg11[%dma_start3A_173, %dma_start3A_174] : memref<10240x128xf32, #tpu.memory_space<vmem_shared>> -> memref<10240x128xf32, #tpu.memory_space<vmem_shared>>
        tpu.enqueue_indirect_dma source(%arg13 : memref<128x128xf32, #tpu.memory_space<vmem>>) target(%dma_start3A_175 : memref<10240x128xf32, #tpu.memory_space<vmem_shared>>) offsets(%dma_start3A_172 : memref<128xi32, #tpu.memory_space<vmem>>) semaphore(%run_scoped3A_169 : memref<!tpu.dma_semaphore, #tpu.memory_space<semaphore_mem>>) {add = true}
        %dma_wait3A_176 = arith.constant 0 : i32
        %dma_wait3A_177 = tpu.memref_slice %arg10[%add3A_154, %dma_wait3A_176] : memref<40x128xi32, #tpu.memory_space<vmem>> -> memref<1x128xi32, #tpu.memory_space<vmem>>
        %dma_wait3A_178 = tpu.memref_squeeze %dma_wait3A_177 : memref<1x128xi32, #tpu.memory_space<vmem>> -> memref<128xi32, #tpu.memory_space<vmem>>
        %dma_wait3A_179 = arith.constant 0 : i32
        %dma_wait3A_180 = arith.constant 0 : i32
        %dma_wait3A_181 = tpu.memref_slice %arg11[%dma_wait3A_179, %dma_wait3A_180] : memref<10240x128xf32, #tpu.memory_space<vmem_shared>> -> memref<10240x128xf32, #tpu.memory_space<vmem_shared>>
        tpu.wait_indirect_dma semaphore(%run_scoped3A_169 : memref<!tpu.dma_semaphore, #tpu.memory_space<semaphore_mem>>) src(%arg13 : memref<128x128xf32, #tpu.memory_space<vmem>>) dst(%dma_wait3A_181 : memref<10240x128xf32, #tpu.memory_space<vmem_shared>>)
        tpu.yield
      }) : () -> ()
      "tpu.region"() ({
        %run_scoped3A_169 = tpu.sem_alloc : memref<!tpu.dma_semaphore, #tpu.memory_space<semaphore_mem>>
        %dma_start3A_170 = arith.constant 0 : i32
        %dma_start3A_171 = tpu.memref_slice %arg10[%add3A_154, %dma_start3A_170] : memref<40x128xi32, #tpu.memory_space<vmem>> -> memref<1x128xi32, #tpu.memory_space<vmem>>
        %dma_start3A_172 = tpu.memref_squeeze %dma_start3A_171 : memref<1x128xi32, #tpu.memory_space<vmem>> -> memref<128xi32, #tpu.memory_space<vmem>>
        %dma_start3A_173 = arith.constant 0 : i32
        %dma_start3A_174 = tpu.memref_slice %arg17[%dma_start3A_173] : memref<10240xf32, #tpu.memory_space<vmem_shared>> -> memref<10240xf32, #tpu.memory_space<vmem_shared>>
        tpu.enqueue_indirect_dma source(%arg16 : memref<128xf32, #tpu.memory_space<vmem>>) target(%dma_start3A_174 : memref<10240xf32, #tpu.memory_space<vmem_shared>>) offsets(%dma_start3A_172 : memref<128xi32, #tpu.memory_space<vmem>>) semaphore(%run_scoped3A_169 : memref<!tpu.dma_semaphore, #tpu.memory_space<semaphore_mem>>) {add = true}
        %dma_wait3A_175 = arith.constant 0 : i32
        %dma_wait3A_176 = tpu.memref_slice %arg10[%add3A_154, %dma_wait3A_175] : memref<40x128xi32, #tpu.memory_space<vmem>> -> memref<1x128xi32, #tpu.memory_space<vmem>>
        %dma_wait3A_177 = tpu.memref_squeeze %dma_wait3A_176 : memref<1x128xi32, #tpu.memory_space<vmem>> -> memref<128xi32, #tpu.memory_space<vmem>>
        %dma_wait3A_178 = arith.constant 0 : i32
        %dma_wait3A_179 = tpu.memref_slice %arg17[%dma_wait3A_178] : memref<10240xf32, #tpu.memory_space<vmem_shared>> -> memref<10240xf32, #tpu.memory_space<vmem_shared>>
        tpu.wait_indirect_dma semaphore(%run_scoped3A_169 : memref<!tpu.dma_semaphore, #tpu.memory_space<semaphore_mem>>) src(%arg16 : memref<128xf32, #tpu.memory_space<vmem>>) dst(%dma_wait3A_179 : memref<10240xf32, #tpu.memory_space<vmem_shared>>)
        tpu.yield
      }) : () -> ()
      %add3A_161 = arith.constant 2 : i32
      %add3A_162 = arith.addi %add3A_154, %add3A_161 : i32
      %dma_start3A_163 = arith.constant 0 : i32
      %dma_start3A_164 = tpu.memref_slice %arg9[%add3A_162, %dma_start3A_163] : memref<40x128xi32, #tpu.memory_space<vmem>> -> memref<1x128xi32, #tpu.memory_space<vmem>>
      %dma_start3A_165 = tpu.memref_squeeze %dma_start3A_164 : memref<1x128xi32, #tpu.memory_space<vmem>> -> memref<128xi32, #tpu.memory_space<vmem>>
      %dma_start3A_166 = arith.constant 0 : i32
      %dma_start3A_167 = arith.constant 0 : i32
      %dma_start3A_168 = tpu.memref_slice %arg2[%dma_start3A_166, %dma_start3A_167] : memref<10240x128xf32, #tpu.memory_space<hbm>> -> memref<10240x128xf32, #tpu.memory_space<hbm>>
      tpu.enqueue_indirect_dma source(%dma_start3A_168 : memref<10240x128xf32, #tpu.memory_space<hbm>>) target(%arg13 : memref<128x128xf32, #tpu.memory_space<vmem>>) offsets(%dma_start3A_165 : memref<128xi32, #tpu.memory_space<vmem>>) semaphore(%arg15 : memref<!tpu.dma_semaphore, #tpu.memory_space<semaphore_mem>>)
    }
    %scan3A_71 = arith.constant 19 : i32
    %dma_wait3A = arith.constant 38 : i32
    %dma_wait3A_72 = arith.constant 0 : i32
    %dma_wait3A_73 = tpu.memref_slice %arg9[%dma_wait3A, %dma_wait3A_72] : memref<40x128xi32, #tpu.memory_space<vmem>> -> memref<1x128xi32, #tpu.memory_space<vmem>>
    %dma_wait3A_74 = tpu.memref_squeeze %dma_wait3A_73 : memref<1x128xi32, #tpu.memory_space<vmem>> -> memref<128xi32, #tpu.memory_space<vmem>>
    %dma_wait3A_75 = arith.constant 0 : i32
    %dma_wait3A_76 = arith.constant 0 : i32
    %dma_wait3A_77 = tpu.memref_slice %arg2[%dma_wait3A_75, %dma_wait3A_76] : memref<10240x128xf32, #tpu.memory_space<hbm>> -> memref<10240x128xf32, #tpu.memory_space<hbm>>
    tpu.wait_indirect_dma semaphore(%arg14 : memref<!tpu.dma_semaphore, #tpu.memory_space<semaphore_mem>>) src(%dma_wait3A_77 : memref<10240x128xf32, #tpu.memory_space<hbm>>) dst(%arg12 : memref<128x128xf32, #tpu.memory_space<vmem>>)
    %run_scoped3A = arith.constant 38 : i32
    "tpu.region"() ({
      %run_scoped3A_132 = tpu.sem_alloc : memref<!tpu.dma_semaphore, #tpu.memory_space<semaphore_mem>>
      %dma_start3A_133 = arith.constant 0 : i32
      %dma_start3A_134 = tpu.memref_slice %arg10[%run_scoped3A, %dma_start3A_133] : memref<40x128xi32, #tpu.memory_space<vmem>> -> memref<1x128xi32, #tpu.memory_space<vmem>>
      %dma_start3A_135 = tpu.memref_squeeze %dma_start3A_134 : memref<1x128xi32, #tpu.memory_space<vmem>> -> memref<128xi32, #tpu.memory_space<vmem>>
      %dma_start3A_136 = arith.constant 0 : i32
      %dma_start3A_137 = arith.constant 0 : i32
      %dma_start3A_138 = tpu.memref_slice %arg11[%dma_start3A_136, %dma_start3A_137] : memref<10240x128xf32, #tpu.memory_space<vmem_shared>> -> memref<10240x128xf32, #tpu.memory_space<vmem_shared>>
      tpu.enqueue_indirect_dma source(%arg12 : memref<128x128xf32, #tpu.memory_space<vmem>>) target(%dma_start3A_138 : memref<10240x128xf32, #tpu.memory_space<vmem_shared>>) offsets(%dma_start3A_135 : memref<128xi32, #tpu.memory_space<vmem>>) semaphore(%run_scoped3A_132 : memref<!tpu.dma_semaphore, #tpu.memory_space<semaphore_mem>>) {add = true}
      %dma_wait3A_139 = arith.constant 0 : i32
      %dma_wait3A_140 = tpu.memref_slice %arg10[%run_scoped3A, %dma_wait3A_139] : memref<40x128xi32, #tpu.memory_space<vmem>> -> memref<1x128xi32, #tpu.memory_space<vmem>>
      %dma_wait3A_141 = tpu.memref_squeeze %dma_wait3A_140 : memref<1x128xi32, #tpu.memory_space<vmem>> -> memref<128xi32, #tpu.memory_space<vmem>>
      %dma_wait3A_142 = arith.constant 0 : i32
      %dma_wait3A_143 = arith.constant 0 : i32
      %dma_wait3A_144 = tpu.memref_slice %arg11[%dma_wait3A_142, %dma_wait3A_143] : memref<10240x128xf32, #tpu.memory_space<vmem_shared>> -> memref<10240x128xf32, #tpu.memory_space<vmem_shared>>
      tpu.wait_indirect_dma semaphore(%run_scoped3A_132 : memref<!tpu.dma_semaphore, #tpu.memory_space<semaphore_mem>>) src(%arg12 : memref<128x128xf32, #tpu.memory_space<vmem>>) dst(%dma_wait3A_144 : memref<10240x128xf32, #tpu.memory_space<vmem_shared>>)
      tpu.yield
    }) : () -> ()
    %run_scoped3A_78 = arith.constant 38 : i32
    "tpu.region"() ({
      %run_scoped3A_132 = tpu.sem_alloc : memref<!tpu.dma_semaphore, #tpu.memory_space<semaphore_mem>>
      %dma_start3A_133 = arith.constant 0 : i32
      %dma_start3A_134 = tpu.memref_slice %arg10[%run_scoped3A_78, %dma_start3A_133] : memref<40x128xi32, #tpu.memory_space<vmem>> -> memref<1x128xi32, #tpu.memory_space<vmem>>
      %dma_start3A_135 = tpu.memref_squeeze %dma_start3A_134 : memref<1x128xi32, #tpu.memory_space<vmem>> -> memref<128xi32, #tpu.memory_space<vmem>>
      %dma_start3A_136 = arith.constant 0 : i32
      %dma_start3A_137 = tpu.memref_slice %arg17[%dma_start3A_136] : memref<10240xf32, #tpu.memory_space<vmem_shared>> -> memref<10240xf32, #tpu.memory_space<vmem_shared>>
      tpu.enqueue_indirect_dma source(%arg16 : memref<128xf32, #tpu.memory_space<vmem>>) target(%dma_start3A_137 : memref<10240xf32, #tpu.memory_space<vmem_shared>>) offsets(%dma_start3A_135 : memref<128xi32, #tpu.memory_space<vmem>>) semaphore(%run_scoped3A_132 : memref<!tpu.dma_semaphore, #tpu.memory_space<semaphore_mem>>) {add = true}
      %dma_wait3A_138 = arith.constant 0 : i32
      %dma_wait3A_139 = tpu.memref_slice %arg10[%run_scoped3A_78, %dma_wait3A_138] : memref<40x128xi32, #tpu.memory_space<vmem>> -> memref<1x128xi32, #tpu.memory_space<vmem>>
      %dma_wait3A_140 = tpu.memref_squeeze %dma_wait3A_139 : memref<1x128xi32, #tpu.memory_space<vmem>> -> memref<128xi32, #tpu.memory_space<vmem>>
      %dma_wait3A_141 = arith.constant 0 : i32
      %dma_wait3A_142 = tpu.memref_slice %arg17[%dma_wait3A_141] : memref<10240xf32, #tpu.memory_space<vmem_shared>> -> memref<10240xf32, #tpu.memory_space<vmem_shared>>
      tpu.wait_indirect_dma semaphore(%run_scoped3A_132 : memref<!tpu.dma_semaphore, #tpu.memory_space<semaphore_mem>>) src(%arg16 : memref<128xf32, #tpu.memory_space<vmem>>) dst(%dma_wait3A_142 : memref<10240xf32, #tpu.memory_space<vmem_shared>>)
      tpu.yield
    }) : () -> ()
    %dma_wait3A_79 = arith.constant 39 : i32
    %dma_wait3A_80 = arith.constant 0 : i32
    %dma_wait3A_81 = tpu.memref_slice %arg9[%dma_wait3A_79, %dma_wait3A_80] : memref<40x128xi32, #tpu.memory_space<vmem>> -> memref<1x128xi32, #tpu.memory_space<vmem>>
    %dma_wait3A_82 = tpu.memref_squeeze %dma_wait3A_81 : memref<1x128xi32, #tpu.memory_space<vmem>> -> memref<128xi32, #tpu.memory_space<vmem>>
    %dma_wait3A_83 = arith.constant 0 : i32
    %dma_wait3A_84 = arith.constant 0 : i32
    %dma_wait3A_85 = tpu.memref_slice %arg2[%dma_wait3A_83, %dma_wait3A_84] : memref<10240x128xf32, #tpu.memory_space<hbm>> -> memref<10240x128xf32, #tpu.memory_space<hbm>>
    tpu.wait_indirect_dma semaphore(%arg15 : memref<!tpu.dma_semaphore, #tpu.memory_space<semaphore_mem>>) src(%dma_wait3A_85 : memref<10240x128xf32, #tpu.memory_space<hbm>>) dst(%arg13 : memref<128x128xf32, #tpu.memory_space<vmem>>)
    %run_scoped3A_86 = arith.constant 39 : i32
    "tpu.region"() ({
      %run_scoped3A_132 = tpu.sem_alloc : memref<!tpu.dma_semaphore, #tpu.memory_space<semaphore_mem>>
      %dma_start3A_133 = arith.constant 0 : i32
      %dma_start3A_134 = tpu.memref_slice %arg10[%run_scoped3A_86, %dma_start3A_133] : memref<40x128xi32, #tpu.memory_space<vmem>> -> memref<1x128xi32, #tpu.memory_space<vmem>>
      %dma_start3A_135 = tpu.memref_squeeze %dma_start3A_134 : memref<1x128xi32, #tpu.memory_space<vmem>> -> memref<128xi32, #tpu.memory_space<vmem>>
      %dma_start3A_136 = arith.constant 0 : i32
      %dma_start3A_137 = arith.constant 0 : i32
      %dma_start3A_138 = tpu.memref_slice %arg11[%dma_start3A_136, %dma_start3A_137] : memref<10240x128xf32, #tpu.memory_space<vmem_shared>> -> memref<10240x128xf32, #tpu.memory_space<vmem_shared>>
      tpu.enqueue_indirect_dma source(%arg13 : memref<128x128xf32, #tpu.memory_space<vmem>>) target(%dma_start3A_138 : memref<10240x128xf32, #tpu.memory_space<vmem_shared>>) offsets(%dma_start3A_135 : memref<128xi32, #tpu.memory_space<vmem>>) semaphore(%run_scoped3A_132 : memref<!tpu.dma_semaphore, #tpu.memory_space<semaphore_mem>>) {add = true}
      %dma_wait3A_139 = arith.constant 0 : i32
      %dma_wait3A_140 = tpu.memref_slice %arg10[%run_scoped3A_86, %dma_wait3A_139] : memref<40x128xi32, #tpu.memory_space<vmem>> -> memref<1x128xi32, #tpu.memory_space<vmem>>
      %dma_wait3A_141 = tpu.memref_squeeze %dma_wait3A_140 : memref<1x128xi32, #tpu.memory_space<vmem>> -> memref<128xi32, #tpu.memory_space<vmem>>
      %dma_wait3A_142 = arith.constant 0 : i32
      %dma_wait3A_143 = arith.constant 0 : i32
      %dma_wait3A_144 = tpu.memref_slice %arg11[%dma_wait3A_142, %dma_wait3A_143] : memref<10240x128xf32, #tpu.memory_space<vmem_shared>> -> memref<10240x128xf32, #tpu.memory_space<vmem_shared>>
      tpu.wait_indirect_dma semaphore(%run_scoped3A_132 : memref<!tpu.dma_semaphore, #tpu.memory_space<semaphore_mem>>) src(%arg13 : memref<128x128xf32, #tpu.memory_space<vmem>>) dst(%dma_wait3A_144 : memref<10240x128xf32, #tpu.memory_space<vmem_shared>>)
      tpu.yield
    }) : () -> ()
    %run_scoped3A_87 = arith.constant 39 : i32
    "tpu.region"() ({
      %run_scoped3A_132 = tpu.sem_alloc : memref<!tpu.dma_semaphore, #tpu.memory_space<semaphore_mem>>
      %dma_start3A_133 = arith.constant 0 : i32
      %dma_start3A_134 = tpu.memref_slice %arg10[%run_scoped3A_87, %dma_start3A_133] : memref<40x128xi32, #tpu.memory_space<vmem>> -> memref<1x128xi32, #tpu.memory_space<vmem>>
      %dma_start3A_135 = tpu.memref_squeeze %dma_start3A_134 : memref<1x128xi32, #tpu.memory_space<vmem>> -> memref<128xi32, #tpu.memory_space<vmem>>
      %dma_start3A_136 = arith.constant 0 : i32
      %dma_start3A_137 = tpu.memref_slice %arg17[%dma_start3A_136] : memref<10240xf32, #tpu.memory_space<vmem_shared>> -> memref<10240xf32, #tpu.memory_space<vmem_shared>>
      tpu.enqueue_indirect_dma source(%arg16 : memref<128xf32, #tpu.memory_space<vmem>>) target(%dma_start3A_137 : memref<10240xf32, #tpu.memory_space<vmem_shared>>) offsets(%dma_start3A_135 : memref<128xi32, #tpu.memory_space<vmem>>) semaphore(%run_scoped3A_132 : memref<!tpu.dma_semaphore, #tpu.memory_space<semaphore_mem>>) {add = true}
      %dma_wait3A_138 = arith.constant 0 : i32
      %dma_wait3A_139 = tpu.memref_slice %arg10[%run_scoped3A_87, %dma_wait3A_138] : memref<40x128xi32, #tpu.memory_space<vmem>> -> memref<1x128xi32, #tpu.memory_space<vmem>>
      %dma_wait3A_140 = tpu.memref_squeeze %dma_wait3A_139 : memref<1x128xi32, #tpu.memory_space<vmem>> -> memref<128xi32, #tpu.memory_space<vmem>>
      %dma_wait3A_141 = arith.constant 0 : i32
      %dma_wait3A_142 = tpu.memref_slice %arg17[%dma_wait3A_141] : memref<10240xf32, #tpu.memory_space<vmem_shared>> -> memref<10240xf32, #tpu.memory_space<vmem_shared>>
      tpu.wait_indirect_dma semaphore(%run_scoped3A_132 : memref<!tpu.dma_semaphore, #tpu.memory_space<semaphore_mem>>) src(%arg16 : memref<128xf32, #tpu.memory_space<vmem>>) dst(%dma_wait3A_142 : memref<10240xf32, #tpu.memory_space<vmem_shared>>)
      tpu.yield
    }) : () -> ()
    %mul3A_88 = arith.constant 80 : i32
    %mul3A_89 = arith.muli %add3A, %mul3A_88 : i32
    %add3A_90 = arith.constant 40 : i32
    %add3A_91 = arith.addi %mul3A_89, %add3A_90 : i32
    %multiple_of3A_92 = tpu.assume_multiple %add3A_91, 8 : i32
    "tpu.region"() ({
      %run_scoped3A_132 = tpu.sem_alloc : memref<!tpu.dma_semaphore, #tpu.memory_space<semaphore_mem>>
      %dma_start3A_133 = arith.constant 0 : i32
      %dma_start3A_134 = tpu.memref_slice %arg3[%multiple_of3A_92, %dma_start3A_133] : memref<2560x128xi32, #tpu.memory_space<hbm>> -> memref<40x128xi32, #tpu.memory_space<hbm>>
      %dma_start3A_135 = arith.constant 0 : i32
      %dma_start3A_136 = tpu.memref_slice %arg3[%multiple_of3A_92, %dma_start3A_135] : memref<2560x128xi32, #tpu.memory_space<hbm>> -> memref<40x128xi32, #tpu.memory_space<hbm>>
      tpu.enqueue_dma source(%dma_start3A_136 : memref<40x128xi32, #tpu.memory_space<hbm>>) target(%arg9 : memref<40x128xi32, #tpu.memory_space<vmem>>) target_semaphore(%run_scoped3A_132 : memref<!tpu.dma_semaphore, #tpu.memory_space<semaphore_mem>>)
      %dma_wait3A_137 = arith.constant 0 : i32
      %dma_wait3A_138 = tpu.memref_slice %arg3[%multiple_of3A_92, %dma_wait3A_137] : memref<2560x128xi32, #tpu.memory_space<hbm>> -> memref<40x128xi32, #tpu.memory_space<hbm>>
      %dma_wait3A_139 = arith.constant 0 : i32
      %dma_wait3A_140 = tpu.memref_slice %arg3[%multiple_of3A_92, %dma_wait3A_139] : memref<2560x128xi32, #tpu.memory_space<hbm>> -> memref<40x128xi32, #tpu.memory_space<hbm>>
      tpu.wait_dma2 semaphore(%run_scoped3A_132 : memref<!tpu.dma_semaphore, #tpu.memory_space<semaphore_mem>>) src(%dma_wait3A_140 : memref<40x128xi32, #tpu.memory_space<hbm>>) dst(%arg9 : memref<40x128xi32, #tpu.memory_space<vmem>>)
      tpu.yield
    }) : () -> ()
    "tpu.region"() ({
      %run_scoped3A_132 = tpu.sem_alloc : memref<!tpu.dma_semaphore, #tpu.memory_space<semaphore_mem>>
      %dma_start3A_133 = arith.constant 0 : i32
      %dma_start3A_134 = tpu.memref_slice %arg4[%multiple_of3A_92, %dma_start3A_133] : memref<2560x128xi32, #tpu.memory_space<hbm>> -> memref<40x128xi32, #tpu.memory_space<hbm>>
      %dma_start3A_135 = arith.constant 0 : i32
      %dma_start3A_136 = tpu.memref_slice %arg4[%multiple_of3A_92, %dma_start3A_135] : memref<2560x128xi32, #tpu.memory_space<hbm>> -> memref<40x128xi32, #tpu.memory_space<hbm>>
      tpu.enqueue_dma source(%dma_start3A_136 : memref<40x128xi32, #tpu.memory_space<hbm>>) target(%arg10 : memref<40x128xi32, #tpu.memory_space<vmem>>) target_semaphore(%run_scoped3A_132 : memref<!tpu.dma_semaphore, #tpu.memory_space<semaphore_mem>>)
      %dma_wait3A_137 = arith.constant 0 : i32
      %dma_wait3A_138 = tpu.memref_slice %arg4[%multiple_of3A_92, %dma_wait3A_137] : memref<2560x128xi32, #tpu.memory_space<hbm>> -> memref<40x128xi32, #tpu.memory_space<hbm>>
      %dma_wait3A_139 = arith.constant 0 : i32
      %dma_wait3A_140 = tpu.memref_slice %arg4[%multiple_of3A_92, %dma_wait3A_139] : memref<2560x128xi32, #tpu.memory_space<hbm>> -> memref<40x128xi32, #tpu.memory_space<hbm>>
      tpu.wait_dma2 semaphore(%run_scoped3A_132 : memref<!tpu.dma_semaphore, #tpu.memory_space<semaphore_mem>>) src(%dma_wait3A_140 : memref<40x128xi32, #tpu.memory_space<hbm>>) dst(%arg10 : memref<40x128xi32, #tpu.memory_space<vmem>>)
      tpu.yield
    }) : () -> ()
    %dma_start3A_93 = arith.constant 0 : i32
    %dma_start3A_94 = arith.constant 0 : i32
    %dma_start3A_95 = tpu.memref_slice %arg9[%dma_start3A_93, %dma_start3A_94] : memref<40x128xi32, #tpu.memory_space<vmem>> -> memref<1x128xi32, #tpu.memory_space<vmem>>
    %dma_start3A_96 = tpu.memref_squeeze %dma_start3A_95 : memref<1x128xi32, #tpu.memory_space<vmem>> -> memref<128xi32, #tpu.memory_space<vmem>>
    %dma_start3A_97 = arith.constant 0 : i32
    %dma_start3A_98 = arith.constant 0 : i32
    %dma_start3A_99 = tpu.memref_slice %arg2[%dma_start3A_97, %dma_start3A_98] : memref<10240x128xf32, #tpu.memory_space<hbm>> -> memref<10240x128xf32, #tpu.memory_space<hbm>>
    tpu.enqueue_indirect_dma source(%dma_start3A_99 : memref<10240x128xf32, #tpu.memory_space<hbm>>) target(%arg12 : memref<128x128xf32, #tpu.memory_space<vmem>>) offsets(%dma_start3A_96 : memref<128xi32, #tpu.memory_space<vmem>>) semaphore(%arg14 : memref<!tpu.dma_semaphore, #tpu.memory_space<semaphore_mem>>)
    %dma_start3A_100 = arith.constant 1 : i32
    %dma_start3A_101 = arith.constant 0 : i32
    %dma_start3A_102 = tpu.memref_slice %arg9[%dma_start3A_100, %dma_start3A_101] : memref<40x128xi32, #tpu.memory_space<vmem>> -> memref<1x128xi32, #tpu.memory_space<vmem>>
    %dma_start3A_103 = tpu.memref_squeeze %dma_start3A_102 : memref<1x128xi32, #tpu.memory_space<vmem>> -> memref<128xi32, #tpu.memory_space<vmem>>
    %dma_start3A_104 = arith.constant 0 : i32
    %dma_start3A_105 = arith.constant 0 : i32
    %dma_start3A_106 = tpu.memref_slice %arg2[%dma_start3A_104, %dma_start3A_105] : memref<10240x128xf32, #tpu.memory_space<hbm>> -> memref<10240x128xf32, #tpu.memory_space<hbm>>
    tpu.enqueue_indirect_dma source(%dma_start3A_106 : memref<10240x128xf32, #tpu.memory_space<hbm>>) target(%arg13 : memref<128x128xf32, #tpu.memory_space<vmem>>) offsets(%dma_start3A_103 : memref<128xi32, #tpu.memory_space<vmem>>) semaphore(%arg15 : memref<!tpu.dma_semaphore, #tpu.memory_space<semaphore_mem>>)
    %scan3A_107 = arith.constant 0 : i32
    %scan3A_108 = arith.constant 0 : i32
    %scan3A_109 = arith.constant 19 : i32
    %scan3A_110 = arith.addi %scan3A_108, %scan3A_109 : i32
    %scan3A_111 = arith.constant 1 : i32
    scf.for %scan3A_132 = %scan3A_108 to %scan3A_110 step %scan3A_111  : i32 {
      %mul3A_133 = arith.constant 2 : i32
      %mul3A_134 = arith.muli %scan3A_132, %mul3A_133 : i32
      %add3A_135 = arith.constant 0 : i32
      %add3A_136 = arith.addi %mul3A_134, %add3A_135 : i32
      %dma_wait3A_137 = arith.constant 0 : i32
      %dma_wait3A_138 = tpu.memref_slice %arg9[%add3A_136, %dma_wait3A_137] : memref<40x128xi32, #tpu.memory_space<vmem>> -> memref<1x128xi32, #tpu.memory_space<vmem>>
      %dma_wait3A_139 = tpu.memref_squeeze %dma_wait3A_138 : memref<1x128xi32, #tpu.memory_space<vmem>> -> memref<128xi32, #tpu.memory_space<vmem>>
      %dma_wait3A_140 = arith.constant 0 : i32
      %dma_wait3A_141 = arith.constant 0 : i32
      %dma_wait3A_142 = tpu.memref_slice %arg2[%dma_wait3A_140, %dma_wait3A_141] : memref<10240x128xf32, #tpu.memory_space<hbm>> -> memref<10240x128xf32, #tpu.memory_space<hbm>>
      tpu.wait_indirect_dma semaphore(%arg14 : memref<!tpu.dma_semaphore, #tpu.memory_space<semaphore_mem>>) src(%dma_wait3A_142 : memref<10240x128xf32, #tpu.memory_space<hbm>>) dst(%arg12 : memref<128x128xf32, #tpu.memory_space<vmem>>)
      "tpu.region"() ({
        %run_scoped3A_169 = tpu.sem_alloc : memref<!tpu.dma_semaphore, #tpu.memory_space<semaphore_mem>>
        %dma_start3A_170 = arith.constant 0 : i32
        %dma_start3A_171 = tpu.memref_slice %arg10[%add3A_136, %dma_start3A_170] : memref<40x128xi32, #tpu.memory_space<vmem>> -> memref<1x128xi32, #tpu.memory_space<vmem>>
        %dma_start3A_172 = tpu.memref_squeeze %dma_start3A_171 : memref<1x128xi32, #tpu.memory_space<vmem>> -> memref<128xi32, #tpu.memory_space<vmem>>
        %dma_start3A_173 = arith.constant 0 : i32
        %dma_start3A_174 = arith.constant 0 : i32
        %dma_start3A_175 = tpu.memref_slice %arg11[%dma_start3A_173, %dma_start3A_174] : memref<10240x128xf32, #tpu.memory_space<vmem_shared>> -> memref<10240x128xf32, #tpu.memory_space<vmem_shared>>
        tpu.enqueue_indirect_dma source(%arg12 : memref<128x128xf32, #tpu.memory_space<vmem>>) target(%dma_start3A_175 : memref<10240x128xf32, #tpu.memory_space<vmem_shared>>) offsets(%dma_start3A_172 : memref<128xi32, #tpu.memory_space<vmem>>) semaphore(%run_scoped3A_169 : memref<!tpu.dma_semaphore, #tpu.memory_space<semaphore_mem>>) {add = true}
        %dma_wait3A_176 = arith.constant 0 : i32
        %dma_wait3A_177 = tpu.memref_slice %arg10[%add3A_136, %dma_wait3A_176] : memref<40x128xi32, #tpu.memory_space<vmem>> -> memref<1x128xi32, #tpu.memory_space<vmem>>
        %dma_wait3A_178 = tpu.memref_squeeze %dma_wait3A_177 : memref<1x128xi32, #tpu.memory_space<vmem>> -> memref<128xi32, #tpu.memory_space<vmem>>
        %dma_wait3A_179 = arith.constant 0 : i32
        %dma_wait3A_180 = arith.constant 0 : i32
        %dma_wait3A_181 = tpu.memref_slice %arg11[%dma_wait3A_179, %dma_wait3A_180] : memref<10240x128xf32, #tpu.memory_space<vmem_shared>> -> memref<10240x128xf32, #tpu.memory_space<vmem_shared>>
        tpu.wait_indirect_dma semaphore(%run_scoped3A_169 : memref<!tpu.dma_semaphore, #tpu.memory_space<semaphore_mem>>) src(%arg12 : memref<128x128xf32, #tpu.memory_space<vmem>>) dst(%dma_wait3A_181 : memref<10240x128xf32, #tpu.memory_space<vmem_shared>>)
        tpu.yield
      }) : () -> ()
      "tpu.region"() ({
        %run_scoped3A_169 = tpu.sem_alloc : memref<!tpu.dma_semaphore, #tpu.memory_space<semaphore_mem>>
        %dma_start3A_170 = arith.constant 0 : i32
        %dma_start3A_171 = tpu.memref_slice %arg10[%add3A_136, %dma_start3A_170] : memref<40x128xi32, #tpu.memory_space<vmem>> -> memref<1x128xi32, #tpu.memory_space<vmem>>
        %dma_start3A_172 = tpu.memref_squeeze %dma_start3A_171 : memref<1x128xi32, #tpu.memory_space<vmem>> -> memref<128xi32, #tpu.memory_space<vmem>>
        %dma_start3A_173 = arith.constant 0 : i32
        %dma_start3A_174 = tpu.memref_slice %arg17[%dma_start3A_173] : memref<10240xf32, #tpu.memory_space<vmem_shared>> -> memref<10240xf32, #tpu.memory_space<vmem_shared>>
        tpu.enqueue_indirect_dma source(%arg16 : memref<128xf32, #tpu.memory_space<vmem>>) target(%dma_start3A_174 : memref<10240xf32, #tpu.memory_space<vmem_shared>>) offsets(%dma_start3A_172 : memref<128xi32, #tpu.memory_space<vmem>>) semaphore(%run_scoped3A_169 : memref<!tpu.dma_semaphore, #tpu.memory_space<semaphore_mem>>) {add = true}
        %dma_wait3A_175 = arith.constant 0 : i32
        %dma_wait3A_176 = tpu.memref_slice %arg10[%add3A_136, %dma_wait3A_175] : memref<40x128xi32, #tpu.memory_space<vmem>> -> memref<1x128xi32, #tpu.memory_space<vmem>>
        %dma_wait3A_177 = tpu.memref_squeeze %dma_wait3A_176 : memref<1x128xi32, #tpu.memory_space<vmem>> -> memref<128xi32, #tpu.memory_space<vmem>>
        %dma_wait3A_178 = arith.constant 0 : i32
        %dma_wait3A_179 = tpu.memref_slice %arg17[%dma_wait3A_178] : memref<10240xf32, #tpu.memory_space<vmem_shared>> -> memref<10240xf32, #tpu.memory_space<vmem_shared>>
        tpu.wait_indirect_dma semaphore(%run_scoped3A_169 : memref<!tpu.dma_semaphore, #tpu.memory_space<semaphore_mem>>) src(%arg16 : memref<128xf32, #tpu.memory_space<vmem>>) dst(%dma_wait3A_179 : memref<10240xf32, #tpu.memory_space<vmem_shared>>)
        tpu.yield
      }) : () -> ()
      %add3A_143 = arith.constant 2 : i32
      %add3A_144 = arith.addi %add3A_136, %add3A_143 : i32
      %dma_start3A_145 = arith.constant 0 : i32
      %dma_start3A_146 = tpu.memref_slice %arg9[%add3A_144, %dma_start3A_145] : memref<40x128xi32, #tpu.memory_space<vmem>> -> memref<1x128xi32, #tpu.memory_space<vmem>>
      %dma_start3A_147 = tpu.memref_squeeze %dma_start3A_146 : memref<1x128xi32, #tpu.memory_space<vmem>> -> memref<128xi32, #tpu.memory_space<vmem>>
      %dma_start3A_148 = arith.constant 0 : i32
      %dma_start3A_149 = arith.constant 0 : i32
      %dma_start3A_150 = tpu.memref_slice %arg2[%dma_start3A_148, %dma_start3A_149] : memref<10240x128xf32, #tpu.memory_space<hbm>> -> memref<10240x128xf32, #tpu.memory_space<hbm>>
      tpu.enqueue_indirect_dma source(%dma_start3A_150 : memref<10240x128xf32, #tpu.memory_space<hbm>>) target(%arg12 : memref<128x128xf32, #tpu.memory_space<vmem>>) offsets(%dma_start3A_147 : memref<128xi32, #tpu.memory_space<vmem>>) semaphore(%arg14 : memref<!tpu.dma_semaphore, #tpu.memory_space<semaphore_mem>>)
      %mul3A_151 = arith.constant 2 : i32
      %mul3A_152 = arith.muli %scan3A_132, %mul3A_151 : i32
      %add3A_153 = arith.constant 1 : i32
      %add3A_154 = arith.addi %mul3A_152, %add3A_153 : i32
      %dma_wait3A_155 = arith.constant 0 : i32
      %dma_wait3A_156 = tpu.memref_slice %arg9[%add3A_154, %dma_wait3A_155] : memref<40x128xi32, #tpu.memory_space<vmem>> -> memref<1x128xi32, #tpu.memory_space<vmem>>
      %dma_wait3A_157 = tpu.memref_squeeze %dma_wait3A_156 : memref<1x128xi32, #tpu.memory_space<vmem>> -> memref<128xi32, #tpu.memory_space<vmem>>
      %dma_wait3A_158 = arith.constant 0 : i32
      %dma_wait3A_159 = arith.constant 0 : i32
      %dma_wait3A_160 = tpu.memref_slice %arg2[%dma_wait3A_158, %dma_wait3A_159] : memref<10240x128xf32, #tpu.memory_space<hbm>> -> memref<10240x128xf32, #tpu.memory_space<hbm>>
      tpu.wait_indirect_dma semaphore(%arg15 : memref<!tpu.dma_semaphore, #tpu.memory_space<semaphore_mem>>) src(%dma_wait3A_160 : memref<10240x128xf32, #tpu.memory_space<hbm>>) dst(%arg13 : memref<128x128xf32, #tpu.memory_space<vmem>>)
      "tpu.region"() ({
        %run_scoped3A_169 = tpu.sem_alloc : memref<!tpu.dma_semaphore, #tpu.memory_space<semaphore_mem>>
        %dma_start3A_170 = arith.constant 0 : i32
        %dma_start3A_171 = tpu.memref_slice %arg10[%add3A_154, %dma_start3A_170] : memref<40x128xi32, #tpu.memory_space<vmem>> -> memref<1x128xi32, #tpu.memory_space<vmem>>
        %dma_start3A_172 = tpu.memref_squeeze %dma_start3A_171 : memref<1x128xi32, #tpu.memory_space<vmem>> -> memref<128xi32, #tpu.memory_space<vmem>>
        %dma_start3A_173 = arith.constant 0 : i32
        %dma_start3A_174 = arith.constant 0 : i32
        %dma_start3A_175 = tpu.memref_slice %arg11[%dma_start3A_173, %dma_start3A_174] : memref<10240x128xf32, #tpu.memory_space<vmem_shared>> -> memref<10240x128xf32, #tpu.memory_space<vmem_shared>>
        tpu.enqueue_indirect_dma source(%arg13 : memref<128x128xf32, #tpu.memory_space<vmem>>) target(%dma_start3A_175 : memref<10240x128xf32, #tpu.memory_space<vmem_shared>>) offsets(%dma_start3A_172 : memref<128xi32, #tpu.memory_space<vmem>>) semaphore(%run_scoped3A_169 : memref<!tpu.dma_semaphore, #tpu.memory_space<semaphore_mem>>) {add = true}
        %dma_wait3A_176 = arith.constant 0 : i32
        %dma_wait3A_177 = tpu.memref_slice %arg10[%add3A_154, %dma_wait3A_176] : memref<40x128xi32, #tpu.memory_space<vmem>> -> memref<1x128xi32, #tpu.memory_space<vmem>>
        %dma_wait3A_178 = tpu.memref_squeeze %dma_wait3A_177 : memref<1x128xi32, #tpu.memory_space<vmem>> -> memref<128xi32, #tpu.memory_space<vmem>>
        %dma_wait3A_179 = arith.constant 0 : i32
        %dma_wait3A_180 = arith.constant 0 : i32
        %dma_wait3A_181 = tpu.memref_slice %arg11[%dma_wait3A_179, %dma_wait3A_180] : memref<10240x128xf32, #tpu.memory_space<vmem_shared>> -> memref<10240x128xf32, #tpu.memory_space<vmem_shared>>
        tpu.wait_indirect_dma semaphore(%run_scoped3A_169 : memref<!tpu.dma_semaphore, #tpu.memory_space<semaphore_mem>>) src(%arg13 : memref<128x128xf32, #tpu.memory_space<vmem>>) dst(%dma_wait3A_181 : memref<10240x128xf32, #tpu.memory_space<vmem_shared>>)
        tpu.yield
      }) : () -> ()
      "tpu.region"() ({
        %run_scoped3A_169 = tpu.sem_alloc : memref<!tpu.dma_semaphore, #tpu.memory_space<semaphore_mem>>
        %dma_start3A_170 = arith.constant 0 : i32
        %dma_start3A_171 = tpu.memref_slice %arg10[%add3A_154, %dma_start3A_170] : memref<40x128xi32, #tpu.memory_space<vmem>> -> memref<1x128xi32, #tpu.memory_space<vmem>>
        %dma_start3A_172 = tpu.memref_squeeze %dma_start3A_171 : memref<1x128xi32, #tpu.memory_space<vmem>> -> memref<128xi32, #tpu.memory_space<vmem>>
        %dma_start3A_173 = arith.constant 0 : i32
        %dma_start3A_174 = tpu.memref_slice %arg17[%dma_start3A_173] : memref<10240xf32, #tpu.memory_space<vmem_shared>> -> memref<10240xf32, #tpu.memory_space<vmem_shared>>
        tpu.enqueue_indirect_dma source(%arg16 : memref<128xf32, #tpu.memory_space<vmem>>) target(%dma_start3A_174 : memref<10240xf32, #tpu.memory_space<vmem_shared>>) offsets(%dma_start3A_172 : memref<128xi32, #tpu.memory_space<vmem>>) semaphore(%run_scoped3A_169 : memref<!tpu.dma_semaphore, #tpu.memory_space<semaphore_mem>>) {add = true}
        %dma_wait3A_175 = arith.constant 0 : i32
        %dma_wait3A_176 = tpu.memref_slice %arg10[%add3A_154, %dma_wait3A_175] : memref<40x128xi32, #tpu.memory_space<vmem>> -> memref<1x128xi32, #tpu.memory_space<vmem>>
        %dma_wait3A_177 = tpu.memref_squeeze %dma_wait3A_176 : memref<1x128xi32, #tpu.memory_space<vmem>> -> memref<128xi32, #tpu.memory_space<vmem>>
        %dma_wait3A_178 = arith.constant 0 : i32
        %dma_wait3A_179 = tpu.memref_slice %arg17[%dma_wait3A_178] : memref<10240xf32, #tpu.memory_space<vmem_shared>> -> memref<10240xf32, #tpu.memory_space<vmem_shared>>
        tpu.wait_indirect_dma semaphore(%run_scoped3A_169 : memref<!tpu.dma_semaphore, #tpu.memory_space<semaphore_mem>>) src(%arg16 : memref<128xf32, #tpu.memory_space<vmem>>) dst(%dma_wait3A_179 : memref<10240xf32, #tpu.memory_space<vmem_shared>>)
        tpu.yield
      }) : () -> ()
      %add3A_161 = arith.constant 2 : i32
      %add3A_162 = arith.addi %add3A_154, %add3A_161 : i32
      %dma_start3A_163 = arith.constant 0 : i32
      %dma_start3A_164 = tpu.memref_slice %arg9[%add3A_162, %dma_start3A_163] : memref<40x128xi32, #tpu.memory_space<vmem>> -> memref<1x128xi32, #tpu.memory_space<vmem>>
      %dma_start3A_165 = tpu.memref_squeeze %dma_start3A_164 : memref<1x128xi32, #tpu.memory_space<vmem>> -> memref<128xi32, #tpu.memory_space<vmem>>
      %dma_start3A_166 = arith.constant 0 : i32
      %dma_start3A_167 = arith.constant 0 : i32
      %dma_start3A_168 = tpu.memref_slice %arg2[%dma_start3A_166, %dma_start3A_167] : memref<10240x128xf32, #tpu.memory_space<hbm>> -> memref<10240x128xf32, #tpu.memory_space<hbm>>
      tpu.enqueue_indirect_dma source(%dma_start3A_168 : memref<10240x128xf32, #tpu.memory_space<hbm>>) target(%arg13 : memref<128x128xf32, #tpu.memory_space<vmem>>) offsets(%dma_start3A_165 : memref<128xi32, #tpu.memory_space<vmem>>) semaphore(%arg15 : memref<!tpu.dma_semaphore, #tpu.memory_space<semaphore_mem>>)
    }
    %scan3A_112 = arith.constant 19 : i32
    %dma_wait3A_113 = arith.constant 38 : i32
    %dma_wait3A_114 = arith.constant 0 : i32
    %dma_wait3A_115 = tpu.memref_slice %arg9[%dma_wait3A_113, %dma_wait3A_114] : memref<40x128xi32, #tpu.memory_space<vmem>> -> memref<1x128xi32, #tpu.memory_space<vmem>>
    %dma_wait3A_116 = tpu.memref_squeeze %dma_wait3A_115 : memref<1x128xi32, #tpu.memory_space<vmem>> -> memref<128xi32, #tpu.memory_space<vmem>>
    %dma_wait3A_117 = arith.constant 0 : i32
    %dma_wait3A_118 = arith.constant 0 : i32
    %dma_wait3A_119 = tpu.memref_slice %arg2[%dma_wait3A_117, %dma_wait3A_118] : memref<10240x128xf32, #tpu.memory_space<hbm>> -> memref<10240x128xf32, #tpu.memory_space<hbm>>
    tpu.wait_indirect_dma semaphore(%arg14 : memref<!tpu.dma_semaphore, #tpu.memory_space<semaphore_mem>>) src(%dma_wait3A_119 : memref<10240x128xf32, #tpu.memory_space<hbm>>) dst(%arg12 : memref<128x128xf32, #tpu.memory_space<vmem>>)
    %run_scoped3A_120 = arith.constant 38 : i32
    "tpu.region"() ({
      %run_scoped3A_132 = tpu.sem_alloc : memref<!tpu.dma_semaphore, #tpu.memory_space<semaphore_mem>>
      %dma_start3A_133 = arith.constant 0 : i32
      %dma_start3A_134 = tpu.memref_slice %arg10[%run_scoped3A_120, %dma_start3A_133] : memref<40x128xi32, #tpu.memory_space<vmem>> -> memref<1x128xi32, #tpu.memory_space<vmem>>
      %dma_start3A_135 = tpu.memref_squeeze %dma_start3A_134 : memref<1x128xi32, #tpu.memory_space<vmem>> -> memref<128xi32, #tpu.memory_space<vmem>>
      %dma_start3A_136 = arith.constant 0 : i32
      %dma_start3A_137 = arith.constant 0 : i32
      %dma_start3A_138 = tpu.memref_slice %arg11[%dma_start3A_136, %dma_start3A_137] : memref<10240x128xf32, #tpu.memory_space<vmem_shared>> -> memref<10240x128xf32, #tpu.memory_space<vmem_shared>>
      tpu.enqueue_indirect_dma source(%arg12 : memref<128x128xf32, #tpu.memory_space<vmem>>) target(%dma_start3A_138 : memref<10240x128xf32, #tpu.memory_space<vmem_shared>>) offsets(%dma_start3A_135 : memref<128xi32, #tpu.memory_space<vmem>>) semaphore(%run_scoped3A_132 : memref<!tpu.dma_semaphore, #tpu.memory_space<semaphore_mem>>) {add = true}
      %dma_wait3A_139 = arith.constant 0 : i32
      %dma_wait3A_140 = tpu.memref_slice %arg10[%run_scoped3A_120, %dma_wait3A_139] : memref<40x128xi32, #tpu.memory_space<vmem>> -> memref<1x128xi32, #tpu.memory_space<vmem>>
      %dma_wait3A_141 = tpu.memref_squeeze %dma_wait3A_140 : memref<1x128xi32, #tpu.memory_space<vmem>> -> memref<128xi32, #tpu.memory_space<vmem>>
      %dma_wait3A_142 = arith.constant 0 : i32
      %dma_wait3A_143 = arith.constant 0 : i32
      %dma_wait3A_144 = tpu.memref_slice %arg11[%dma_wait3A_142, %dma_wait3A_143] : memref<10240x128xf32, #tpu.memory_space<vmem_shared>> -> memref<10240x128xf32, #tpu.memory_space<vmem_shared>>
      tpu.wait_indirect_dma semaphore(%run_scoped3A_132 : memref<!tpu.dma_semaphore, #tpu.memory_space<semaphore_mem>>) src(%arg12 : memref<128x128xf32, #tpu.memory_space<vmem>>) dst(%dma_wait3A_144 : memref<10240x128xf32, #tpu.memory_space<vmem_shared>>)
      tpu.yield
    }) : () -> ()
    %run_scoped3A_121 = arith.constant 38 : i32
    "tpu.region"() ({
      %run_scoped3A_132 = tpu.sem_alloc : memref<!tpu.dma_semaphore, #tpu.memory_space<semaphore_mem>>
      %dma_start3A_133 = arith.constant 0 : i32
      %dma_start3A_134 = tpu.memref_slice %arg10[%run_scoped3A_121, %dma_start3A_133] : memref<40x128xi32, #tpu.memory_space<vmem>> -> memref<1x128xi32, #tpu.memory_space<vmem>>
      %dma_start3A_135 = tpu.memref_squeeze %dma_start3A_134 : memref<1x128xi32, #tpu.memory_space<vmem>> -> memref<128xi32, #tpu.memory_space<vmem>>
      %dma_start3A_136 = arith.constant 0 : i32
      %dma_start3A_137 = tpu.memref_slice %arg17[%dma_start3A_136] : memref<10240xf32, #tpu.memory_space<vmem_shared>> -> memref<10240xf32, #tpu.memory_space<vmem_shared>>
      tpu.enqueue_indirect_dma source(%arg16 : memref<128xf32, #tpu.memory_space<vmem>>) target(%dma_start3A_137 : memref<10240xf32, #tpu.memory_space<vmem_shared>>) offsets(%dma_start3A_135 : memref<128xi32, #tpu.memory_space<vmem>>) semaphore(%run_scoped3A_132 : memref<!tpu.dma_semaphore, #tpu.memory_space<semaphore_mem>>) {add = true}
      %dma_wait3A_138 = arith.constant 0 : i32
      %dma_wait3A_139 = tpu.memref_slice %arg10[%run_scoped3A_121, %dma_wait3A_138] : memref<40x128xi32, #tpu.memory_space<vmem>> -> memref<1x128xi32, #tpu.memory_space<vmem>>
      %dma_wait3A_140 = tpu.memref_squeeze %dma_wait3A_139 : memref<1x128xi32, #tpu.memory_space<vmem>> -> memref<128xi32, #tpu.memory_space<vmem>>
      %dma_wait3A_141 = arith.constant 0 : i32
      %dma_wait3A_142 = tpu.memref_slice %arg17[%dma_wait3A_141] : memref<10240xf32, #tpu.memory_space<vmem_shared>> -> memref<10240xf32, #tpu.memory_space<vmem_shared>>
      tpu.wait_indirect_dma semaphore(%run_scoped3A_132 : memref<!tpu.dma_semaphore, #tpu.memory_space<semaphore_mem>>) src(%arg16 : memref<128xf32, #tpu.memory_space<vmem>>) dst(%dma_wait3A_142 : memref<10240xf32, #tpu.memory_space<vmem_shared>>)
      tpu.yield
    }) : () -> ()
    %dma_wait3A_122 = arith.constant 39 : i32
    %dma_wait3A_123 = arith.constant 0 : i32
    %dma_wait3A_124 = tpu.memref_slice %arg9[%dma_wait3A_122, %dma_wait3A_123] : memref<40x128xi32, #tpu.memory_space<vmem>> -> memref<1x128xi32, #tpu.memory_space<vmem>>
    %dma_wait3A_125 = tpu.memref_squeeze %dma_wait3A_124 : memref<1x128xi32, #tpu.memory_space<vmem>> -> memref<128xi32, #tpu.memory_space<vmem>>
    %dma_wait3A_126 = arith.constant 0 : i32
    %dma_wait3A_127 = arith.constant 0 : i32
    %dma_wait3A_128 = tpu.memref_slice %arg2[%dma_wait3A_126, %dma_wait3A_127] : memref<10240x128xf32, #tpu.memory_space<hbm>> -> memref<10240x128xf32, #tpu.memory_space<hbm>>
    tpu.wait_indirect_dma semaphore(%arg15 : memref<!tpu.dma_semaphore, #tpu.memory_space<semaphore_mem>>) src(%dma_wait3A_128 : memref<10240x128xf32, #tpu.memory_space<hbm>>) dst(%arg13 : memref<128x128xf32, #tpu.memory_space<vmem>>)
    %run_scoped3A_129 = arith.constant 39 : i32
    "tpu.region"() ({
      %run_scoped3A_132 = tpu.sem_alloc : memref<!tpu.dma_semaphore, #tpu.memory_space<semaphore_mem>>
      %dma_start3A_133 = arith.constant 0 : i32
      %dma_start3A_134 = tpu.memref_slice %arg10[%run_scoped3A_129, %dma_start3A_133] : memref<40x128xi32, #tpu.memory_space<vmem>> -> memref<1x128xi32, #tpu.memory_space<vmem>>
      %dma_start3A_135 = tpu.memref_squeeze %dma_start3A_134 : memref<1x128xi32, #tpu.memory_space<vmem>> -> memref<128xi32, #tpu.memory_space<vmem>>
      %dma_start3A_136 = arith.constant 0 : i32
      %dma_start3A_137 = arith.constant 0 : i32
      %dma_start3A_138 = tpu.memref_slice %arg11[%dma_start3A_136, %dma_start3A_137] : memref<10240x128xf32, #tpu.memory_space<vmem_shared>> -> memref<10240x128xf32, #tpu.memory_space<vmem_shared>>
      tpu.enqueue_indirect_dma source(%arg13 : memref<128x128xf32, #tpu.memory_space<vmem>>) target(%dma_start3A_138 : memref<10240x128xf32, #tpu.memory_space<vmem_shared>>) offsets(%dma_start3A_135 : memref<128xi32, #tpu.memory_space<vmem>>) semaphore(%run_scoped3A_132 : memref<!tpu.dma_semaphore, #tpu.memory_space<semaphore_mem>>) {add = true}
      %dma_wait3A_139 = arith.constant 0 : i32
      %dma_wait3A_140 = tpu.memref_slice %arg10[%run_scoped3A_129, %dma_wait3A_139] : memref<40x128xi32, #tpu.memory_space<vmem>> -> memref<1x128xi32, #tpu.memory_space<vmem>>
      %dma_wait3A_141 = tpu.memref_squeeze %dma_wait3A_140 : memref<1x128xi32, #tpu.memory_space<vmem>> -> memref<128xi32, #tpu.memory_space<vmem>>
      %dma_wait3A_142 = arith.constant 0 : i32
      %dma_wait3A_143 = arith.constant 0 : i32
      %dma_wait3A_144 = tpu.memref_slice %arg11[%dma_wait3A_142, %dma_wait3A_143] : memref<10240x128xf32, #tpu.memory_space<vmem_shared>> -> memref<10240x128xf32, #tpu.memory_space<vmem_shared>>
      tpu.wait_indirect_dma semaphore(%run_scoped3A_132 : memref<!tpu.dma_semaphore, #tpu.memory_space<semaphore_mem>>) src(%arg13 : memref<128x128xf32, #tpu.memory_space<vmem>>) dst(%dma_wait3A_144 : memref<10240x128xf32, #tpu.memory_space<vmem_shared>>)
      tpu.yield
    }) : () -> ()
    %run_scoped3A_130 = arith.constant 39 : i32
    "tpu.region"() ({
      %run_scoped3A_132 = tpu.sem_alloc : memref<!tpu.dma_semaphore, #tpu.memory_space<semaphore_mem>>
      %dma_start3A_133 = arith.constant 0 : i32
      %dma_start3A_134 = tpu.memref_slice %arg10[%run_scoped3A_130, %dma_start3A_133] : memref<40x128xi32, #tpu.memory_space<vmem>> -> memref<1x128xi32, #tpu.memory_space<vmem>>
      %dma_start3A_135 = tpu.memref_squeeze %dma_start3A_134 : memref<1x128xi32, #tpu.memory_space<vmem>> -> memref<128xi32, #tpu.memory_space<vmem>>
      %dma_start3A_136 = arith.constant 0 : i32
      %dma_start3A_137 = tpu.memref_slice %arg17[%dma_start3A_136] : memref<10240xf32, #tpu.memory_space<vmem_shared>> -> memref<10240xf32, #tpu.memory_space<vmem_shared>>
      tpu.enqueue_indirect_dma source(%arg16 : memref<128xf32, #tpu.memory_space<vmem>>) target(%dma_start3A_137 : memref<10240xf32, #tpu.memory_space<vmem_shared>>) offsets(%dma_start3A_135 : memref<128xi32, #tpu.memory_space<vmem>>) semaphore(%run_scoped3A_132 : memref<!tpu.dma_semaphore, #tpu.memory_space<semaphore_mem>>) {add = true}
      %dma_wait3A_138 = arith.constant 0 : i32
      %dma_wait3A_139 = tpu.memref_slice %arg10[%run_scoped3A_130, %dma_wait3A_138] : memref<40x128xi32, #tpu.memory_space<vmem>> -> memref<1x128xi32, #tpu.memory_space<vmem>>
      %dma_wait3A_140 = tpu.memref_squeeze %dma_wait3A_139 : memref<1x128xi32, #tpu.memory_space<vmem>> -> memref<128xi32, #tpu.memory_space<vmem>>
      %dma_wait3A_141 = arith.constant 0 : i32
      %dma_wait3A_142 = tpu.memref_slice %arg17[%dma_wait3A_141] : memref<10240xf32, #tpu.memory_space<vmem_shared>> -> memref<10240xf32, #tpu.memory_space<vmem_shared>>
      tpu.wait_indirect_dma semaphore(%run_scoped3A_132 : memref<!tpu.dma_semaphore, #tpu.memory_space<semaphore_mem>>) src(%arg16 : memref<128xf32, #tpu.memory_space<vmem>>) dst(%dma_wait3A_142 : memref<10240xf32, #tpu.memory_space<vmem_shared>>)
      tpu.yield
    }) : () -> ()
    %barrier3A_131 = arith.constant 0 : index
    tpu.barrier barrier_id(%barrier3A_131)
    "tpu.region"() ({
      %run_scoped3A_132 = tpu.sem_alloc : memref<!tpu.dma_semaphore, #tpu.memory_space<semaphore_mem>>
      %dma_start3A_133 = arith.constant 0 : i32
      %dma_start3A_134 = tpu.memref_slice %arg7[%arg0, %multiple_of3A, %dma_start3A_133] : memref<2x10240x128xf32, #tpu.memory_space<hbm>> -> memref<1x640x128xf32, #tpu.memory_space<hbm>>
      %dma_start3A_135 = tpu.memref_squeeze %dma_start3A_134 : memref<1x640x128xf32, #tpu.memory_space<hbm>> -> memref<640x128xf32, #tpu.memory_space<hbm>>
      %dma_start3A_136 = arith.constant 0 : i32
      %dma_start3A_137 = tpu.memref_slice %arg11[%multiple_of3A, %dma_start3A_136] : memref<10240x128xf32, #tpu.memory_space<vmem_shared>> -> memref<640x128xf32, #tpu.memory_space<vmem_shared>>
      tpu.enqueue_dma source(%dma_start3A_137 : memref<640x128xf32, #tpu.memory_space<vmem_shared>>) target(%dma_start3A_135 : memref<640x128xf32, #tpu.memory_space<hbm>>) target_semaphore(%run_scoped3A_132 : memref<!tpu.dma_semaphore, #tpu.memory_space<semaphore_mem>>)
      %dma_wait3A_138 = arith.constant 0 : i32
      %dma_wait3A_139 = tpu.memref_slice %arg7[%arg0, %multiple_of3A, %dma_wait3A_138] : memref<2x10240x128xf32, #tpu.memory_space<hbm>> -> memref<1x640x128xf32, #tpu.memory_space<hbm>>
      %dma_wait3A_140 = tpu.memref_squeeze %dma_wait3A_139 : memref<1x640x128xf32, #tpu.memory_space<hbm>> -> memref<640x128xf32, #tpu.memory_space<hbm>>
      %dma_wait3A_141 = arith.constant 0 : i32
      %dma_wait3A_142 = tpu.memref_slice %arg11[%multiple_of3A, %dma_wait3A_141] : memref<10240x128xf32, #tpu.memory_space<vmem_shared>> -> memref<640x128xf32, #tpu.memory_space<vmem_shared>>
      tpu.wait_dma2 semaphore(%run_scoped3A_132 : memref<!tpu.dma_semaphore, #tpu.memory_space<semaphore_mem>>) src(%dma_wait3A_142 : memref<640x128xf32, #tpu.memory_space<vmem_shared>>) dst(%dma_wait3A_140 : memref<640x128xf32, #tpu.memory_space<hbm>>)
      tpu.yield
    }) : () -> ()
    "tpu.region"() ({
      %run_scoped3A_132 = tpu.sem_alloc : memref<!tpu.dma_semaphore, #tpu.memory_space<semaphore_mem>>
      %dma_start3A_133 = tpu.memref_slice %arg8[%arg0, %multiple_of3A] : memref<2x10240xf32, #tpu.memory_space<hbm>> -> memref<1x640xf32, #tpu.memory_space<hbm>>
      %dma_start3A_134 = tpu.memref_squeeze %dma_start3A_133 : memref<1x640xf32, #tpu.memory_space<hbm>> -> memref<640xf32, #tpu.memory_space<hbm>>
      %dma_start3A_135 = tpu.memref_slice %arg17[%multiple_of3A] : memref<10240xf32, #tpu.memory_space<vmem_shared>> -> memref<640xf32, #tpu.memory_space<vmem_shared>>
      tpu.enqueue_dma source(%dma_start3A_135 : memref<640xf32, #tpu.memory_space<vmem_shared>>) target(%dma_start3A_134 : memref<640xf32, #tpu.memory_space<hbm>>) target_semaphore(%run_scoped3A_132 : memref<!tpu.dma_semaphore, #tpu.memory_space<semaphore_mem>>)
      %dma_wait3A_136 = tpu.memref_slice %arg8[%arg0, %multiple_of3A] : memref<2x10240xf32, #tpu.memory_space<hbm>> -> memref<1x640xf32, #tpu.memory_space<hbm>>
      %dma_wait3A_137 = tpu.memref_squeeze %dma_wait3A_136 : memref<1x640xf32, #tpu.memory_space<hbm>> -> memref<640xf32, #tpu.memory_space<hbm>>
      %dma_wait3A_138 = tpu.memref_slice %arg17[%multiple_of3A] : memref<10240xf32, #tpu.memory_space<vmem_shared>> -> memref<640xf32, #tpu.memory_space<vmem_shared>>
      tpu.wait_dma2 semaphore(%run_scoped3A_132 : memref<!tpu.dma_semaphore, #tpu.memory_space<semaphore_mem>>) src(%dma_wait3A_138 : memref<640xf32, #tpu.memory_space<vmem_shared>>) dst(%dma_wait3A_137 : memref<640xf32, #tpu.memory_space<hbm>>)
      tpu.yield
    }) : () -> ()
    return
  }
}

module attributes {stable_mosaic.version = 14 : i64} {
  func.func @body(%arg0: i32, %arg1: memref<640x128xf32, #tpu.memory_space<vmem>>, %arg2: memref<2x640x128xf32, #tpu.memory_space<vmem>>, %arg3: memref<2x640x1xf32, #tpu.memory_space<vmem>>, %arg4: memref<128x128xf32, #tpu.memory_space<vmem>>, %arg5: memref<128x128xf32, #tpu.memory_space<vmem>>, %arg6: memref<1x128xf32, #tpu.memory_space<vmem>>, %arg7: memref<640x128xf32, #tpu.memory_space<vmem>>) attributes {dimension_semantics = [#tpu.dimension_semantics<arbitrary>], iteration_bounds = array<i64: 16>, scalar_prefetch = 0 : i64, scratch_operands = 0 : i64, tpu.core_type = #tpu.core_type<tc>, window_params = [{transform_indices = @transform_0, window_bounds = array<i64: 640, 128>}, {transform_indices = @transform_1, window_bounds = array<i64: 2, 640, 128>}, {transform_indices = @transform_2, window_bounds = array<i64: 2, 640, 1>}, {pipeline_mode = #tpu.pipeline_mode<synchronous>, transform_indices = @transform_3, window_bounds = array<i64: 128, 128>}, {pipeline_mode = #tpu.pipeline_mode<synchronous>, transform_indices = @transform_4, window_bounds = array<i64: 128, 128>}, {pipeline_mode = #tpu.pipeline_mode<synchronous>, transform_indices = @transform_5, window_bounds = array<i64: 1, 128>}, {transform_indices = @transform_6, window_bounds = array<i64: 640, 128>}]} {
    %get3A = arith.constant 0 : index
    %get3A_0 = arith.constant 0 : index
    %get3A_1 = vector.load %arg1[%get3A, %get3A_0] : memref<640x128xf32, #tpu.memory_space<vmem>>, vector<640x128xf32>
    %get3A_2 = arith.constant 0 : index
    %get3A_3 = arith.constant 0 : index
    %get3A_4 = arith.constant 0 : index
    %get3A_5 = vector.load %arg2[%get3A_2, %get3A_3, %get3A_4] : memref<2x640x128xf32, #tpu.memory_space<vmem>>, vector<1x640x128xf32>
    %get3A_6 = vector.shape_cast %get3A_5 : vector<1x640x128xf32> to vector<640x128xf32>
    %get3A_7 = arith.constant 1 : index
    %get3A_8 = arith.constant 0 : index
    %get3A_9 = arith.constant 0 : index
    %get3A_10 = vector.load %arg2[%get3A_7, %get3A_8, %get3A_9] : memref<2x640x128xf32, #tpu.memory_space<vmem>>, vector<1x640x128xf32>
    %get3A_11 = vector.shape_cast %get3A_10 : vector<1x640x128xf32> to vector<640x128xf32>
    %add3A = arith.addf %get3A_6, %get3A_11 : vector<640x128xf32>
    %get3A_12 = arith.constant 0 : index
    %get3A_13 = arith.constant 0 : index
    %get3A_14 = arith.constant 0 : index
    %get3A_15 = vector.load %arg3[%get3A_12, %get3A_13, %get3A_14] : memref<2x640x1xf32, #tpu.memory_space<vmem>>, vector<1x640x1xf32>
    %get3A_16 = vector.shape_cast %get3A_15 : vector<1x640x1xf32> to vector<640x1xf32>
    %get3A_17 = arith.constant 1 : index
    %get3A_18 = arith.constant 0 : index
    %get3A_19 = arith.constant 0 : index
    %get3A_20 = vector.load %arg3[%get3A_17, %get3A_18, %get3A_19] : memref<2x640x1xf32, #tpu.memory_space<vmem>>, vector<1x640x1xf32>
    %get3A_21 = vector.shape_cast %get3A_20 : vector<1x640x1xf32> to vector<640x1xf32>
    %add3A_22 = arith.addf %get3A_16, %get3A_21 : vector<640x1xf32>
    %max3A = arith.constant 1.000000e+00 : f32
    %max3A_23 = vector.broadcast %max3A : f32 to vector<640x1xf32>
    %max3A_24 = arith.maximumf %add3A_22, %max3A_23 : vector<640x1xf32>
    %div3A = arith.constant 1.000000e+00 : f32
    %div3A_25 = vector.broadcast %div3A : f32 to vector<640x1xf32>
    %div3A_26 = arith.divf %div3A_25, %max3A_24 : vector<640x1xf32>
    %mul3A = vector.broadcast %div3A_26 : vector<640x1xf32> to vector<640x128xf32>
    %mul3A_27 = arith.mulf %add3A, %mul3A : vector<640x128xf32>
    %get3A_28 = arith.constant 0 : index
    %get3A_29 = arith.constant 0 : index
    %get3A_30 = vector.load %arg4[%get3A_28, %get3A_29] : memref<128x128xf32, #tpu.memory_space<vmem>>, vector<128x128xf32>
    %dot_general3A = arith.constant dense<0.000000e+00> : vector<640x128xf32>
    %dot_general3A_31 = tpu.matmul %get3A_1, %get3A_30, %dot_general3A {dimension_numbers = #tpu.dot_dimension_numbers<[1], [0], [0], [1], [0, 0, 1, 1], [], []>, transpose_lhs_hint = false} : vector<640x128xf32>, vector<128x128xf32>, vector<640x128xf32> -> vector<640x128xf32>
    %get3A_32 = arith.constant 0 : index
    %get3A_33 = arith.constant 0 : index
    %get3A_34 = vector.load %arg5[%get3A_32, %get3A_33] : memref<128x128xf32, #tpu.memory_space<vmem>>, vector<128x128xf32>
    %dot_general3A_35 = arith.constant dense<0.000000e+00> : vector<640x128xf32>
    %dot_general3A_36 = tpu.matmul %mul3A_27, %get3A_34, %dot_general3A_35 {dimension_numbers = #tpu.dot_dimension_numbers<[1], [0], [0], [1], [0, 0, 1, 1], [], []>, transpose_lhs_hint = false} : vector<640x128xf32>, vector<128x128xf32>, vector<640x128xf32> -> vector<640x128xf32>
    %add3A_37 = arith.addf %dot_general3A_31, %dot_general3A_36 : vector<640x128xf32>
    %get3A_38 = arith.constant 0 : index
    %get3A_39 = arith.constant 0 : index
    %get3A_40 = vector.load %arg6[%get3A_38, %get3A_39] : memref<1x128xf32, #tpu.memory_space<vmem>>, vector<1x128xf32>
    %add3A_41 = vector.broadcast %get3A_40 : vector<1x128xf32> to vector<640x128xf32>
    %add3A_42 = arith.addf %add3A_37, %add3A_41 : vector<640x128xf32>
    %gt3A = arith.constant 0.000000e+00 : f32
    %gt3A_43 = vector.broadcast %gt3A : f32 to vector<640x128xf32>
    %gt3A_44 = arith.cmpf ogt, %add3A_42, %gt3A_43 : vector<640x128xf32>
    %mul3A_45 = arith.constant 1.05070102 : f32
    %mul3A_46 = vector.broadcast %mul3A_45 : f32 to vector<640x128xf32>
    %mul3A_47 = arith.mulf %mul3A_46, %add3A_42 : vector<640x128xf32>
    %exp3A = math.exp %add3A_42 : vector<640x128xf32>
    %sub3A = arith.constant 1.000000e+00 : f32
    %sub3A_48 = vector.broadcast %sub3A : f32 to vector<640x128xf32>
    %sub3A_49 = arith.subf %exp3A, %sub3A_48 : vector<640x128xf32>
    %mul3A_50 = arith.constant 1.75809932 : f32
    %mul3A_51 = vector.broadcast %mul3A_50 : f32 to vector<640x128xf32>
    %mul3A_52 = arith.mulf %mul3A_51, %sub3A_49 : vector<640x128xf32>
    %select_n3A = arith.select %gt3A_44, %mul3A_47, %mul3A_52 : vector<640x128xi1>, vector<640x128xf32>
    %swap3A = arith.constant 0 : index
    %swap3A_53 = arith.constant 0 : index
    %swap3A_54 = vector.load %arg7[%swap3A, %swap3A_53] : memref<640x128xf32, #tpu.memory_space<vmem>>, vector<640x128xf32>
    tpu.vector_store %arg7[%swap3A, %swap3A_53], %select_n3A {strides = array<i32>} : memref<640x128xf32, #tpu.memory_space<vmem>>, vector<640x128xf32>,
    return
  }
  func.func @transform_0(%arg0: i32) -> (i32, i32) {
    %c0_i32 = arith.constant 0 : i32
    %c0_i32_0 = arith.constant 0 : i32
    return %arg0, %c0_i32 : i32, i32
  }
  func.func @transform_1(%arg0: i32) -> (i32, i32, i32) {
    %c0_i32 = arith.constant 0 : i32
    %c0_i32_0 = arith.constant 0 : i32
    %c0_i32_1 = arith.constant 0 : i32
    return %c0_i32, %arg0, %c0_i32_0 : i32, i32, i32
  }
  func.func @transform_2(%arg0: i32) -> (i32, i32, i32) {
    %c0_i32 = arith.constant 0 : i32
    %c0_i32_0 = arith.constant 0 : i32
    %c0_i32_1 = arith.constant 0 : i32
    return %c0_i32, %arg0, %c0_i32_0 : i32, i32, i32
  }
  func.func @transform_3(%arg0: i32) -> (i32, i32) {
    %c0_i32 = arith.constant 0 : i32
    %c0_i32_0 = arith.constant 0 : i32
    %c0_i32_1 = arith.constant 0 : i32
    return %c0_i32, %c0_i32_0 : i32, i32
  }
  func.func @transform_4(%arg0: i32) -> (i32, i32) {
    %c0_i32 = arith.constant 0 : i32
    %c0_i32_0 = arith.constant 0 : i32
    %c0_i32_1 = arith.constant 0 : i32
    return %c0_i32, %c0_i32_0 : i32, i32
  }
  func.func @transform_5(%arg0: i32) -> (i32, i32) {
    %c0_i32 = arith.constant 0 : i32
    %c0_i32_0 = arith.constant 0 : i32
    %c0_i32_1 = arith.constant 0 : i32
    return %c0_i32, %c0_i32_0 : i32, i32
  }
  func.func @transform_6(%arg0: i32) -> (i32, i32) {
    %c0_i32 = arith.constant 0 : i32
    %c0_i32_0 = arith.constant 0 : i32
    return %arg0, %c0_i32 : i32, i32
  }
}

module attributes {stable_mosaic.version = 14 : i64} {
  func.func @body(%arg0: i32, %arg1: memref<640x128xf32, #tpu.memory_space<vmem>>, %arg2: memref<2x640x128xf32, #tpu.memory_space<vmem>>, %arg3: memref<2x640x1xf32, #tpu.memory_space<vmem>>, %arg4: memref<128x64xf32, #tpu.memory_space<vmem>>, %arg5: memref<128x64xf32, #tpu.memory_space<vmem>>, %arg6: memref<1x64xf32, #tpu.memory_space<vmem>>, %arg7: memref<640x64xf32, #tpu.memory_space<vmem>>) attributes {dimension_semantics = [#tpu.dimension_semantics<arbitrary>], iteration_bounds = array<i64: 16>, scalar_prefetch = 0 : i64, scratch_operands = 0 : i64, tpu.core_type = #tpu.core_type<tc>, window_params = [{transform_indices = @transform_0, window_bounds = array<i64: 640, 128>}, {transform_indices = @transform_1, window_bounds = array<i64: 2, 640, 128>}, {transform_indices = @transform_2, window_bounds = array<i64: 2, 640, 1>}, {pipeline_mode = #tpu.pipeline_mode<synchronous>, transform_indices = @transform_3, window_bounds = array<i64: 128, 64>}, {pipeline_mode = #tpu.pipeline_mode<synchronous>, transform_indices = @transform_4, window_bounds = array<i64: 128, 64>}, {pipeline_mode = #tpu.pipeline_mode<synchronous>, transform_indices = @transform_5, window_bounds = array<i64: 1, 64>}, {transform_indices = @transform_6, window_bounds = array<i64: 640, 64>}]} {
    %get3A = arith.constant 0 : index
    %get3A_0 = arith.constant 0 : index
    %get3A_1 = vector.load %arg1[%get3A, %get3A_0] : memref<640x128xf32, #tpu.memory_space<vmem>>, vector<640x128xf32>
    %get3A_2 = arith.constant 0 : index
    %get3A_3 = arith.constant 0 : index
    %get3A_4 = arith.constant 0 : index
    %get3A_5 = vector.load %arg2[%get3A_2, %get3A_3, %get3A_4] : memref<2x640x128xf32, #tpu.memory_space<vmem>>, vector<1x640x128xf32>
    %get3A_6 = vector.shape_cast %get3A_5 : vector<1x640x128xf32> to vector<640x128xf32>
    %get3A_7 = arith.constant 1 : index
    %get3A_8 = arith.constant 0 : index
    %get3A_9 = arith.constant 0 : index
    %get3A_10 = vector.load %arg2[%get3A_7, %get3A_8, %get3A_9] : memref<2x640x128xf32, #tpu.memory_space<vmem>>, vector<1x640x128xf32>
    %get3A_11 = vector.shape_cast %get3A_10 : vector<1x640x128xf32> to vector<640x128xf32>
    %add3A = arith.addf %get3A_6, %get3A_11 : vector<640x128xf32>
    %get3A_12 = arith.constant 0 : index
    %get3A_13 = arith.constant 0 : index
    %get3A_14 = arith.constant 0 : index
    %get3A_15 = vector.load %arg3[%get3A_12, %get3A_13, %get3A_14] : memref<2x640x1xf32, #tpu.memory_space<vmem>>, vector<1x640x1xf32>
    %get3A_16 = vector.shape_cast %get3A_15 : vector<1x640x1xf32> to vector<640x1xf32>
    %get3A_17 = arith.constant 1 : index
    %get3A_18 = arith.constant 0 : index
    %get3A_19 = arith.constant 0 : index
    %get3A_20 = vector.load %arg3[%get3A_17, %get3A_18, %get3A_19] : memref<2x640x1xf32, #tpu.memory_space<vmem>>, vector<1x640x1xf32>
    %get3A_21 = vector.shape_cast %get3A_20 : vector<1x640x1xf32> to vector<640x1xf32>
    %add3A_22 = arith.addf %get3A_16, %get3A_21 : vector<640x1xf32>
    %max3A = arith.constant 1.000000e+00 : f32
    %max3A_23 = vector.broadcast %max3A : f32 to vector<640x1xf32>
    %max3A_24 = arith.maximumf %add3A_22, %max3A_23 : vector<640x1xf32>
    %div3A = arith.constant 1.000000e+00 : f32
    %div3A_25 = vector.broadcast %div3A : f32 to vector<640x1xf32>
    %div3A_26 = arith.divf %div3A_25, %max3A_24 : vector<640x1xf32>
    %mul3A = vector.broadcast %div3A_26 : vector<640x1xf32> to vector<640x128xf32>
    %mul3A_27 = arith.mulf %add3A, %mul3A : vector<640x128xf32>
    %get3A_28 = arith.constant 0 : index
    %get3A_29 = arith.constant 0 : index
    %get3A_30 = vector.load %arg4[%get3A_28, %get3A_29] : memref<128x64xf32, #tpu.memory_space<vmem>>, vector<128x64xf32>
    %dot_general3A = arith.constant dense<0.000000e+00> : vector<640x64xf32>
    %dot_general3A_31 = tpu.matmul %get3A_1, %get3A_30, %dot_general3A {dimension_numbers = #tpu.dot_dimension_numbers<[1], [0], [0], [1], [0, 0, 1, 1], [], []>, transpose_lhs_hint = false} : vector<640x128xf32>, vector<128x64xf32>, vector<640x64xf32> -> vector<640x64xf32>
    %get3A_32 = arith.constant 0 : index
    %get3A_33 = arith.constant 0 : index
    %get3A_34 = vector.load %arg5[%get3A_32, %get3A_33] : memref<128x64xf32, #tpu.memory_space<vmem>>, vector<128x64xf32>
    %dot_general3A_35 = arith.constant dense<0.000000e+00> : vector<640x64xf32>
    %dot_general3A_36 = tpu.matmul %mul3A_27, %get3A_34, %dot_general3A_35 {dimension_numbers = #tpu.dot_dimension_numbers<[1], [0], [0], [1], [0, 0, 1, 1], [], []>, transpose_lhs_hint = false} : vector<640x128xf32>, vector<128x64xf32>, vector<640x64xf32> -> vector<640x64xf32>
    %add3A_37 = arith.addf %dot_general3A_31, %dot_general3A_36 : vector<640x64xf32>
    %get3A_38 = arith.constant 0 : index
    %get3A_39 = arith.constant 0 : index
    %get3A_40 = vector.load %arg6[%get3A_38, %get3A_39] : memref<1x64xf32, #tpu.memory_space<vmem>>, vector<1x64xf32>
    %add3A_41 = vector.broadcast %get3A_40 : vector<1x64xf32> to vector<640x64xf32>
    %add3A_42 = arith.addf %add3A_37, %add3A_41 : vector<640x64xf32>
    %reduce_max3A = arith.constant dense<0xFF800000> : vector<640xf32>
    %reduce_max3A_43 = vector.multi_reduction <maximumf>, %add3A_42, %reduce_max3A [1] : vector<640x64xf32> to vector<640xf32>
    %broadcast_in_dim3A = vector.shape_cast %reduce_max3A_43 : vector<640xf32> to vector<640x1xf32>
    %sub3A = vector.broadcast %broadcast_in_dim3A : vector<640x1xf32> to vector<640x64xf32>
    %sub3A_44 = arith.subf %add3A_42, %sub3A : vector<640x64xf32>
    %exp3A = math.exp %sub3A_44 : vector<640x64xf32>
    %reduce_sum3A = arith.constant dense<0.000000e+00> : vector<640xf32>
    %reduce_sum3A_45 = vector.multi_reduction <add>, %exp3A, %reduce_sum3A [1] : vector<640x64xf32> to vector<640xf32>
    %broadcast_in_dim3A_46 = vector.shape_cast %reduce_sum3A_45 : vector<640xf32> to vector<640x1xf32>
    %div3A_47 = vector.broadcast %broadcast_in_dim3A_46 : vector<640x1xf32> to vector<640x64xf32>
    %div3A_48 = arith.divf %exp3A, %div3A_47 : vector<640x64xf32>
    %swap3A = arith.constant 0 : index
    %swap3A_49 = arith.constant 0 : index
    %swap3A_50 = vector.load %arg7[%swap3A, %swap3A_49] : memref<640x64xf32, #tpu.memory_space<vmem>>, vector<640x64xf32>
    tpu.vector_store %arg7[%swap3A, %swap3A_49], %div3A_48 {strides = array<i32>} : memref<640x64xf32, #tpu.memory_space<vmem>>, vector<640x64xf32>,
    return
  }
  func.func @transform_0(%arg0: i32) -> (i32, i32) {
    %c0_i32 = arith.constant 0 : i32
    %c0_i32_0 = arith.constant 0 : i32
    return %arg0, %c0_i32 : i32, i32
  }
  func.func @transform_1(%arg0: i32) -> (i32, i32, i32) {
    %c0_i32 = arith.constant 0 : i32
    %c0_i32_0 = arith.constant 0 : i32
    %c0_i32_1 = arith.constant 0 : i32
    return %c0_i32, %arg0, %c0_i32_0 : i32, i32, i32
  }
  func.func @transform_2(%arg0: i32) -> (i32, i32, i32) {
    %c0_i32 = arith.constant 0 : i32
    %c0_i32_0 = arith.constant 0 : i32
    %c0_i32_1 = arith.constant 0 : i32
    return %c0_i32, %arg0, %c0_i32_0 : i32, i32, i32
  }
  func.func @transform_3(%arg0: i32) -> (i32, i32) {
    %c0_i32 = arith.constant 0 : i32
    %c0_i32_0 = arith.constant 0 : i32
    %c0_i32_1 = arith.constant 0 : i32
    return %c0_i32, %c0_i32_0 : i32, i32
  }
  func.func @transform_4(%arg0: i32) -> (i32, i32) {
    %c0_i32 = arith.constant 0 : i32
    %c0_i32_0 = arith.constant 0 : i32
    %c0_i32_1 = arith.constant 0 : i32
    return %c0_i32, %c0_i32_0 : i32, i32
  }
  func.func @transform_5(%arg0: i32) -> (i32, i32) {
    %c0_i32 = arith.constant 0 : i32
    %c0_i32_0 = arith.constant 0 : i32
    %c0_i32_1 = arith.constant 0 : i32
    return %c0_i32, %c0_i32_0 : i32, i32
  }
  func.func @transform_6(%arg0: i32) -> (i32, i32) {
    %c0_i32 = arith.constant 0 : i32
    %c0_i32_0 = arith.constant 0 : i32
    return %arg0, %c0_i32 : i32, i32
  }
}

</mosaic_0001>

<sc_bundles>
// kernel: kernel.11.cloned.1.call-start
scs
__scs_entry_jumppad:
0x0: {  	(pc) =	sbr.rel $0x88, $3  }
0x1: {  	(tag) =	ssettag $0x0;
	lr =	simm.s32 $0x1  }
0x2: {  	[smem:$0x3F96] =	sst lr;
	_ =	strace $0xD0000000  }
0x3: {  	_ = 	snop  }
0x4: {  	_ = 	snop  }
0x5: {  	_ = 	snop  }
0x6: {  	_ = 	snop  }
0x7: {  	_ = 	snop  }
__scs_overlays_trampoline_lowered:
0x8: {  	[smem:$0x3FA5] =	sst s0  }
0x9: {  	[smem:$0x3FA6] =	sst s1  }
0xa: {  	[smem:$0x3FA7] =	sst s2  }
0xb: {  	[smem:$0x3FA8] =	sst s3  }
0xc: {  	[smem:$0x3FA9] =	sst s4  }
0xd: {  	[smem:$0x3FAA] =	sst s5  }
0xe: {  	[smem:$0x3FAB] =	sst s6  }
0xf: {  	[smem:$0x3FAC] =	sst s7  }
0x10: {  	[smem:$0x3FAD] =	sst s8  }
0x11: {  	[smem:$0x3FAE] =	sst s9;
	s0 =	simm.s32 @!p0 $0x0  }
0x12: {  	s1 =	sld [smem:$0x3F94];
	s0 =	simm.s32 @p0 $0x1  }
0x13: {  	[smem:$0x3FAF] =	sst s0;
	s0 =	simm.s32 @!p1 $0x0  }
0x14: {  	s2 =	sld [smem:$0x3F93];
	s0 =	simm.s32 @p1 $0x1  }
0x15: {  	[smem:$0x3FB0] =	sst s0;
	s0 =	simm.s32 @!p2 $0x0  }
0x16: {  	s3 =	sld [smem:$0x3FDB];
	s0 =	simm.s32 @p2 $0x1  }
0x17: {  	s4 =	simm.s32 $0x1BF5;
	[smem:$0x3FB2] =	sst s0  }
0x18: {  	s0 =	sld [smem:$0x3F95];
	_ =	swait.ge [sflag:s4], $0x0  }
0x19: {  	s7 =	sld [smem:$0x3F96]  }
0x1a: {  	s8 =	sadd.s32 $0xFFFFE003, lr  }
0x1b: {  	s9 =	sadd.s32 $0xFFFFFEF7, lr;
	s5 =	simm.s32 $0xFFFFFFFF;
	p2 =	slt.u32 s8, $0xFFFFF086  }
0x1c: {  	p1 =	slt.u32 s9, $0xF7A;
	s5 =	simm.s32 @!p2 $0x0  }
0x1d: {  	s5 =	simm.s32 @p1 $0x1;
	p0 =	seq.s32 s7, s2  }
0x1e: {  	s7 =	smul.u32 @!p0 $0xF7A, s2;
	p2 =	seq.s32 @!p0 s5, $0x0  }
0x1f: {  	s9 =	smul.u32 $0xF7A, s1;
	s8 =	simm.s32 @!p0 $0x1BF5;
	p2 =	por !p2, p0  }
0x20: {  	[sflag:s8] =	ssyncset.s32 @!p0 $0xFFFFF086;
	s6 =	sadd.s32 @!p0 s3, s7;
	s7 =	simm.s32 @!p0 $0x108  }
0x21: {  	s3 =	sadd.s32 s3, s9;
	s6 =	sadd.s32 @!p0 $0x88, s6;
	s7 =	simm.s32 @p2 $0x1082  }
0x22: {  	[simem:s7], [sflag:s8] =	dma.local @!p0 [hbm:s6], $0xF7A  }
0x23: {  	s9 =	sor.u32 $0xD0000000, s2;
	s6 =	simm.s32 $0x108;
	_ =	swait.ge @!p0 [sflag:s8], $0x0  }
0x24: {  	s3 =	sadd.s32 $0x88, s3;
	s6 =	simm.s32 @!p1 $0x1082;
	[sflag:s4] =	ssyncset.s32 $0xFFFFF086  }
0x25: {  	[simem:s6], [sflag:s4] =	dma.local [hbm:s3], $0xF7A  }
0x26: {  	[smem:$0x3F96] =	sst s1;
	(tag) =	ssettag s2;
	_ =	strace s9  }
0x27: {  	s1 =	sld [smem:$0x3FA6]  }
0x28: {  	s2 =	sld [smem:$0x3FA7]  }
0x29: {  	s4 =	sld [smem:$0x3FA9]  }
0x2a: {  	p0 =	seq.s32 s5, $0x0;
	s5 =	sld [smem:$0x3FAA]  }
0x2b: {  	s6 =	sld [smem:$0x3FAB]  }
0x2c: {  	s7 =	sld [smem:$0x3FAC]  }
0x2d: {  	s3 =	simm.s32 $0x108;
	s8 =	sld [smem:$0x3FAD]  }
0x2e: {  	s3 =	simm.s32 @!p0 $0x1082;
	s9 =	sld [smem:$0x3FAE]  }
0x2f: {  	lr =	sadd.s32 s0, s3;
	s0 =	sld [smem:$0x3FA5]  }
0x30: {  	s3 =	sld [smem:$0x3FA8]  }
0x31: {  	[smem:$0x3FB1] =	sst s10  }
0x32: {  	s10 =	sld [smem:$0x3FAF];
	_ =	sdelay $0x3  }
0x33: {  	p0 =	seq.s32 s10, $0x1;
	s10 =	sld [smem:$0x3FB1];
	_ =	sdelay $0x3  }
0x34: {  	[smem:$0x3FB1] =	sst s10  }
0x35: {  	s10 =	sld [smem:$0x3FB0];
	_ =	sdelay $0x3  }
0x36: {  	p1 =	seq.s32 s10, $0x1;
	s10 =	sld [smem:$0x3FB1];
	_ =	sdelay $0x3  }
0x37: {  	[smem:$0x3FB1] =	sst s10  }
0x38: {  	s10 =	sld [smem:$0x3FB2]  }
0x39: {  	_ = 	snop;
	(pc) =	sbr.ind lr, $3  }
0x3a: {  	_ = 	snop  }
0x3b: {  	_ = 	snop  }
0x3c: {  	p2 =	seq.s32 s10, $0x1;
	s10 =	sld [smem:$0x3FB1]  }
0x3d: {  	_ =	shalt  }
0x3e: {  	_ =	shalt  }
0x3f: {  	_ =	shalt  }
0x40: {  	_ =	shalt  }
0x41: {  	_ =	shalt  }
0x42: {  	_ =	shalt  }
0x43: {  	_ =	shalt  }
0x44: {  	_ =	shalt  }
0x45: {  	_ =	shalt  }
0x46: {  	_ =	shalt  }
0x47: {  	_ =	shalt  }
0x48: {  	_ =	shalt  }
0x49: {  	_ =	shalt  }
0x4a: {  	_ =	shalt  }
0x4b: {  	_ =	shalt  }
0x4c: {  	_ =	shalt  }
0x4d: {  	_ =	shalt  }
0x4e: {  	_ =	shalt  }
0x4f: {  	_ =	shalt  }
0x50: {  	_ =	shalt  }
0x51: {  	_ =	shalt  }
0x52: {  	_ =	shalt  }
0x53: {  	_ =	shalt  }
0x54: {  	_ =	shalt  }
0x55: {  	_ =	shalt  }
0x56: {  	_ =	shalt  }
0x57: {  	_ =	shalt  }
0x58: {  	_ =	shalt  }
0x59: {  	_ =	shalt  }
0x5a: {  	_ =	shalt  }
0x5b: {  	_ =	shalt  }
0x5c: {  	_ =	shalt  }
0x5d: {  	_ =	shalt  }
0x5e: {  	_ =	shalt  }
0x5f: {  	_ =	shalt  }
0x60: {  	_ =	shalt  }
0x61: {  	_ =	shalt  }
0x62: {  	_ =	shalt  }
0x63: {  	_ =	shalt  }
0x64: {  	_ =	shalt  }
0x65: {  	_ =	shalt  }
0x66: {  	_ =	shalt  }
0x67: {  	_ =	shalt  }
0x68: {  	_ =	shalt  }
0x69: {  	_ =	shalt  }
0x6a: {  	_ =	shalt  }
0x6b: {  	_ =	shalt  }
0x6c: {  	_ =	shalt  }
0x6d: {  	_ =	shalt  }
0x6e: {  	_ =	shalt  }
0x6f: {  	_ =	shalt  }
0x70: {  	_ =	shalt  }
0x71: {  	_ =	shalt  }
0x72: {  	_ =	shalt  }
0x73: {  	_ =	shalt  }
0x74: {  	_ =	shalt  }
0x75: {  	_ =	shalt  }
0x76: {  	_ =	shalt  }
0x77: {  	_ =	shalt  }
0x78: {  	_ =	shalt  }
0x79: {  	_ =	shalt  }
0x7a: {  	_ =	shalt  }
0x7b: {  	_ =	shalt  }
0x7c: {  	_ =	shalt  }
0x7d: {  	_ =	shalt  }
0x7e: {  	_ =	shalt  }
0x7f: {  	_ =	shalt  }
0x80: {  	_ =	shalt  }
0x81: {  	_ =	shalt  }
0x82: {  	_ =	shalt  }
0x83: {  	_ =	shalt  }
0x84: {  	_ =	shalt  }
0x85: {  	_ =	shalt  }
0x86: {  	_ =	shalt  }
0x87: {  	_ =	shalt  }
.Lfunc_end0:
.L_simem_size_0:
called_computation.1_lowered:
.L_overlay_start_0:
0x88: {  	s2 =	sld [smem:$0x3FD9]  }
0x89: {  	s3 =	sld [smem:$0x3FFE];
	_ =	sdelay $0x1  }
0x8a: {  	s1 =	srdreg.scid  }
0x8b: {  	s0 =	sand.u32 $0x1, s1  }
0x8c: {  	s17 =	sshll.u32 s0, $0xA;
	s2 =	sadd.s32 s3, s2  }
0x8d: {  	s2 =	sadd.s32 s2, s17  }
0x8e: {  	[smem:$0x3FBD] =	sst s2  }
0x8f: {  	_ = 	snop  }
0x90: {  	s2 =	sld [smem:$0x3FD0];
	(tm) =	ssettm $0x1  }
0x91: {  	s18 =	sld [smem:$0x3FFB];
	_ =	sdelay $0x3  }
0x92: {  	_ =	strace s18  }
0x93: {  	s3 =	sld [smem:$0x3FFC];
	_ =	sdelay $0x3  }
0x94: {  	_ =	strace s3  }
0x95: {  	s3 =	sld [smem:$0x3FFD];
	_ =	sdelay $0x3  }
0x96: {  	_ =	strace s3  }
0x97: {  	_ =	strace $0x8FFFFFFF  }
0x98: {  	s19 =	sld [smem:$0x3FDB];
	_ =	sdelay $0x1  }
0x99: {  	s4 =	simm.s32 $_scs_section_size  }
0x9a: {  	s5 =	simm.s32 $_size__tile_overlayer_lowered;
	s6 =	simm.s32 $_tile_overlayer_lowered  }
0x9b: {  	s22 =	simm.s32 $0x1BFF;
	s21 =	sshll.u32 s6, $0x1;
	s3 =	sadd.s32 s4, s19  }
0x9c: {  	s7 =	simm.s32 $0x0;
	s20 =	sshll.u32 s5, $0x1;
	s5 =	sadd.s32 s21, s3  }
0x9d: {  	[timem:s7], [sflag:s22] =	dma.local [hbm:s5], s20  }
0x9e: {  	_ =	swait.ge [sflag:s22], s20  }
0x9f: {  	s4 =	ssub.s32 $0x0, s20;
	[sflag:s22] =	ssyncset.done $0x0  }
0xa0: {  	[sflag:s22] =	ssyncadd.s32 s4;
	_ =	sdelay $0x1  }
0xa1: {  	s23 =	simm.s32 $0x1B8B  }
0xa2: {  	_ =	swait.ge [sflag:s23], $0x1  }
0xa3: {  	[sflag:s23] =	ssyncset.done $0x0  }
0xa4: {  	s25 =	simm.s32 $0x1B8E;
	s24 =	sld [smem:$0x3FFE];
	[sflag:s23] =	ssyncadd.s32 $0xFFFFFFFF  }
0xa5: {  	s26 =	simm.s32 $execute0_lowered;
	[smem:$0x3FD2] =	sst s25  }
0xa6: {  	s5 =	sshll.u32 s26, $0x1;
	_ =	strace $0x80000049;
	[dreg:$0x1] =	wrdreg $0xFFFFFFFF  }
0xa7: {  	s28 =	simm.s32 $_size_execute0_lowered;
	s3 =	sadd.s32 s3, s5;
	[dreg:$0x0] =	wrdreg $0x0  }
0xa8: {  	s5 =	sshll.u32 s28, $0x1;
	[dreg:$0x2] =	wrdreg s3  }
0xa9: {  	[dreg:$0x3] =	wrdreg s5  }
0xaa: {  	[dreg:$0x4] =	wrdreg $0xC0  }
0xab: {  	_ =	task [dreg:s7], $0x5FFFF  }
0xac: {  	[dreg:$0x1] =	wrdreg $0xFFFFFFFF  }
0xad: {  	[dreg:$0x0] =	wrdreg $0x60  }
0xae: {  	[dreg:$0x2] =	wrdreg s24  }
0xaf: {  	[dreg:$0x3] =	wrdreg s2  }
0xb0: {  	[dreg:$0x4] =	wrdreg $0x28000  }
0xb1: {  	[dreg:$0x5] =	wrdreg $0x9  }
0xb2: {  	_ =	task.clear_ibuf [dreg:s7], $0x6FFFF;
	_ =	strace $0x90000049  }
0xb3: {  	s29 =	simm.s32 $0x9;
	_ =	strace $0x8000004B  }
0xb4: {  	_ =	swait.ge [sflag:s29], $0x1  }
0xb5: {  	[sflag:s29] =	ssyncadd.s32 $0xFFFFFFFF  }
0xb6: {  	_ =	strace $0x9000004B  }
0xb7: {  	_ =	sfence  }
0xb8: {  	s30 =	sld [smem:$0x0];
	_ =	sdelay $0x2  }
0xb9: {  	s31 =	sshll.u32 s1, $0xD;
	s1 =	sshrl.u32 s1, $0x2  }
0xba: {  	s3 =	sand.u32 $0x4000, s31;
	s1 =	sadd.s32 s1, s30  }
0xbb: {  	s0 =	sor.u32 s3, s0;
	s1 =	sshll.u32 s1, $0x11  }
0xbc: {  	s0 =	sor.u32 s1, s0  }
0xbd: {  	s0 =	sadd.s32 $0x8F2B, s0  }
0xbe: {  	[sflag:s0] =	ssyncadd.remote.s32 $0x1  }
0xbf: {  	_ =	sfence.sel $0xFFFF  }
0xc0: {  	[dreg:$0x0] =	wrdreg $0xFFFFFFFF;
	(pc) =	sbr.abs _section_cstart, $3  }
0xc1: {  	[dreg:$0x1] =	wrdreg $0xFFFFFFFF  }
0xc2: {  	_ =	task.clear_ibuf [dreg:s7], $0x2FFFF;
	_ =	strace $0x9FFFFFFF  }
0xc3: {  	(tm) =	ssettm $0x7FFFFFFF  }
tec
execute0_lowered:
.L_overlay_start_1:
0x0: {  	(tag) =	ssettag $0x1  }
0x1: {  	s5 =	rddreg [dreg:$0x0]  }
0x2: {  	s9 =	rddreg [dreg:$0x1]  }
0x3: {  	s2 =	rddreg [dreg:$0x2]  }
0x4: {  	s0 =	rddreg [dreg:$0x3]  }
0x5: {  	s1 =	stileid.u32;
	s4 =	srdreg.scid  }
0x6: {  	s3 =	simm.s32 $0x0;
	s16 =	simm.s32 $0x80;
	s17 =	simm.s32 $0x16800  }
0x7: {  	s18 =	simm.s32 $0x1A800;
	s19 =	simm.s32 $0x1;
	s20 =	simm.s32 $0x2  }
0x8: {  	s21 =	simm.s32 $0x2700;
	s6 =	smul.u32 $0x14000, s1;
	s7 =	sand.u32 $0x1, s4  }
0x9: {  	[smem:$0x7FF] =	sst s3;
	s4 =	sadd.s32 $0x3400, s5;
	s11 =	sadd.s32 $0x2B400, s5  }
0xa: {  	s12 =	smul.u32 $0x50000, s1;
	s13 =	sshll.u32 s1, $0x1;
	s29 =	sshll.u32 s1, $0x6  }
0xb: {  	s8 =	smul.u32 $0x140000, s7;
	_ =	strace $0x8000004A;
	s25 =	sor.u32 s7, s13  }
0xc: {  	s23 =	ssub.s32 $0x2, s7;
	s10 =	sshrl.u32 s6, $0x3;
	s7 =	smul.u32 $0x2800, s25  }
0xd: {  	s24 =	sshrl.u32 s23, $0x1;
	s28 =	sshrl.u32 s12, $0x2;
	s30 =	smul.u32 $0x500, s25  }
0xe: {  	s6 =	sadd.s32 s6, s8;
	s22 =	sadd.s32 s10, s5;
	s26 =	ssub.s32 s23, s24  }
0xf: {  	s15 =	sadd.s32 s28, s2;
	s23 =	simm.s32 $0x0;
	s6 =	sshrl.u32 s6, $0x3  }
0x10: {  	s31 =	sshrl.u32 s7, $0x3;
	s7 =	sadd.s32 s9, s30;
	s8 =	sadd.s32 s11, s30  }
0x11: {  	s12 =	smax.u32 s26, $0x1;
	s13 =	sshrl.u32 s15, $0x3;
	s15 =	simm.s32 $0x1400  }
0x12: {  	s14 =	sadd.s32 s6, s5;
	s5 =	sadd.s32 $0x35400, s22;
	s10 =	sadd.s32 $0x280, s31  }
0x13: {  	s6 =	sor.u32 $0x1C03, s29;
	s22 =	simm.s32 $0x2780;
	s9 =	sadd.s32 s9, s10  }
0x14: {  	s10 =	sadd.s32 s11, s10;
	s11 =	sadd.s32 $0x5D400, s14;
	s14 =	simm.s32 $0x3  }
.LBB2_1:
0x15: {  	[spmem:s13], [sflag:s6] =	dma.local [hbm:s5], $0x2800  }
0x16: {  	_ =	swait.ge [sflag:s14], $0x2800  }
0x17: {  	[sflag:s14] =	ssyncset.done $0x0  }
0x18: {  	[sflag:s14] =	ssyncadd.s32 $0xFFFFD800  }
0x19: {  	[bflag:$0x0] =	sbarrier.arrive $0xFFFF  }
0x1a: {  	[tilespmem:s3], [sflag:$0x3] =	stream.linear.gather [hbm4b:s7+s3], $0x1400, $0x38;
	[tilespmem:$0x1E800] =	vst v63  }
0x1b: {  	_ =	swait.ge [sflag:s14], $0x1400  }
0x1c: {  	[sflag:s14] =	ssyncset.done $0x0  }
0x1d: {  	[sflag:s14] =	ssyncadd.s32 $0xFFFFEC00  }
0x1e: {  	[tilespmem:s15], [sflag:$0x3] =	stream.linear.gather [hbm4b:s8+s3], $0x1400, $0x38;
	[tilespmem:$0x1E800] =	vst v63  }
0x1f: {  	_ =	swait.ge [sflag:s14], $0x1400  }
0x20: {  	[sflag:s14] =	ssyncset.done $0x0  }
0x21: {  	[sflag:s14] =	ssyncadd.s32 $0xFFFFEC00  }
0x22: {  	[tilespmem:s17], [sflag:$0x1] =	stream.indirect.gather [hbm4b:s4+s16], $0x80, s3, s16, $0xb8;
	[tilespmem:$0x1E800] =	vst v63  }
0x23: {  	_ = 	snop  }
0x24: {  	[tilespmem:s18], [sflag:$0x2] =	stream.indirect.gather [hbm4b:s4+s16], $0x80, s16, s16, $0xb8;
	[tilespmem:$0x1E800] =	vst v63  }
0x25: {  	_ =	swait.ge [sflag:s19], $0x4000  }
0x26: {  	[sflag:s19] =	ssyncset.done $0x0  }
0x27: {  	s24 =	simm.s32 $0x1400;
	[sflag:s19] =	ssyncadd.s32 $0xFFFFC000  }
0x28: {  	[spmem:s2] =	stream.indirect.scatter.add.f32 [tilespmem:s17], [sflag:$0x3], $0x80, s24, s16, $0xb8;
	[tilespmem:$0x1E800] =	vst v63  }
0x29: {  	_ =	swait.ge [sflag:s14], $0x4000  }
0x2a: {  	[sflag:s14] =	ssyncset.done $0x0  }
0x2b: {  	s30 =	simm.s32 $0x100;
	[sflag:s14] =	ssyncadd.s32 $0xFFFFC000  }
0x2c: {  	[tilespmem:s17], [sflag:$0x1] =	stream.indirect.gather [hbm4b:s4+s16], $0x80, s30, s16, $0xb8;
	[tilespmem:$0x1E800] =	vst v63  }
0x2d: {  	_ =	swait.ge [sflag:s20], $0x4000  }
0x2e: {  	[sflag:s20] =	ssyncset.done $0x0  }
0x2f: {  	s31 =	simm.s32 $0x1480;
	[sflag:s20] =	ssyncadd.s32 $0xFFFFC000  }
0x30: {  	[spmem:s2] =	stream.indirect.scatter.add.f32 [tilespmem:s18], [sflag:$0x3], $0x80, s31, s16, $0xb8;
	[tilespmem:$0x1E800] =	vst v63  }
0x31: {  	_ =	swait.ge [sflag:s14], $0x4000  }
0x32: {  	[sflag:s14] =	ssyncset.done $0x0  }
0x33: {  	s25 =	simm.s32 $0x180;
	s24 =	simm.s32 $0x400;
	[sflag:s14] =	ssyncadd.s32 $0xFFFFC000  }
.LBB2_2:
0x34: {  	[tilespmem:s18], [sflag:$0x2] =	stream.indirect.gather [hbm4b:s4+s16], $0x80, s25, s16, $0xb8;
	[tilespmem:$0x1E800] =	vst v63  }
0x35: {  	s25 =	smov.u32 s24  }
0x36: {  	p0 =	sne.s32 s24, $0x4800;
	s24 =	sadd.s32 $0x400, s24;
	_ =	swait.ge [sflag:s19], $0x4000  }
0x37: {  	s25 =	sshra.s32 s25, $0x2;
	[sflag:s19] =	ssyncset.done $0x0  }
0x38: {  	s26 =	sadd.s32 $0x1400, s25;
	[sflag:s19] =	ssyncadd.s32 $0xFFFFC000  }
0x39: {  	[spmem:s2] =	stream.indirect.scatter.add.f32 [tilespmem:s17], [sflag:$0x3], $0x80, s26, s16, $0xb8;
	[tilespmem:$0x1E800] =	vst v63  }
0x3a: {  	_ =	swait.ge [sflag:s14], $0x4000  }
0x3b: {  	[sflag:s14] =	ssyncset.done $0x0  }
0x3c: {  	s26 =	sadd.s32 $0x100, s25;
	[sflag:s14] =	ssyncadd.s32 $0xFFFFC000  }
0x3d: {  	[tilespmem:s17], [sflag:$0x1] =	stream.indirect.gather [hbm4b:s4+s16], $0x80, s26, s16, $0xb8;
	[tilespmem:$0x1E800] =	vst v63  }
0x3e: {  	_ =	swait.ge [sflag:s20], $0x4000  }
0x3f: {  	[sflag:s20] =	ssyncset.done $0x0  }
.Ltmp0:
0x40: {  	s26 =	sadd.s32 $0x1480, s25;
	[sflag:s20] =	ssyncadd.s32 $0xFFFFC000;
	(pc) =	sbr.rel @p0 .LBB2_2-.Ltmp0, $4  }
0x41: {  	[spmem:s2] =	stream.indirect.scatter.add.f32 [tilespmem:s18], [sflag:$0x3], $0x80, s26, s16, $0xb8;
	[tilespmem:$0x1E800] =	vst v63  }
0x42: {  	_ =	swait.ge [sflag:s14], $0x4000  }
0x43: {  	[sflag:s14] =	ssyncset.done $0x0  }
0x44: {  	s25 =	sadd.s32 $0x180, s25;
	[sflag:s14] =	ssyncadd.s32 $0xFFFFC000  }
0x45: {  	[tilespmem:s18], [sflag:$0x2] =	stream.indirect.gather [hbm4b:s4+s16], $0x80, s25, s16, $0xb8;
	[tilespmem:$0x1E800] =	vst v63  }
0x46: {  	_ =	swait.ge [sflag:s19], $0x4000  }
0x47: {  	[sflag:s19] =	ssyncset.done $0x0  }
0x48: {  	[sflag:s19] =	ssyncadd.s32 $0xFFFFC000  }
0x49: {  	[spmem:s2] =	stream.indirect.scatter.add.f32 [tilespmem:s17], [sflag:$0x3], $0x80, s21, s16, $0xb8;
	[tilespmem:$0x1E800] =	vst v63  }
0x4a: {  	_ =	swait.ge [sflag:s14], $0x4000  }
0x4b: {  	[sflag:s14] =	ssyncset.done $0x0  }
0x4c: {  	[sflag:s14] =	ssyncadd.s32 $0xFFFFC000  }
0x4d: {  	_ =	swait.ge [sflag:s20], $0x4000  }
0x4e: {  	[sflag:s20] =	ssyncset.done $0x0  }
0x4f: {  	[sflag:s20] =	ssyncadd.s32 $0xFFFFC000  }
0x50: {  	[spmem:s2] =	stream.indirect.scatter.add.f32 [tilespmem:s18], [sflag:$0x3], $0x80, s22, s16, $0xb8;
	[tilespmem:$0x1E800] =	vst v63  }
0x51: {  	_ =	swait.ge [sflag:s14], $0x4000  }
0x52: {  	[sflag:s14] =	ssyncset.done $0x0  }
0x53: {  	s24 =	simm.s32 $0x0;
	[sflag:s14] =	ssyncadd.s32 $0xFFFFC000  }
0x54: {  	[tilespmem:s24], [sflag:$0x3] =	stream.linear.gather [hbm4b:s9+s24], $0x1400, $0x38;
	[tilespmem:$0x1E800] =	vst v63  }
0x55: {  	_ =	swait.ge [sflag:s14], $0x1400  }
0x56: {  	[sflag:s14] =	ssyncset.done $0x0  }
0x57: {  	[sflag:s14] =	ssyncadd.s32 $0xFFFFEC00  }
0x58: {  	[tilespmem:s15], [sflag:$0x3] =	stream.linear.gather [hbm4b:s10+s24], $0x1400, $0x38;
	[tilespmem:$0x1E800] =	vst v63  }
0x59: {  	_ =	swait.ge [sflag:s14], $0x1400  }
0x5a: {  	[sflag:s14] =	ssyncset.done $0x0  }
0x5b: {  	[sflag:s14] =	ssyncadd.s32 $0xFFFFEC00  }
0x5c: {  	[tilespmem:s17], [sflag:$0x1] =	stream.indirect.gather [hbm4b:s4+s16], $0x80, s24, s16, $0xb8;
	[tilespmem:$0x1E800] =	vst v63  }
0x5d: {  	_ = 	snop  }
0x5e: {  	[tilespmem:s18], [sflag:$0x2] =	stream.indirect.gather [hbm4b:s4+s16], $0x80, s16, s16, $0xb8;
	[tilespmem:$0x1E800] =	vst v63  }
0x5f: {  	_ =	swait.ge [sflag:s19], $0x4000  }
0x60: {  	[sflag:s19] =	ssyncset.done $0x0  }
0x61: {  	s29 =	simm.s32 $0x1400;
	[sflag:s19] =	ssyncadd.s32 $0xFFFFC000  }
0x62: {  	[spmem:s2] =	stream.indirect.scatter.add.f32 [tilespmem:s17], [sflag:$0x3], $0x80, s29, s16, $0xb8;
	[tilespmem:$0x1E800] =	vst v63  }
0x63: {  	_ =	swait.ge [sflag:s14], $0x4000  }
0x64: {  	[sflag:s14] =	ssyncset.done $0x0  }
0x65: {  	s30 =	simm.s32 $0x100;
	[sflag:s14] =	ssyncadd.s32 $0xFFFFC000  }
0x66: {  	[tilespmem:s17], [sflag:$0x1] =	stream.indirect.gather [hbm4b:s4+s16], $0x80, s30, s16, $0xb8;
	[tilespmem:$0x1E800] =	vst v63  }
0x67: {  	_ =	swait.ge [sflag:s20], $0x4000  }
0x68: {  	[sflag:s20] =	ssyncset.done $0x0  }
0x69: {  	s31 =	simm.s32 $0x1480;
	[sflag:s20] =	ssyncadd.s32 $0xFFFFC000  }
0x6a: {  	[spmem:s2] =	stream.indirect.scatter.add.f32 [tilespmem:s18], [sflag:$0x3], $0x80, s31, s16, $0xb8;
	[tilespmem:$0x1E800] =	vst v63  }
0x6b: {  	_ =	swait.ge [sflag:s14], $0x4000  }
0x6c: {  	[sflag:s14] =	ssyncset.done $0x0  }
0x6d: {  	s25 =	simm.s32 $0x180;
	s24 =	simm.s32 $0x400;
	[sflag:s14] =	ssyncadd.s32 $0xFFFFC000  }
.LBB2_4:
0x6e: {  	[tilespmem:s18], [sflag:$0x2] =	stream.indirect.gather [hbm4b:s4+s16], $0x80, s25, s16, $0xb8;
	[tilespmem:$0x1E800] =	vst v63  }
0x6f: {  	s25 =	smov.u32 s24  }
0x70: {  	p0 =	sne.s32 s24, $0x4800;
	s24 =	sadd.s32 $0x400, s24;
	_ =	swait.ge [sflag:s19], $0x4000  }
0x71: {  	s25 =	sshra.s32 s25, $0x2;
	[sflag:s19] =	ssyncset.done $0x0  }
0x72: {  	s26 =	sadd.s32 $0x1400, s25;
	[sflag:s19] =	ssyncadd.s32 $0xFFFFC000  }
0x73: {  	[spmem:s2] =	stream.indirect.scatter.add.f32 [tilespmem:s17], [sflag:$0x3], $0x80, s26, s16, $0xb8;
	[tilespmem:$0x1E800] =	vst v63  }
0x74: {  	_ =	swait.ge [sflag:s14], $0x4000  }
0x75: {  	[sflag:s14] =	ssyncset.done $0x0  }
0x76: {  	s26 =	sadd.s32 $0x100, s25;
	[sflag:s14] =	ssyncadd.s32 $0xFFFFC000  }
0x77: {  	[tilespmem:s17], [sflag:$0x1] =	stream.indirect.gather [hbm4b:s4+s16], $0x80, s26, s16, $0xb8;
	[tilespmem:$0x1E800] =	vst v63  }
0x78: {  	_ =	swait.ge [sflag:s20], $0x4000  }
0x79: {  	[sflag:s20] =	ssyncset.done $0x0  }
.Ltmp1:
0x7a: {  	s26 =	sadd.s32 $0x1480, s25;
	[sflag:s20] =	ssyncadd.s32 $0xFFFFC000;
	(pc) =	sbr.rel @p0 .LBB2_4-.Ltmp1, $4  }
0x7b: {  	[spmem:s2] =	stream.indirect.scatter.add.f32 [tilespmem:s18], [sflag:$0x3], $0x80, s26, s16, $0xb8;
	[tilespmem:$0x1E800] =	vst v63  }
0x7c: {  	_ =	swait.ge [sflag:s14], $0x4000  }
0x7d: {  	[sflag:s14] =	ssyncset.done $0x0  }
0x7e: {  	s25 =	sadd.s32 $0x180, s25;
	[sflag:s14] =	ssyncadd.s32 $0xFFFFC000  }
0x7f: {  	[tilespmem:s18], [sflag:$0x2] =	stream.indirect.gather [hbm4b:s4+s16], $0x80, s25, s16, $0xb8;
	[tilespmem:$0x1E800] =	vst v63  }
0x80: {  	_ =	swait.ge [sflag:s19], $0x4000  }
0x81: {  	[sflag:s19] =	ssyncset.done $0x0  }
0x82: {  	[sflag:s19] =	ssyncadd.s32 $0xFFFFC000  }
0x83: {  	[spmem:s2] =	stream.indirect.scatter.add.f32 [tilespmem:s17], [sflag:$0x3], $0x80, s21, s16, $0xb8;
	[tilespmem:$0x1E800] =	vst v63  }
0x84: {  	_ =	swait.ge [sflag:s14], $0x4000  }
0x85: {  	[sflag:s14] =	ssyncset.done $0x0  }
0x86: {  	[sflag:s14] =	ssyncadd.s32 $0xFFFFC000  }
0x87: {  	_ =	swait.ge [sflag:s20], $0x4000  }
0x88: {  	[sflag:s20] =	ssyncset.done $0x0  }
0x89: {  	[sflag:s20] =	ssyncadd.s32 $0xFFFFC000  }
0x8a: {  	[spmem:s2] =	stream.indirect.scatter.add.f32 [tilespmem:s18], [sflag:$0x3], $0x80, s22, s16, $0xb8;
	[tilespmem:$0x1E800] =	vst v63  }
0x8b: {  	_ =	swait.ge [sflag:s14], $0x4000  }
0x8c: {  	s23 =	sadd.s32 $0x1, s23;
	[sflag:s14] =	ssyncset.done $0x0  }
0x8d: {  	p0 =	sne.s32 s23, s12;
	[sflag:s14] =	ssyncadd.s32 $0xFFFFC000  }
.Ltmp2:
0x8e: {  	[bflag:$0x0] =	sbarrier.arrive $0xFFFF;
	(pc) =	sbr.rel @p0 .LBB2_1-.Ltmp2, $4  }
0x8f: {  	[hbm:s11], [sflag:s6] =	dma.local [spmem:s13], $0x2800  }
0x90: {  	_ =	swait.ge [sflag:s14], $0x2800  }
0x91: {  	[sflag:s14] =	ssyncset.done $0x0  }
0x92: {  	[sflag:s14] =	ssyncadd.s32 $0xFFFFD800  }
0x93: {  	_ =	sfence.sel $0x180000  }
0x94: {  	[bflag:$0x0] =	sbarrier.arrive $0xFFFF  }
0x95: {  	p0 =	sne.s32 s1, $0x0;
	_ =	strace $0x9000004A  }
0x96: {  	s0 =	sadd.s32 @!p0 $0x100000, s0;
	[bflag:$0x2] =	sbarrier.arrive $0xFFFF  }
0x97: {  	[sflag:s0] =	ssyncadd.tile.s32 @!p0 $0x1;
	_ =	shalt  }
.Lfunc_end2:
_tile_overlayer_lowered:
.L_overlay_start_2:
0x98: {  	(tag) =	ssettag $0x2  }
0x99: {  	s0 =	rddreg [dreg:$0x0];
	s2 =	stileid.u32  }
0x9a: {  	s1 =	rddreg [dreg:$0x1];
	p0 =	sne.s32 s2, $0x0  }
0x9b: {  	s3 =	rddreg [dreg:$0x2];
	[bflag:$0x3] =	sbarrier.arrive $0xFFFF;
	s2 =	simm.s32 @!p0 $0x1C03  }
0x9c: {  	[timem:s3], [sflag:s2] =	dma.local @!p0 [hbm:s0], s1  }
0x9d: {  	s0 =	simm.s32 @!p0 $0x3  }
0x9e: {  	_ =	swait.ge @!p0 [sflag:s0], s1  }
0x9f: {  	s1 =	ssub.s32 @!p0 $0x0, s1;
	[sflag:s0] =	ssyncset.done @!p0 $0x0  }
0xa0: {  	[sflag:s0] =	ssyncadd.s32 @!p0 s1  }
0xa1: {  	[bflag:$0x3] =	sbarrier.arrive $0xFFFF  }
0xa2: {  	_ =	shalt  }

// kernel: kernel.14.cloned.1.call-start
scs
__scs_entry_jumppad:
0x0: {  	(pc) =	sbr.rel $0x88, $3  }
0x1: {  	(tag) =	ssettag $0x0;
	lr =	simm.s32 $0x1  }
0x2: {  	[smem:$0x3F96] =	sst lr;
	_ =	strace $0xD0000000  }
0x3: {  	_ = 	snop  }
0x4: {  	_ = 	snop  }
0x5: {  	_ = 	snop  }
0x6: {  	_ = 	snop  }
0x7: {  	_ = 	snop  }
__scs_overlays_trampoline_lowered:
0x8: {  	[smem:$0x3FA5] =	sst s0  }
0x9: {  	[smem:$0x3FA6] =	sst s1  }
0xa: {  	[smem:$0x3FA7] =	sst s2  }
0xb: {  	[smem:$0x3FA8] =	sst s3  }
0xc: {  	[smem:$0x3FA9] =	sst s4  }
0xd: {  	[smem:$0x3FAA] =	sst s5  }
0xe: {  	[smem:$0x3FAB] =	sst s6  }
0xf: {  	[smem:$0x3FAC] =	sst s7  }
0x10: {  	[smem:$0x3FAD] =	sst s8  }
0x11: {  	[smem:$0x3FAE] =	sst s9;
	s0 =	simm.s32 @!p0 $0x0  }
0x12: {  	s1 =	sld [smem:$0x3F94];
	s0 =	simm.s32 @p0 $0x1  }
0x13: {  	[smem:$0x3FAF] =	sst s0;
	s0 =	simm.s32 @!p1 $0x0  }
0x14: {  	s2 =	sld [smem:$0x3F93];
	s0 =	simm.s32 @p1 $0x1  }
0x15: {  	[smem:$0x3FB0] =	sst s0;
	s0 =	simm.s32 @!p2 $0x0  }
0x16: {  	s3 =	sld [smem:$0x3FDB];
	s0 =	simm.s32 @p2 $0x1  }
0x17: {  	s4 =	simm.s32 $0x1BF5;
	[smem:$0x3FB2] =	sst s0  }
0x18: {  	s0 =	sld [smem:$0x3F95];
	_ =	swait.ge [sflag:s4], $0x0  }
0x19: {  	s7 =	sld [smem:$0x3F96]  }
0x1a: {  	s8 =	sadd.s32 $0xFFFFE003, lr  }
0x1b: {  	s9 =	sadd.s32 $0xFFFFFEF7, lr;
	s5 =	simm.s32 $0xFFFFFFFF;
	p2 =	slt.u32 s8, $0xFFFFF086  }
0x1c: {  	p1 =	slt.u32 s9, $0xF7A;
	s5 =	simm.s32 @!p2 $0x0  }
0x1d: {  	s5 =	simm.s32 @p1 $0x1;
	p0 =	seq.s32 s7, s2  }
0x1e: {  	s7 =	smul.u32 @!p0 $0xF7A, s2;
	p2 =	seq.s32 @!p0 s5, $0x0  }
0x1f: {  	s9 =	smul.u32 $0xF7A, s1;
	s8 =	simm.s32 @!p0 $0x1BF5;
	p2 =	por !p2, p0  }
0x20: {  	[sflag:s8] =	ssyncset.s32 @!p0 $0xFFFFF086;
	s6 =	sadd.s32 @!p0 s3, s7;
	s7 =	simm.s32 @!p0 $0x108  }
0x21: {  	s3 =	sadd.s32 s3, s9;
	s6 =	sadd.s32 @!p0 $0x88, s6;
	s7 =	simm.s32 @p2 $0x1082  }
0x22: {  	[simem:s7], [sflag:s8] =	dma.local @!p0 [hbm:s6], $0xF7A  }
0x23: {  	s9 =	sor.u32 $0xD0000000, s2;
	s6 =	simm.s32 $0x108;
	_ =	swait.ge @!p0 [sflag:s8], $0x0  }
0x24: {  	s3 =	sadd.s32 $0x88, s3;
	s6 =	simm.s32 @!p1 $0x1082;
	[sflag:s4] =	ssyncset.s32 $0xFFFFF086  }
0x25: {  	[simem:s6], [sflag:s4] =	dma.local [hbm:s3], $0xF7A  }
0x26: {  	[smem:$0x3F96] =	sst s1;
	(tag) =	ssettag s2;
	_ =	strace s9  }
0x27: {  	s1 =	sld [smem:$0x3FA6]  }
0x28: {  	s2 =	sld [smem:$0x3FA7]  }
0x29: {  	s4 =	sld [smem:$0x3FA9]  }
0x2a: {  	p0 =	seq.s32 s5, $0x0;
	s5 =	sld [smem:$0x3FAA]  }
0x2b: {  	s6 =	sld [smem:$0x3FAB]  }
0x2c: {  	s7 =	sld [smem:$0x3FAC]  }
0x2d: {  	s3 =	simm.s32 $0x108;
	s8 =	sld [smem:$0x3FAD]  }
0x2e: {  	s3 =	simm.s32 @!p0 $0x1082;
	s9 =	sld [smem:$0x3FAE]  }
0x2f: {  	lr =	sadd.s32 s0, s3;
	s0 =	sld [smem:$0x3FA5]  }
0x30: {  	s3 =	sld [smem:$0x3FA8]  }
0x31: {  	[smem:$0x3FB1] =	sst s10  }
0x32: {  	s10 =	sld [smem:$0x3FAF];
	_ =	sdelay $0x3  }
0x33: {  	p0 =	seq.s32 s10, $0x1;
	s10 =	sld [smem:$0x3FB1];
	_ =	sdelay $0x3  }
0x34: {  	[smem:$0x3FB1] =	sst s10  }
0x35: {  	s10 =	sld [smem:$0x3FB0];
	_ =	sdelay $0x3  }
0x36: {  	p1 =	seq.s32 s10, $0x1;
	s10 =	sld [smem:$0x3FB1];
	_ =	sdelay $0x3  }
0x37: {  	[smem:$0x3FB1] =	sst s10  }
0x38: {  	s10 =	sld [smem:$0x3FB2]  }
0x39: {  	_ = 	snop;
	(pc) =	sbr.ind lr, $3  }
0x3a: {  	_ = 	snop  }
0x3b: {  	_ = 	snop  }
0x3c: {  	p2 =	seq.s32 s10, $0x1;
	s10 =	sld [smem:$0x3FB1]  }
0x3d: {  	_ =	shalt  }
0x3e: {  	_ =	shalt  }
0x3f: {  	_ =	shalt  }
0x40: {  	_ =	shalt  }
0x41: {  	_ =	shalt  }
0x42: {  	_ =	shalt  }
0x43: {  	_ =	shalt  }
0x44: {  	_ =	shalt  }
0x45: {  	_ =	shalt  }
0x46: {  	_ =	shalt  }
0x47: {  	_ =	shalt  }
0x48: {  	_ =	shalt  }
0x49: {  	_ =	shalt  }
0x4a: {  	_ =	shalt  }
0x4b: {  	_ =	shalt  }
0x4c: {  	_ =	shalt  }
0x4d: {  	_ =	shalt  }
0x4e: {  	_ =	shalt  }
0x4f: {  	_ =	shalt  }
0x50: {  	_ =	shalt  }
0x51: {  	_ =	shalt  }
0x52: {  	_ =	shalt  }
0x53: {  	_ =	shalt  }
0x54: {  	_ =	shalt  }
0x55: {  	_ =	shalt  }
0x56: {  	_ =	shalt  }
0x57: {  	_ =	shalt  }
0x58: {  	_ =	shalt  }
0x59: {  	_ =	shalt  }
0x5a: {  	_ =	shalt  }
0x5b: {  	_ =	shalt  }
0x5c: {  	_ =	shalt  }
0x5d: {  	_ =	shalt  }
0x5e: {  	_ =	shalt  }
0x5f: {  	_ =	shalt  }
0x60: {  	_ =	shalt  }
0x61: {  	_ =	shalt  }
0x62: {  	_ =	shalt  }
0x63: {  	_ =	shalt  }
0x64: {  	_ =	shalt  }
0x65: {  	_ =	shalt  }
0x66: {  	_ =	shalt  }
0x67: {  	_ =	shalt  }
0x68: {  	_ =	shalt  }
0x69: {  	_ =	shalt  }
0x6a: {  	_ =	shalt  }
0x6b: {  	_ =	shalt  }
0x6c: {  	_ =	shalt  }
0x6d: {  	_ =	shalt  }
0x6e: {  	_ =	shalt  }
0x6f: {  	_ =	shalt  }
0x70: {  	_ =	shalt  }
0x71: {  	_ =	shalt  }
0x72: {  	_ =	shalt  }
0x73: {  	_ =	shalt  }
0x74: {  	_ =	shalt  }
0x75: {  	_ =	shalt  }
0x76: {  	_ =	shalt  }
0x77: {  	_ =	shalt  }
0x78: {  	_ =	shalt  }
0x79: {  	_ =	shalt  }
0x7a: {  	_ =	shalt  }
0x7b: {  	_ =	shalt  }
0x7c: {  	_ =	shalt  }
0x7d: {  	_ =	shalt  }
0x7e: {  	_ =	shalt  }
0x7f: {  	_ =	shalt  }
0x80: {  	_ =	shalt  }
0x81: {  	_ =	shalt  }
0x82: {  	_ =	shalt  }
0x83: {  	_ =	shalt  }
0x84: {  	_ =	shalt  }
0x85: {  	_ =	shalt  }
0x86: {  	_ =	shalt  }
0x87: {  	_ =	shalt  }
.Lfunc_end0:
.L_simem_size_0:
called_computation.2_lowered:
.L_overlay_start_0:
0x88: {  	s2 =	sld [smem:$0x3FD9]  }
0x89: {  	s3 =	sld [smem:$0x3FFE];
	_ =	sdelay $0x1  }
0x8a: {  	s1 =	srdreg.scid  }
0x8b: {  	s0 =	sand.u32 $0x1, s1  }
0x8c: {  	s17 =	sshll.u32 s0, $0xA;
	s2 =	sadd.s32 s3, s2  }
0x8d: {  	s2 =	sadd.s32 s2, s17  }
0x8e: {  	[smem:$0x3FBD] =	sst s2  }
0x8f: {  	_ = 	snop  }
0x90: {  	s2 =	sld [smem:$0x3FD0];
	(tm) =	ssettm $0x1  }
0x91: {  	s18 =	sld [smem:$0x3FFB];
	_ =	sdelay $0x3  }
0x92: {  	_ =	strace s18  }
0x93: {  	s3 =	sld [smem:$0x3FFC];
	_ =	sdelay $0x3  }
0x94: {  	_ =	strace s3  }
0x95: {  	s3 =	sld [smem:$0x3FFD];
	_ =	sdelay $0x3  }
0x96: {  	_ =	strace s3  }
0x97: {  	_ =	strace $0x8FFFFFFF  }
0x98: {  	s19 =	sld [smem:$0x3FDB];
	_ =	sdelay $0x1  }
0x99: {  	s4 =	simm.s32 $_scs_section_size  }
0x9a: {  	s5 =	simm.s32 $_size__tile_overlayer_lowered;
	s6 =	simm.s32 $_tile_overlayer_lowered  }
0x9b: {  	s22 =	simm.s32 $0x1BFF;
	s21 =	sshll.u32 s6, $0x1;
	s3 =	sadd.s32 s4, s19  }
0x9c: {  	s7 =	simm.s32 $0x0;
	s20 =	sshll.u32 s5, $0x1;
	s5 =	sadd.s32 s21, s3  }
0x9d: {  	[timem:s7], [sflag:s22] =	dma.local [hbm:s5], s20  }
0x9e: {  	_ =	swait.ge [sflag:s22], s20  }
0x9f: {  	s4 =	ssub.s32 $0x0, s20;
	[sflag:s22] =	ssyncset.done $0x0  }
0xa0: {  	[sflag:s22] =	ssyncadd.s32 s4;
	_ =	sdelay $0x1  }
0xa1: {  	s23 =	simm.s32 $0x1B8B  }
0xa2: {  	_ =	swait.ge [sflag:s23], $0x1  }
0xa3: {  	[sflag:s23] =	ssyncset.done $0x0  }
0xa4: {  	s25 =	simm.s32 $0x1B8E;
	s24 =	sld [smem:$0x3FFE];
	[sflag:s23] =	ssyncadd.s32 $0xFFFFFFFF  }
0xa5: {  	s26 =	simm.s32 $execute0_lowered;
	[smem:$0x3FD2] =	sst s25  }
0xa6: {  	s5 =	sshll.u32 s26, $0x1;
	_ =	strace $0x8000004C;
	[dreg:$0x1] =	wrdreg $0xFFFFFFFF  }
0xa7: {  	s28 =	simm.s32 $_size_execute0_lowered;
	s3 =	sadd.s32 s3, s5;
	[dreg:$0x0] =	wrdreg $0x0  }
0xa8: {  	s5 =	sshll.u32 s28, $0x1;
	[dreg:$0x2] =	wrdreg s3  }
0xa9: {  	[dreg:$0x3] =	wrdreg s5  }
0xaa: {  	[dreg:$0x4] =	wrdreg $0xC0  }
0xab: {  	_ =	task [dreg:s7], $0x5FFFF  }
0xac: {  	[dreg:$0x1] =	wrdreg $0xFFFFFFFF  }
0xad: {  	[dreg:$0x0] =	wrdreg $0x60  }
0xae: {  	[dreg:$0x2] =	wrdreg s24  }
0xaf: {  	[dreg:$0x3] =	wrdreg s2  }
0xb0: {  	[dreg:$0x4] =	wrdreg $0x28000  }
0xb1: {  	[dreg:$0x5] =	wrdreg $0x9  }
0xb2: {  	_ =	task.clear_ibuf [dreg:s7], $0x6FFFF;
	_ =	strace $0x9000004C  }
0xb3: {  	s29 =	simm.s32 $0x9;
	_ =	strace $0x8000004E  }
0xb4: {  	_ =	swait.ge [sflag:s29], $0x1  }
0xb5: {  	[sflag:s29] =	ssyncadd.s32 $0xFFFFFFFF  }
0xb6: {  	_ =	strace $0x9000004E  }
0xb7: {  	_ =	sfence  }
0xb8: {  	s30 =	sld [smem:$0x0];
	_ =	sdelay $0x2  }
0xb9: {  	s31 =	sshll.u32 s1, $0xD;
	s1 =	sshrl.u32 s1, $0x2  }
0xba: {  	s3 =	sand.u32 $0x4000, s31;
	s1 =	sadd.s32 s1, s30  }
0xbb: {  	s0 =	sor.u32 s3, s0;
	s1 =	sshll.u32 s1, $0x11  }
0xbc: {  	s0 =	sor.u32 s1, s0  }
0xbd: {  	s0 =	sadd.s32 $0x8F2B, s0  }
0xbe: {  	[sflag:s0] =	ssyncadd.remote.s32 $0x1  }
0xbf: {  	_ =	sfence.sel $0xFFFF  }
0xc0: {  	[dreg:$0x0] =	wrdreg $0xFFFFFFFF;
	(pc) =	sbr.abs _section_cstart, $3  }
0xc1: {  	[dreg:$0x1] =	wrdreg $0xFFFFFFFF  }
0xc2: {  	_ =	task.clear_ibuf [dreg:s7], $0x2FFFF;
	_ =	strace $0x9FFFFFFF  }
0xc3: {  	(tm) =	ssettm $0x7FFFFFFF  }
tec
execute0_lowered:
.L_overlay_start_1:
0x0: {  	(tag) =	ssettag $0x1  }
0x1: {  	s5 =	rddreg [dreg:$0x0]  }
0x2: {  	s9 =	rddreg [dreg:$0x1]  }
0x3: {  	s2 =	rddreg [dreg:$0x2]  }
0x4: {  	s0 =	rddreg [dreg:$0x3]  }
0x5: {  	s1 =	stileid.u32;
	s4 =	srdreg.scid  }
0x6: {  	s3 =	simm.s32 $0x0;
	s16 =	simm.s32 $0x80;
	s17 =	simm.s32 $0x16800  }
0x7: {  	s18 =	simm.s32 $0x1A800;
	s19 =	simm.s32 $0x1;
	s20 =	simm.s32 $0x2  }
0x8: {  	s21 =	simm.s32 $0x2700;
	s6 =	smul.u32 $0x14000, s1;
	s7 =	sand.u32 $0x1, s4  }
0x9: {  	[smem:$0x7FF] =	sst s3;
	s4 =	sadd.s32 $0x3400, s5;
	s11 =	sadd.s32 $0x2B400, s5  }
0xa: {  	s12 =	smul.u32 $0x50000, s1;
	s13 =	sshll.u32 s1, $0x1;
	s29 =	sshll.u32 s1, $0x6  }
0xb: {  	s8 =	smul.u32 $0x140000, s7;
	_ =	strace $0x8000004D;
	s25 =	sor.u32 s7, s13  }
0xc: {  	s23 =	ssub.s32 $0x2, s7;
	s10 =	sshrl.u32 s6, $0x3;
	s7 =	smul.u32 $0x2800, s25  }
0xd: {  	s24 =	sshrl.u32 s23, $0x1;
	s28 =	sshrl.u32 s12, $0x2;
	s30 =	smul.u32 $0x500, s25  }
0xe: {  	s6 =	sadd.s32 s6, s8;
	s22 =	sadd.s32 s10, s5;
	s26 =	ssub.s32 s23, s24  }
0xf: {  	s15 =	sadd.s32 s28, s2;
	s23 =	simm.s32 $0x0;
	s6 =	sshrl.u32 s6, $0x3  }
0x10: {  	s31 =	sshrl.u32 s7, $0x3;
	s7 =	sadd.s32 s9, s30;
	s8 =	sadd.s32 s11, s30  }
0x11: {  	s12 =	smax.u32 s26, $0x1;
	s13 =	sshrl.u32 s15, $0x3;
	s15 =	simm.s32 $0x1400  }
0x12: {  	s14 =	sadd.s32 s6, s5;
	s5 =	sadd.s32 $0x35400, s22;
	s10 =	sadd.s32 $0x280, s31  }
0x13: {  	s6 =	sor.u32 $0x1C03, s29;
	s22 =	simm.s32 $0x2780;
	s9 =	sadd.s32 s9, s10  }
0x14: {  	s10 =	sadd.s32 s11, s10;
	s11 =	sadd.s32 $0x5D400, s14;
	s14 =	simm.s32 $0x3  }
.LBB2_1:
0x15: {  	[spmem:s13], [sflag:s6] =	dma.local [hbm:s5], $0x2800  }
0x16: {  	_ =	swait.ge [sflag:s14], $0x2800  }
0x17: {  	[sflag:s14] =	ssyncset.done $0x0  }
0x18: {  	[sflag:s14] =	ssyncadd.s32 $0xFFFFD800  }
0x19: {  	[bflag:$0x0] =	sbarrier.arrive $0xFFFF  }
0x1a: {  	[tilespmem:s3], [sflag:$0x3] =	stream.linear.gather [hbm4b:s7+s3], $0x1400, $0x38;
	[tilespmem:$0x1E800] =	vst v63  }
0x1b: {  	_ =	swait.ge [sflag:s14], $0x1400  }
0x1c: {  	[sflag:s14] =	ssyncset.done $0x0  }
0x1d: {  	[sflag:s14] =	ssyncadd.s32 $0xFFFFEC00  }
0x1e: {  	[tilespmem:s15], [sflag:$0x3] =	stream.linear.gather [hbm4b:s8+s3], $0x1400, $0x38;
	[tilespmem:$0x1E800] =	vst v63  }
0x1f: {  	_ =	swait.ge [sflag:s14], $0x1400  }
0x20: {  	[sflag:s14] =	ssyncset.done $0x0  }
0x21: {  	[sflag:s14] =	ssyncadd.s32 $0xFFFFEC00  }
0x22: {  	[tilespmem:s17], [sflag:$0x1] =	stream.indirect.gather [hbm4b:s4+s16], $0x80, s3, s16, $0xb8;
	[tilespmem:$0x1E800] =	vst v63  }
0x23: {  	_ = 	snop  }
0x24: {  	[tilespmem:s18], [sflag:$0x2] =	stream.indirect.gather [hbm4b:s4+s16], $0x80, s16, s16, $0xb8;
	[tilespmem:$0x1E800] =	vst v63  }
0x25: {  	_ =	swait.ge [sflag:s19], $0x4000  }
0x26: {  	[sflag:s19] =	ssyncset.done $0x0  }
0x27: {  	s24 =	simm.s32 $0x1400;
	[sflag:s19] =	ssyncadd.s32 $0xFFFFC000  }
0x28: {  	[spmem:s2] =	stream.indirect.scatter.add.f32 [tilespmem:s17], [sflag:$0x3], $0x80, s24, s16, $0xb8;
	[tilespmem:$0x1E800] =	vst v63  }
0x29: {  	_ =	swait.ge [sflag:s14], $0x4000  }
0x2a: {  	[sflag:s14] =	ssyncset.done $0x0  }
0x2b: {  	s30 =	simm.s32 $0x100;
	[sflag:s14] =	ssyncadd.s32 $0xFFFFC000  }
0x2c: {  	[tilespmem:s17], [sflag:$0x1] =	stream.indirect.gather [hbm4b:s4+s16], $0x80, s30, s16, $0xb8;
	[tilespmem:$0x1E800] =	vst v63  }
0x2d: {  	_ =	swait.ge [sflag:s20], $0x4000  }
0x2e: {  	[sflag:s20] =	ssyncset.done $0x0  }
0x2f: {  	s31 =	simm.s32 $0x1480;
	[sflag:s20] =	ssyncadd.s32 $0xFFFFC000  }
0x30: {  	[spmem:s2] =	stream.indirect.scatter.add.f32 [tilespmem:s18], [sflag:$0x3], $0x80, s31, s16, $0xb8;
	[tilespmem:$0x1E800] =	vst v63  }
0x31: {  	_ =	swait.ge [sflag:s14], $0x4000  }
0x32: {  	[sflag:s14] =	ssyncset.done $0x0  }
0x33: {  	s25 =	simm.s32 $0x180;
	s24 =	simm.s32 $0x400;
	[sflag:s14] =	ssyncadd.s32 $0xFFFFC000  }
.LBB2_2:
0x34: {  	[tilespmem:s18], [sflag:$0x2] =	stream.indirect.gather [hbm4b:s4+s16], $0x80, s25, s16, $0xb8;
	[tilespmem:$0x1E800] =	vst v63  }
0x35: {  	s25 =	smov.u32 s24  }
0x36: {  	p0 =	sne.s32 s24, $0x4800;
	s24 =	sadd.s32 $0x400, s24;
	_ =	swait.ge [sflag:s19], $0x4000  }
0x37: {  	s25 =	sshra.s32 s25, $0x2;
	[sflag:s19] =	ssyncset.done $0x0  }
0x38: {  	s26 =	sadd.s32 $0x1400, s25;
	[sflag:s19] =	ssyncadd.s32 $0xFFFFC000  }
0x39: {  	[spmem:s2] =	stream.indirect.scatter.add.f32 [tilespmem:s17], [sflag:$0x3], $0x80, s26, s16, $0xb8;
	[tilespmem:$0x1E800] =	vst v63  }
0x3a: {  	_ =	swait.ge [sflag:s14], $0x4000  }
0x3b: {  	[sflag:s14] =	ssyncset.done $0x0  }
0x3c: {  	s26 =	sadd.s32 $0x100, s25;
	[sflag:s14] =	ssyncadd.s32 $0xFFFFC000  }
0x3d: {  	[tilespmem:s17], [sflag:$0x1] =	stream.indirect.gather [hbm4b:s4+s16], $0x80, s26, s16, $0xb8;
	[tilespmem:$0x1E800] =	vst v63  }
0x3e: {  	_ =	swait.ge [sflag:s20], $0x4000  }
0x3f: {  	[sflag:s20] =	ssyncset.done $0x0  }
.Ltmp0:
0x40: {  	s26 =	sadd.s32 $0x1480, s25;
	[sflag:s20] =	ssyncadd.s32 $0xFFFFC000;
	(pc) =	sbr.rel @p0 .LBB2_2-.Ltmp0, $4  }
0x41: {  	[spmem:s2] =	stream.indirect.scatter.add.f32 [tilespmem:s18], [sflag:$0x3], $0x80, s26, s16, $0xb8;
	[tilespmem:$0x1E800] =	vst v63  }
0x42: {  	_ =	swait.ge [sflag:s14], $0x4000  }
0x43: {  	[sflag:s14] =	ssyncset.done $0x0  }
0x44: {  	s25 =	sadd.s32 $0x180, s25;
	[sflag:s14] =	ssyncadd.s32 $0xFFFFC000  }
0x45: {  	[tilespmem:s18], [sflag:$0x2] =	stream.indirect.gather [hbm4b:s4+s16], $0x80, s25, s16, $0xb8;
	[tilespmem:$0x1E800] =	vst v63  }
0x46: {  	_ =	swait.ge [sflag:s19], $0x4000  }
0x47: {  	[sflag:s19] =	ssyncset.done $0x0  }
0x48: {  	[sflag:s19] =	ssyncadd.s32 $0xFFFFC000  }
0x49: {  	[spmem:s2] =	stream.indirect.scatter.add.f32 [tilespmem:s17], [sflag:$0x3], $0x80, s21, s16, $0xb8;
	[tilespmem:$0x1E800] =	vst v63  }
0x4a: {  	_ =	swait.ge [sflag:s14], $0x4000  }
0x4b: {  	[sflag:s14] =	ssyncset.done $0x0  }
0x4c: {  	[sflag:s14] =	ssyncadd.s32 $0xFFFFC000  }
0x4d: {  	_ =	swait.ge [sflag:s20], $0x4000  }
0x4e: {  	[sflag:s20] =	ssyncset.done $0x0  }
0x4f: {  	[sflag:s20] =	ssyncadd.s32 $0xFFFFC000  }
0x50: {  	[spmem:s2] =	stream.indirect.scatter.add.f32 [tilespmem:s18], [sflag:$0x3], $0x80, s22, s16, $0xb8;
	[tilespmem:$0x1E800] =	vst v63  }
0x51: {  	_ =	swait.ge [sflag:s14], $0x4000  }
0x52: {  	[sflag:s14] =	ssyncset.done $0x0  }
0x53: {  	s24 =	simm.s32 $0x0;
	[sflag:s14] =	ssyncadd.s32 $0xFFFFC000  }
0x54: {  	[tilespmem:s24], [sflag:$0x3] =	stream.linear.gather [hbm4b:s9+s24], $0x1400, $0x38;
	[tilespmem:$0x1E800] =	vst v63  }
0x55: {  	_ =	swait.ge [sflag:s14], $0x1400  }
0x56: {  	[sflag:s14] =	ssyncset.done $0x0  }
0x57: {  	[sflag:s14] =	ssyncadd.s32 $0xFFFFEC00  }
0x58: {  	[tilespmem:s15], [sflag:$0x3] =	stream.linear.gather [hbm4b:s10+s24], $0x1400, $0x38;
	[tilespmem:$0x1E800] =	vst v63  }
0x59: {  	_ =	swait.ge [sflag:s14], $0x1400  }
0x5a: {  	[sflag:s14] =	ssyncset.done $0x0  }
0x5b: {  	[sflag:s14] =	ssyncadd.s32 $0xFFFFEC00  }
0x5c: {  	[tilespmem:s17], [sflag:$0x1] =	stream.indirect.gather [hbm4b:s4+s16], $0x80, s24, s16, $0xb8;
	[tilespmem:$0x1E800] =	vst v63  }
0x5d: {  	_ = 	snop  }
0x5e: {  	[tilespmem:s18], [sflag:$0x2] =	stream.indirect.gather [hbm4b:s4+s16], $0x80, s16, s16, $0xb8;
	[tilespmem:$0x1E800] =	vst v63  }
0x5f: {  	_ =	swait.ge [sflag:s19], $0x4000  }
0x60: {  	[sflag:s19] =	ssyncset.done $0x0  }
0x61: {  	s29 =	simm.s32 $0x1400;
	[sflag:s19] =	ssyncadd.s32 $0xFFFFC000  }
0x62: {  	[spmem:s2] =	stream.indirect.scatter.add.f32 [tilespmem:s17], [sflag:$0x3], $0x80, s29, s16, $0xb8;
	[tilespmem:$0x1E800] =	vst v63  }
0x63: {  	_ =	swait.ge [sflag:s14], $0x4000  }
0x64: {  	[sflag:s14] =	ssyncset.done $0x0  }
0x65: {  	s30 =	simm.s32 $0x100;
	[sflag:s14] =	ssyncadd.s32 $0xFFFFC000  }
0x66: {  	[tilespmem:s17], [sflag:$0x1] =	stream.indirect.gather [hbm4b:s4+s16], $0x80, s30, s16, $0xb8;
	[tilespmem:$0x1E800] =	vst v63  }
0x67: {  	_ =	swait.ge [sflag:s20], $0x4000  }
0x68: {  	[sflag:s20] =	ssyncset.done $0x0  }
0x69: {  	s31 =	simm.s32 $0x1480;
	[sflag:s20] =	ssyncadd.s32 $0xFFFFC000  }
0x6a: {  	[spmem:s2] =	stream.indirect.scatter.add.f32 [tilespmem:s18], [sflag:$0x3], $0x80, s31, s16, $0xb8;
	[tilespmem:$0x1E800] =	vst v63  }
0x6b: {  	_ =	swait.ge [sflag:s14], $0x4000  }
0x6c: {  	[sflag:s14] =	ssyncset.done $0x0  }
0x6d: {  	s25 =	simm.s32 $0x180;
	s24 =	simm.s32 $0x400;
	[sflag:s14] =	ssyncadd.s32 $0xFFFFC000  }
.LBB2_4:
0x6e: {  	[tilespmem:s18], [sflag:$0x2] =	stream.indirect.gather [hbm4b:s4+s16], $0x80, s25, s16, $0xb8;
	[tilespmem:$0x1E800] =	vst v63  }
0x6f: {  	s25 =	smov.u32 s24  }
0x70: {  	p0 =	sne.s32 s24, $0x4800;
	s24 =	sadd.s32 $0x400, s24;
	_ =	swait.ge [sflag:s19], $0x4000  }
0x71: {  	s25 =	sshra.s32 s25, $0x2;
	[sflag:s19] =	ssyncset.done $0x0  }
0x72: {  	s26 =	sadd.s32 $0x1400, s25;
	[sflag:s19] =	ssyncadd.s32 $0xFFFFC000  }
0x73: {  	[spmem:s2] =	stream.indirect.scatter.add.f32 [tilespmem:s17], [sflag:$0x3], $0x80, s26, s16, $0xb8;
	[tilespmem:$0x1E800] =	vst v63  }
0x74: {  	_ =	swait.ge [sflag:s14], $0x4000  }
0x75: {  	[sflag:s14] =	ssyncset.done $0x0  }
0x76: {  	s26 =	sadd.s32 $0x100, s25;
	[sflag:s14] =	ssyncadd.s32 $0xFFFFC000  }
0x77: {  	[tilespmem:s17], [sflag:$0x1] =	stream.indirect.gather [hbm4b:s4+s16], $0x80, s26, s16, $0xb8;
	[tilespmem:$0x1E800] =	vst v63  }
0x78: {  	_ =	swait.ge [sflag:s20], $0x4000  }
0x79: {  	[sflag:s20] =	ssyncset.done $0x0  }
.Ltmp1:
0x7a: {  	s26 =	sadd.s32 $0x1480, s25;
	[sflag:s20] =	ssyncadd.s32 $0xFFFFC000;
	(pc) =	sbr.rel @p0 .LBB2_4-.Ltmp1, $4  }
0x7b: {  	[spmem:s2] =	stream.indirect.scatter.add.f32 [tilespmem:s18], [sflag:$0x3], $0x80, s26, s16, $0xb8;
	[tilespmem:$0x1E800] =	vst v63  }
0x7c: {  	_ =	swait.ge [sflag:s14], $0x4000  }
0x7d: {  	[sflag:s14] =	ssyncset.done $0x0  }
0x7e: {  	s25 =	sadd.s32 $0x180, s25;
	[sflag:s14] =	ssyncadd.s32 $0xFFFFC000  }
0x7f: {  	[tilespmem:s18], [sflag:$0x2] =	stream.indirect.gather [hbm4b:s4+s16], $0x80, s25, s16, $0xb8;
	[tilespmem:$0x1E800] =	vst v63  }
0x80: {  	_ =	swait.ge [sflag:s19], $0x4000  }
0x81: {  	[sflag:s19] =	ssyncset.done $0x0  }
0x82: {  	[sflag:s19] =	ssyncadd.s32 $0xFFFFC000  }
0x83: {  	[spmem:s2] =	stream.indirect.scatter.add.f32 [tilespmem:s17], [sflag:$0x3], $0x80, s21, s16, $0xb8;
	[tilespmem:$0x1E800] =	vst v63  }
0x84: {  	_ =	swait.ge [sflag:s14], $0x4000  }
0x85: {  	[sflag:s14] =	ssyncset.done $0x0  }
0x86: {  	[sflag:s14] =	ssyncadd.s32 $0xFFFFC000  }
0x87: {  	_ =	swait.ge [sflag:s20], $0x4000  }
0x88: {  	[sflag:s20] =	ssyncset.done $0x0  }
0x89: {  	[sflag:s20] =	ssyncadd.s32 $0xFFFFC000  }
0x8a: {  	[spmem:s2] =	stream.indirect.scatter.add.f32 [tilespmem:s18], [sflag:$0x3], $0x80, s22, s16, $0xb8;
	[tilespmem:$0x1E800] =	vst v63  }
0x8b: {  	_ =	swait.ge [sflag:s14], $0x4000  }
0x8c: {  	s23 =	sadd.s32 $0x1, s23;
	[sflag:s14] =	ssyncset.done $0x0  }
0x8d: {  	p0 =	sne.s32 s23, s12;
	[sflag:s14] =	ssyncadd.s32 $0xFFFFC000  }
.Ltmp2:
0x8e: {  	[bflag:$0x0] =	sbarrier.arrive $0xFFFF;
	(pc) =	sbr.rel @p0 .LBB2_1-.Ltmp2, $4  }
0x8f: {  	[hbm:s11], [sflag:s6] =	dma.local [spmem:s13], $0x2800  }
0x90: {  	_ =	swait.ge [sflag:s14], $0x2800  }
0x91: {  	[sflag:s14] =	ssyncset.done $0x0  }
0x92: {  	[sflag:s14] =	ssyncadd.s32 $0xFFFFD800  }
0x93: {  	_ =	sfence.sel $0x180000  }
0x94: {  	[bflag:$0x0] =	sbarrier.arrive $0xFFFF  }
0x95: {  	p0 =	sne.s32 s1, $0x0;
	_ =	strace $0x9000004D  }
0x96: {  	s0 =	sadd.s32 @!p0 $0x100000, s0;
	[bflag:$0x2] =	sbarrier.arrive $0xFFFF  }
0x97: {  	[sflag:s0] =	ssyncadd.tile.s32 @!p0 $0x1;
	_ =	shalt  }
.Lfunc_end2:
_tile_overlayer_lowered:
.L_overlay_start_2:
0x98: {  	(tag) =	ssettag $0x2  }
0x99: {  	s0 =	rddreg [dreg:$0x0];
	s2 =	stileid.u32  }
0x9a: {  	s1 =	rddreg [dreg:$0x1];
	p0 =	sne.s32 s2, $0x0  }
0x9b: {  	s3 =	rddreg [dreg:$0x2];
	[bflag:$0x3] =	sbarrier.arrive $0xFFFF;
	s2 =	simm.s32 @!p0 $0x1C03  }
0x9c: {  	[timem:s3], [sflag:s2] =	dma.local @!p0 [hbm:s0], s1  }
0x9d: {  	s0 =	simm.s32 @!p0 $0x3  }
0x9e: {  	_ =	swait.ge @!p0 [sflag:s0], s1  }
0x9f: {  	s1 =	ssub.s32 @!p0 $0x0, s1;
	[sflag:s0] =	ssyncset.done @!p0 $0x0  }
0xa0: {  	[sflag:s0] =	ssyncadd.s32 @!p0 s1  }
0xa1: {  	[bflag:$0x3] =	sbarrier.arrive $0xFFFF  }
0xa2: {  	_ =	shalt  }

// kernel: kernel.8.cloned.1.call-start
scs
__scs_entry_jumppad:
0x0: {  	(pc) =	sbr.rel $0x88, $3  }
0x1: {  	(tag) =	ssettag $0x0;
	lr =	simm.s32 $0x1  }
0x2: {  	[smem:$0x3F96] =	sst lr;
	_ =	strace $0xD0000000  }
0x3: {  	_ = 	snop  }
0x4: {  	_ = 	snop  }
0x5: {  	_ = 	snop  }
0x6: {  	_ = 	snop  }
0x7: {  	_ = 	snop  }
__scs_overlays_trampoline_lowered:
0x8: {  	[smem:$0x3FA5] =	sst s0  }
0x9: {  	[smem:$0x3FA6] =	sst s1  }
0xa: {  	[smem:$0x3FA7] =	sst s2  }
0xb: {  	[smem:$0x3FA8] =	sst s3  }
0xc: {  	[smem:$0x3FA9] =	sst s4  }
0xd: {  	[smem:$0x3FAA] =	sst s5  }
0xe: {  	[smem:$0x3FAB] =	sst s6  }
0xf: {  	[smem:$0x3FAC] =	sst s7  }
0x10: {  	[smem:$0x3FAD] =	sst s8  }
0x11: {  	[smem:$0x3FAE] =	sst s9;
	s0 =	simm.s32 @!p0 $0x0  }
0x12: {  	s1 =	sld [smem:$0x3F94];
	s0 =	simm.s32 @p0 $0x1  }
0x13: {  	[smem:$0x3FAF] =	sst s0;
	s0 =	simm.s32 @!p1 $0x0  }
0x14: {  	s2 =	sld [smem:$0x3F93];
	s0 =	simm.s32 @p1 $0x1  }
0x15: {  	[smem:$0x3FB0] =	sst s0;
	s0 =	simm.s32 @!p2 $0x0  }
0x16: {  	s3 =	sld [smem:$0x3FDB];
	s0 =	simm.s32 @p2 $0x1  }
0x17: {  	s4 =	simm.s32 $0x1BF5;
	[smem:$0x3FB2] =	sst s0  }
0x18: {  	s0 =	sld [smem:$0x3F95];
	_ =	swait.ge [sflag:s4], $0x0  }
0x19: {  	s7 =	sld [smem:$0x3F96]  }
0x1a: {  	s8 =	sadd.s32 $0xFFFFE003, lr  }
0x1b: {  	s9 =	sadd.s32 $0xFFFFFEF7, lr;
	s5 =	simm.s32 $0xFFFFFFFF;
	p2 =	slt.u32 s8, $0xFFFFF086  }
0x1c: {  	p1 =	slt.u32 s9, $0xF7A;
	s5 =	simm.s32 @!p2 $0x0  }
0x1d: {  	s5 =	simm.s32 @p1 $0x1;
	p0 =	seq.s32 s7, s2  }
0x1e: {  	s7 =	smul.u32 @!p0 $0xF7A, s2;
	p2 =	seq.s32 @!p0 s5, $0x0  }
0x1f: {  	s9 =	smul.u32 $0xF7A, s1;
	s8 =	simm.s32 @!p0 $0x1BF5;
	p2 =	por !p2, p0  }
0x20: {  	[sflag:s8] =	ssyncset.s32 @!p0 $0xFFFFF086;
	s6 =	sadd.s32 @!p0 s3, s7;
	s7 =	simm.s32 @!p0 $0x108  }
0x21: {  	s3 =	sadd.s32 s3, s9;
	s6 =	sadd.s32 @!p0 $0x88, s6;
	s7 =	simm.s32 @p2 $0x1082  }
0x22: {  	[simem:s7], [sflag:s8] =	dma.local @!p0 [hbm:s6], $0xF7A  }
0x23: {  	s9 =	sor.u32 $0xD0000000, s2;
	s6 =	simm.s32 $0x108;
	_ =	swait.ge @!p0 [sflag:s8], $0x0  }
0x24: {  	s3 =	sadd.s32 $0x88, s3;
	s6 =	simm.s32 @!p1 $0x1082;
	[sflag:s4] =	ssyncset.s32 $0xFFFFF086  }
0x25: {  	[simem:s6], [sflag:s4] =	dma.local [hbm:s3], $0xF7A  }
0x26: {  	[smem:$0x3F96] =	sst s1;
	(tag) =	ssettag s2;
	_ =	strace s9  }
0x27: {  	s1 =	sld [smem:$0x3FA6]  }
0x28: {  	s2 =	sld [smem:$0x3FA7]  }
0x29: {  	s4 =	sld [smem:$0x3FA9]  }
0x2a: {  	p0 =	seq.s32 s5, $0x0;
	s5 =	sld [smem:$0x3FAA]  }
0x2b: {  	s6 =	sld [smem:$0x3FAB]  }
0x2c: {  	s7 =	sld [smem:$0x3FAC]  }
0x2d: {  	s3 =	simm.s32 $0x108;
	s8 =	sld [smem:$0x3FAD]  }
0x2e: {  	s3 =	simm.s32 @!p0 $0x1082;
	s9 =	sld [smem:$0x3FAE]  }
0x2f: {  	lr =	sadd.s32 s0, s3;
	s0 =	sld [smem:$0x3FA5]  }
0x30: {  	s3 =	sld [smem:$0x3FA8]  }
0x31: {  	[smem:$0x3FB1] =	sst s10  }
0x32: {  	s10 =	sld [smem:$0x3FAF];
	_ =	sdelay $0x3  }
0x33: {  	p0 =	seq.s32 s10, $0x1;
	s10 =	sld [smem:$0x3FB1];
	_ =	sdelay $0x3  }
0x34: {  	[smem:$0x3FB1] =	sst s10  }
0x35: {  	s10 =	sld [smem:$0x3FB0];
	_ =	sdelay $0x3  }
0x36: {  	p1 =	seq.s32 s10, $0x1;
	s10 =	sld [smem:$0x3FB1];
	_ =	sdelay $0x3  }
0x37: {  	[smem:$0x3FB1] =	sst s10  }
0x38: {  	s10 =	sld [smem:$0x3FB2]  }
0x39: {  	_ = 	snop;
	(pc) =	sbr.ind lr, $3  }
0x3a: {  	_ = 	snop  }
0x3b: {  	_ = 	snop  }
0x3c: {  	p2 =	seq.s32 s10, $0x1;
	s10 =	sld [smem:$0x3FB1]  }
0x3d: {  	_ =	shalt  }
0x3e: {  	_ =	shalt  }
0x3f: {  	_ =	shalt  }
0x40: {  	_ =	shalt  }
0x41: {  	_ =	shalt  }
0x42: {  	_ =	shalt  }
0x43: {  	_ =	shalt  }
0x44: {  	_ =	shalt  }
0x45: {  	_ =	shalt  }
0x46: {  	_ =	shalt  }
0x47: {  	_ =	shalt  }
0x48: {  	_ =	shalt  }
0x49: {  	_ =	shalt  }
0x4a: {  	_ =	shalt  }
0x4b: {  	_ =	shalt  }
0x4c: {  	_ =	shalt  }
0x4d: {  	_ =	shalt  }
0x4e: {  	_ =	shalt  }
0x4f: {  	_ =	shalt  }
0x50: {  	_ =	shalt  }
0x51: {  	_ =	shalt  }
0x52: {  	_ =	shalt  }
0x53: {  	_ =	shalt  }
0x54: {  	_ =	shalt  }
0x55: {  	_ =	shalt  }
0x56: {  	_ =	shalt  }
0x57: {  	_ =	shalt  }
0x58: {  	_ =	shalt  }
0x59: {  	_ =	shalt  }
0x5a: {  	_ =	shalt  }
0x5b: {  	_ =	shalt  }
0x5c: {  	_ =	shalt  }
0x5d: {  	_ =	shalt  }
0x5e: {  	_ =	shalt  }
0x5f: {  	_ =	shalt  }
0x60: {  	_ =	shalt  }
0x61: {  	_ =	shalt  }
0x62: {  	_ =	shalt  }
0x63: {  	_ =	shalt  }
0x64: {  	_ =	shalt  }
0x65: {  	_ =	shalt  }
0x66: {  	_ =	shalt  }
0x67: {  	_ =	shalt  }
0x68: {  	_ =	shalt  }
0x69: {  	_ =	shalt  }
0x6a: {  	_ =	shalt  }
0x6b: {  	_ =	shalt  }
0x6c: {  	_ =	shalt  }
0x6d: {  	_ =	shalt  }
0x6e: {  	_ =	shalt  }
0x6f: {  	_ =	shalt  }
0x70: {  	_ =	shalt  }
0x71: {  	_ =	shalt  }
0x72: {  	_ =	shalt  }
0x73: {  	_ =	shalt  }
0x74: {  	_ =	shalt  }
0x75: {  	_ =	shalt  }
0x76: {  	_ =	shalt  }
0x77: {  	_ =	shalt  }
0x78: {  	_ =	shalt  }
0x79: {  	_ =	shalt  }
0x7a: {  	_ =	shalt  }
0x7b: {  	_ =	shalt  }
0x7c: {  	_ =	shalt  }
0x7d: {  	_ =	shalt  }
0x7e: {  	_ =	shalt  }
0x7f: {  	_ =	shalt  }
0x80: {  	_ =	shalt  }
0x81: {  	_ =	shalt  }
0x82: {  	_ =	shalt  }
0x83: {  	_ =	shalt  }
0x84: {  	_ =	shalt  }
0x85: {  	_ =	shalt  }
0x86: {  	_ =	shalt  }
0x87: {  	_ =	shalt  }
.Lfunc_end0:
.L_simem_size_0:
called_computation_lowered:
.L_overlay_start_0:
0x88: {  	s2 =	sld [smem:$0x3FD9]  }
0x89: {  	s3 =	sld [smem:$0x3FFE];
	_ =	sdelay $0x1  }
0x8a: {  	s1 =	srdreg.scid  }
0x8b: {  	s0 =	sand.u32 $0x1, s1  }
0x8c: {  	s17 =	sshll.u32 s0, $0xA;
	s2 =	sadd.s32 s3, s2  }
0x8d: {  	s2 =	sadd.s32 s2, s17  }
0x8e: {  	[smem:$0x3FBD] =	sst s2  }
0x8f: {  	_ = 	snop  }
0x90: {  	s2 =	sld [smem:$0x3FD0];
	(tm) =	ssettm $0x1  }
0x91: {  	s18 =	sld [smem:$0x3FFB];
	_ =	sdelay $0x3  }
0x92: {  	_ =	strace s18  }
0x93: {  	s3 =	sld [smem:$0x3FFC];
	_ =	sdelay $0x3  }
0x94: {  	_ =	strace s3  }
0x95: {  	s3 =	sld [smem:$0x3FFD];
	_ =	sdelay $0x3  }
0x96: {  	_ =	strace s3  }
0x97: {  	_ =	strace $0x8FFFFFFF  }
0x98: {  	s19 =	sld [smem:$0x3FDB];
	_ =	sdelay $0x1  }
0x99: {  	s4 =	simm.s32 $_scs_section_size  }
0x9a: {  	s5 =	simm.s32 $_size__tile_overlayer_lowered;
	s6 =	simm.s32 $_tile_overlayer_lowered  }
0x9b: {  	s22 =	simm.s32 $0x1BFF;
	s21 =	sshll.u32 s6, $0x1;
	s3 =	sadd.s32 s4, s19  }
0x9c: {  	s7 =	simm.s32 $0x0;
	s20 =	sshll.u32 s5, $0x1;
	s5 =	sadd.s32 s21, s3  }
0x9d: {  	[timem:s7], [sflag:s22] =	dma.local [hbm:s5], s20  }
0x9e: {  	_ =	swait.ge [sflag:s22], s20  }
0x9f: {  	s4 =	ssub.s32 $0x0, s20;
	[sflag:s22] =	ssyncset.done $0x0  }
0xa0: {  	[sflag:s22] =	ssyncadd.s32 s4;
	_ =	sdelay $0x1  }
0xa1: {  	s23 =	simm.s32 $0x1B8B  }
0xa2: {  	_ =	swait.ge [sflag:s23], $0x1  }
0xa3: {  	[sflag:s23] =	ssyncset.done $0x0  }
0xa4: {  	s25 =	simm.s32 $0x1B8E;
	s24 =	sld [smem:$0x3FFE];
	[sflag:s23] =	ssyncadd.s32 $0xFFFFFFFF  }
0xa5: {  	s26 =	simm.s32 $execute0_lowered;
	[smem:$0x3FD2] =	sst s25  }
0xa6: {  	s5 =	sshll.u32 s26, $0x1;
	_ =	strace $0x80000046;
	[dreg:$0x1] =	wrdreg $0xFFFFFFFF  }
0xa7: {  	s28 =	simm.s32 $_size_execute0_lowered;
	s3 =	sadd.s32 s3, s5;
	[dreg:$0x0] =	wrdreg $0x0  }
0xa8: {  	s5 =	sshll.u32 s28, $0x1;
	[dreg:$0x2] =	wrdreg s3  }
0xa9: {  	[dreg:$0x3] =	wrdreg s5  }
0xaa: {  	[dreg:$0x4] =	wrdreg $0xC0  }
0xab: {  	_ =	task [dreg:s7], $0x5FFFF  }
0xac: {  	[dreg:$0x1] =	wrdreg $0xFFFFFFFF  }
0xad: {  	[dreg:$0x0] =	wrdreg $0x60  }
0xae: {  	[dreg:$0x2] =	wrdreg s24  }
0xaf: {  	[dreg:$0x3] =	wrdreg s2  }
0xb0: {  	[dreg:$0x4] =	wrdreg $0x28000  }
0xb1: {  	[dreg:$0x5] =	wrdreg $0x1E8800  }
0xb2: {  	[dreg:$0x6] =	wrdreg $0x9  }
0xb3: {  	_ =	task.clear_ibuf [dreg:s7], $0x7FFFF;
	_ =	strace $0x90000046  }
0xb4: {  	s29 =	simm.s32 $0x9;
	_ =	strace $0x80000048  }
0xb5: {  	_ =	swait.ge [sflag:s29], $0x1  }
0xb6: {  	[sflag:s29] =	ssyncadd.s32 $0xFFFFFFFF  }
0xb7: {  	_ =	strace $0x90000048  }
0xb8: {  	_ =	sfence  }
0xb9: {  	s30 =	sld [smem:$0x0];
	_ =	sdelay $0x2  }
0xba: {  	s31 =	sshll.u32 s1, $0xD;
	s1 =	sshrl.u32 s1, $0x2  }
0xbb: {  	s3 =	sand.u32 $0x4000, s31;
	s1 =	sadd.s32 s1, s30  }
0xbc: {  	s0 =	sor.u32 s3, s0;
	s1 =	sshll.u32 s1, $0x11  }
0xbd: {  	s0 =	sor.u32 s1, s0  }
0xbe: {  	s0 =	sadd.s32 $0x8F2B, s0  }
0xbf: {  	[sflag:s0] =	ssyncadd.remote.s32 $0x1  }
0xc0: {  	_ =	sfence.sel $0xFFFF  }
0xc1: {  	[dreg:$0x0] =	wrdreg $0xFFFFFFFF;
	(pc) =	sbr.abs _section_cstart, $3  }
0xc2: {  	[dreg:$0x1] =	wrdreg $0xFFFFFFFF  }
0xc3: {  	_ =	task.clear_ibuf [dreg:s7], $0x2FFFF;
	_ =	strace $0x9FFFFFFF  }
0xc4: {  	(tm) =	ssettm $0x7FFFFFFF  }
0xc5: {  	_ =	shalt  }
tec
execute0_lowered:
.L_overlay_start_1:
0x0: {  	(tag) =	ssettag $0x1  }
0x1: {  	s0 =	rddreg [dreg:$0x0]  }
0x2: {  	s2 =	rddreg [dreg:$0x1]  }
0x3: {  	s1 =	rddreg [dreg:$0x2]  }
0x4: {  	s3 =	rddreg [dreg:$0x3];
	s4 =	simm.s32 $0x0  }
0x5: {  	s17 =	stileid.u32;
	s5 =	srdreg.scid;
	s19 =	simm.s32 $0x1400  }
0x6: {  	s28 =	simm.s32 $0x2780;
	s30 =	simm.s32 $0x10;
	s6 =	smul.u32 $0x14000, s17  }
0x7: {  	s31 =	simm.s32 $0x0;
	[smem:$0x7FF] =	sst s4;
	s8 =	smul.u32 $0x280, s17  }
0x8: {  	s7 =	sand.u32 $0x1, s5;
	s5 =	sadd.s32 $0x3400, s0;
	s11 =	smul.u32 $0x500, s17  }
0x9: {  	s12 =	sadd.s32 $0x2B400, s0;
	s22 =	smul.u32 $0x50000, s17;
	s24 =	sshll.u32 s17, $0x1  }
0xa: {  	s26 =	sshll.u32 s17, $0x6;
	s17 =	simm.s32 $0x3;
	_ =	strace $0x80000047  }
0xb: {  	s10 =	smul.u32 $0x140000, s7;
	s20 =	sshll.u32 s7, $0x7;
	s23 =	ssub.s32 $0x2, s7  }
0xc: {  	s7 =	sor.u32 s7, s24;
	s24 =	simm.s32 $0x1E800;
	s9 =	sshrl.u32 s6, $0x3  }
0xd: {  	s13 =	sshrl.u32 s8, $0x3;
	s15 =	sshrl.u32 s23, $0x1;
	s25 =	smul.u32 $0x2800, s7  }
0xe: {  	s18 =	sadd.s32 s8, s3;
	s9 =	sadd.s32 s9, s0;
	s6 =	sadd.s32 s6, s10  }
0xf: {  	s13 =	sadd.s32 s13, s0;
	s10 =	sor.u32 s20, s11;
	s15 =	ssub.s32 s23, s15  }
0x10: {  	s11 =	smul.u32 $0x500, s7;
	s7 =	sor.u32 $0x1C03, s26;
	s18 =	sshrl.u32 s18, $0x3  }
0x11: {  	s20 =	simm.s32 $0x80;
	s23 =	simm.s32 $0x1;
	s26 =	simm.s32 $0x2700  }
0x12: {  	s6 =	sshrl.u32 s6, $0x3;
	s21 =	sshrl.u32 s10, $0x3;
	s10 =	sshrl.u32 s22, $0x2  }
0x13: {  	s8 =	sadd.s32 $0x5D400, s13;
	s15 =	smax.u32 s15, $0x1;
	s22 =	simm.s32 $0x1A800  }
0x14: {  	s14 =	sadd.s32 s6, s0;
	s0 =	sadd.s32 s21, s0;
	s16 =	sadd.s32 s10, s1  }
0x15: {  	s6 =	sadd.s32 $0x35400, s9;
	s10 =	sshrl.u32 s25, $0x3;
	s9 =	sadd.s32 s2, s11  }
0x16: {  	s21 =	simm.s32 $0x16800;
	s25 =	simm.s32 $0x2;
	s29 =	sadd.s32 $0x280, s10  }
0x17: {  	s10 =	sadd.s32 s12, s11;
	s13 =	sadd.s32 $0x5E400, s14;
	s14 =	sadd.s32 $0x5DA00, s0  }
0x18: {  	v0 =	vimm.f32 $1.000000000e+00;
	s16 =	sshrl.u32 s16, $0x3;
	s11 =	sadd.s32 s2, s29;
	s12 =	sadd.s32 s12, s29  }
.LBB2_1:
0x19: {  	[spmem:s16], [sflag:s7] =	dma.local [hbm:s6], $0x2800  }
0x1a: {  	_ =	swait.ge [sflag:s17], $0x2800  }
0x1b: {  	[sflag:s17] =	ssyncset.done $0x0  }
0x1c: {  	[sflag:s17] =	ssyncadd.s32 $0xFFFFD800  }
0x1d: {  	[spmem:s18], [sflag:s7] =	dma.local [hbm:s8], $0x50  }
0x1e: {  	_ =	swait.ge [sflag:s17], $0x50  }
0x1f: {  	[sflag:s17] =	ssyncset.done $0x0  }
0x20: {  	[sflag:s17] =	ssyncadd.s32 $0xFFFFFFB0  }
0x21: {  	[tilespmem:$0x1E800] =	vst v0  }
0x22: {  	[tilespmem:$0x1E810] =	vst v0  }
0x23: {  	[tilespmem:$0x1E820] =	vst v0  }
0x24: {  	[tilespmem:$0x1E830] =	vst v0  }
0x25: {  	[tilespmem:$0x1E840] =	vst v0  }
0x26: {  	[tilespmem:$0x1E850] =	vst v0  }
0x27: {  	[tilespmem:$0x1E860] =	vst v0  }
0x28: {  	[tilespmem:$0x1E870] =	vst v0  }
0x29: {  	[bflag:$0x0] =	sbarrier.arrive $0xFFFF  }
0x2a: {  	[tilespmem:s4], [sflag:$0x3] =	stream.linear.gather [hbm4b:s9+s4], $0x1400, $0x38;
	[tilespmem:$0x1EB00] =	vst v63  }
0x2b: {  	_ =	swait.ge [sflag:s17], $0x1400  }
0x2c: {  	[sflag:s17] =	ssyncset.done $0x0  }
0x2d: {  	[sflag:s17] =	ssyncadd.s32 $0xFFFFEC00  }
0x2e: {  	[tilespmem:s19], [sflag:$0x3] =	stream.linear.gather [hbm4b:s10+s4], $0x1400, $0x38;
	[tilespmem:$0x1EB00] =	vst v63  }
0x2f: {  	_ =	swait.ge [sflag:s17], $0x1400  }
0x30: {  	[sflag:s17] =	ssyncset.done $0x0  }
0x31: {  	[sflag:s17] =	ssyncadd.s32 $0xFFFFEC00  }
0x32: {  	[tilespmem:s21], [sflag:$0x1] =	stream.indirect.gather [hbm4b:s5+s20], $0x80, s4, s20, $0xb8;
	[tilespmem:$0x1EB00] =	vst v63  }
0x33: {  	_ = 	snop  }
0x34: {  	[tilespmem:s22], [sflag:$0x2] =	stream.indirect.gather [hbm4b:s5+s20], $0x80, s20, s20, $0xb8;
	[tilespmem:$0x1EB00] =	vst v63  }
0x35: {  	_ =	swait.ge [sflag:s23], $0x4000  }
0x36: {  	[sflag:s23] =	ssyncset.done $0x0  }
0x37: {  	s0 =	simm.s32 $0x1400;
	[sflag:s23] =	ssyncadd.s32 $0xFFFFC000  }
0x38: {  	[spmem:s1] =	stream.indirect.scatter.add.f32 [tilespmem:s21], [sflag:$0x3], $0x80, s0, s20, $0xb8;
	[tilespmem:$0x1EB00] =	vst v63  }
0x39: {  	_ =	swait.ge [sflag:s17], $0x4000  }
0x3a: {  	[sflag:s17] =	ssyncset.done $0x0  }
0x3b: {  	[sflag:s17] =	ssyncadd.s32 $0xFFFFC000  }
0x3c: {  	[spmem:s3] =	stream.indirect.scatter.add.f32 [tilespmem:s24], [sflag:$0x3], $0x1, s0, s20, $0xb8;
	[tilespmem:$0x1EB00] =	vst v63  }
0x3d: {  	_ =	swait.ge [sflag:s17], $0x80  }
0x3e: {  	[sflag:s17] =	ssyncset.done $0x0  }
0x3f: {  	s2 =	simm.s32 $0x100;
	[sflag:s17] =	ssyncadd.s32 $0xFFFFFF80  }
0x40: {  	[tilespmem:s21], [sflag:$0x1] =	stream.indirect.gather [hbm4b:s5+s20], $0x80, s2, s20, $0xb8;
	[tilespmem:$0x1EB00] =	vst v63  }
0x41: {  	_ =	swait.ge [sflag:s25], $0x4000  }
0x42: {  	[sflag:s25] =	ssyncset.done $0x0  }
0x43: {  	s29 =	simm.s32 $0x1480;
	[sflag:s25] =	ssyncadd.s32 $0xFFFFC000  }
0x44: {  	[spmem:s1] =	stream.indirect.scatter.add.f32 [tilespmem:s22], [sflag:$0x3], $0x80, s29, s20, $0xb8;
	[tilespmem:$0x1EB00] =	vst v63  }
0x45: {  	_ =	swait.ge [sflag:s17], $0x4000  }
0x46: {  	[sflag:s17] =	ssyncset.done $0x0  }
0x47: {  	[sflag:s17] =	ssyncadd.s32 $0xFFFFC000  }
0x48: {  	[spmem:s3] =	stream.indirect.scatter.add.f32 [tilespmem:s24], [sflag:$0x3], $0x1, s29, s20, $0xb8;
	[tilespmem:$0x1EB00] =	vst v63  }
0x49: {  	_ =	swait.ge [sflag:s17], $0x80  }
0x4a: {  	[sflag:s17] =	ssyncset.done $0x0  }
0x4b: {  	s0 =	simm.s32 $0x400;
	s2 =	simm.s32 $0x180;
	[sflag:s17] =	ssyncadd.s32 $0xFFFFFF80  }
.LBB2_2:
0x4c: {  	[tilespmem:s22], [sflag:$0x2] =	stream.indirect.gather [hbm4b:s5+s20], $0x80, s2, s20, $0xb8;
	[tilespmem:$0x1EB00] =	vst v63  }
0x4d: {  	s2 =	smov.u32 s0  }
0x4e: {  	p0 =	sne.s32 s0, $0x4800;
	s0 =	sadd.s32 $0x400, s0;
	_ =	swait.ge [sflag:s23], $0x4000  }
0x4f: {  	s2 =	sshra.s32 s2, $0x2;
	[sflag:s23] =	ssyncset.done $0x0  }
0x50: {  	s29 =	sadd.s32 $0x1400, s2;
	[sflag:s23] =	ssyncadd.s32 $0xFFFFC000  }
0x51: {  	[spmem:s1] =	stream.indirect.scatter.add.f32 [tilespmem:s21], [sflag:$0x3], $0x80, s29, s20, $0xb8;
	[tilespmem:$0x1EB00] =	vst v63  }
0x52: {  	_ =	swait.ge [sflag:s17], $0x4000  }
0x53: {  	[sflag:s17] =	ssyncset.done $0x0  }
0x54: {  	[sflag:s17] =	ssyncadd.s32 $0xFFFFC000  }
0x55: {  	[spmem:s3] =	stream.indirect.scatter.add.f32 [tilespmem:s24], [sflag:$0x3], $0x1, s29, s20, $0xb8;
	[tilespmem:$0x1EB00] =	vst v63  }
0x56: {  	_ =	swait.ge [sflag:s17], $0x80  }
0x57: {  	[sflag:s17] =	ssyncset.done $0x0  }
0x58: {  	s29 =	sadd.s32 $0x100, s2;
	[sflag:s17] =	ssyncadd.s32 $0xFFFFFF80  }
0x59: {  	[tilespmem:s21], [sflag:$0x1] =	stream.indirect.gather [hbm4b:s5+s20], $0x80, s29, s20, $0xb8;
	[tilespmem:$0x1EB00] =	vst v63  }
0x5a: {  	_ =	swait.ge [sflag:s25], $0x4000  }
0x5b: {  	[sflag:s25] =	ssyncset.done $0x0  }
0x5c: {  	s29 =	sadd.s32 $0x1480, s2;
	[sflag:s25] =	ssyncadd.s32 $0xFFFFC000  }
0x5d: {  	[spmem:s1] =	stream.indirect.scatter.add.f32 [tilespmem:s22], [sflag:$0x3], $0x80, s29, s20, $0xb8;
	[tilespmem:$0x1EB00] =	vst v63  }
0x5e: {  	_ =	swait.ge [sflag:s17], $0x4000  }
0x5f: {  	[sflag:s17] =	ssyncset.done $0x0  }
.Ltmp0:
0x60: {  	[sflag:s17] =	ssyncadd.s32 $0xFFFFC000;
	(pc) =	sbr.rel @p0 .LBB2_2-.Ltmp0, $4  }
0x61: {  	[spmem:s3] =	stream.indirect.scatter.add.f32 [tilespmem:s24], [sflag:$0x3], $0x1, s29, s20, $0xb8;
	[tilespmem:$0x1EB00] =	vst v63  }
0x62: {  	_ =	swait.ge [sflag:s17], $0x80  }
0x63: {  	[sflag:s17] =	ssyncset.done $0x0  }
0x64: {  	s2 =	sadd.s32 $0x180, s2;
	[sflag:s17] =	ssyncadd.s32 $0xFFFFFF80  }
0x65: {  	[tilespmem:s22], [sflag:$0x2] =	stream.indirect.gather [hbm4b:s5+s20], $0x80, s2, s20, $0xb8;
	[tilespmem:$0x1EB00] =	vst v63  }
0x66: {  	_ =	swait.ge [sflag:s23], $0x4000  }
0x67: {  	[sflag:s23] =	ssyncset.done $0x0  }
0x68: {  	[sflag:s23] =	ssyncadd.s32 $0xFFFFC000  }
0x69: {  	[spmem:s1] =	stream.indirect.scatter.add.f32 [tilespmem:s21], [sflag:$0x3], $0x80, s26, s20, $0xb8;
	[tilespmem:$0x1EB00] =	vst v63  }
0x6a: {  	_ =	swait.ge [sflag:s17], $0x4000  }
0x6b: {  	[sflag:s17] =	ssyncset.done $0x0  }
0x6c: {  	[sflag:s17] =	ssyncadd.s32 $0xFFFFC000  }
0x6d: {  	[spmem:s3] =	stream.indirect.scatter.add.f32 [tilespmem:s24], [sflag:$0x3], $0x1, s26, s20, $0xb8;
	[tilespmem:$0x1EB00] =	vst v63  }
0x6e: {  	_ =	swait.ge [sflag:s17], $0x80  }
0x6f: {  	[sflag:s17] =	ssyncset.done $0x0  }
0x70: {  	[sflag:s17] =	ssyncadd.s32 $0xFFFFFF80  }
0x71: {  	_ =	swait.ge [sflag:s25], $0x4000  }
0x72: {  	[sflag:s25] =	ssyncset.done $0x0  }
0x73: {  	[sflag:s25] =	ssyncadd.s32 $0xFFFFC000  }
0x74: {  	[spmem:s1] =	stream.indirect.scatter.add.f32 [tilespmem:s22], [sflag:$0x3], $0x80, s28, s20, $0xb8;
	[tilespmem:$0x1EB00] =	vst v63  }
0x75: {  	_ =	swait.ge [sflag:s17], $0x4000  }
0x76: {  	[sflag:s17] =	ssyncset.done $0x0  }
0x77: {  	[sflag:s17] =	ssyncadd.s32 $0xFFFFC000  }
0x78: {  	[spmem:s3] =	stream.indirect.scatter.add.f32 [tilespmem:s24], [sflag:$0x3], $0x1, s28, s20, $0xb8;
	[tilespmem:$0x1EB00] =	vst v63  }
0x79: {  	_ =	swait.ge [sflag:s17], $0x80  }
0x7a: {  	[sflag:s17] =	ssyncset.done $0x0  }
0x7b: {  	s0 =	simm.s32 $0x0;
	[sflag:s17] =	ssyncadd.s32 $0xFFFFFF80  }
0x7c: {  	[tilespmem:s0], [sflag:$0x3] =	stream.linear.gather [hbm4b:s11+s0], $0x1400, $0x38;
	[tilespmem:$0x1EB00] =	vst v63  }
0x7d: {  	_ =	swait.ge [sflag:s17], $0x1400  }
0x7e: {  	[sflag:s17] =	ssyncset.done $0x0  }
0x7f: {  	[sflag:s17] =	ssyncadd.s32 $0xFFFFEC00  }
0x80: {  	[tilespmem:s19], [sflag:$0x3] =	stream.linear.gather [hbm4b:s12+s0], $0x1400, $0x38;
	[tilespmem:$0x1EB00] =	vst v63  }
0x81: {  	_ =	swait.ge [sflag:s17], $0x1400  }
0x82: {  	[sflag:s17] =	ssyncset.done $0x0  }
0x83: {  	[sflag:s17] =	ssyncadd.s32 $0xFFFFEC00  }
0x84: {  	[tilespmem:s21], [sflag:$0x1] =	stream.indirect.gather [hbm4b:s5+s20], $0x80, s0, s20, $0xb8;
	[tilespmem:$0x1EB00] =	vst v63  }
0x85: {  	_ = 	snop  }
0x86: {  	[tilespmem:s22], [sflag:$0x2] =	stream.indirect.gather [hbm4b:s5+s20], $0x80, s20, s20, $0xb8;
	[tilespmem:$0x1EB00] =	vst v63  }
0x87: {  	_ =	swait.ge [sflag:s23], $0x4000  }
0x88: {  	[sflag:s23] =	ssyncset.done $0x0  }
0x89: {  	s29 =	simm.s32 $0x1400;
	[sflag:s23] =	ssyncadd.s32 $0xFFFFC000  }
0x8a: {  	[spmem:s1] =	stream.indirect.scatter.add.f32 [tilespmem:s21], [sflag:$0x3], $0x80, s29, s20, $0xb8;
	[tilespmem:$0x1EB00] =	vst v63  }
0x8b: {  	_ =	swait.ge [sflag:s17], $0x4000  }
0x8c: {  	[sflag:s17] =	ssyncset.done $0x0  }
0x8d: {  	[sflag:s17] =	ssyncadd.s32 $0xFFFFC000  }
0x8e: {  	[spmem:s3] =	stream.indirect.scatter.add.f32 [tilespmem:s24], [sflag:$0x3], $0x1, s29, s20, $0xb8;
	[tilespmem:$0x1EB00] =	vst v63  }
0x8f: {  	_ =	swait.ge [sflag:s17], $0x80  }
0x90: {  	[sflag:s17] =	ssyncset.done $0x0  }
0x91: {  	s2 =	simm.s32 $0x100;
	[sflag:s17] =	ssyncadd.s32 $0xFFFFFF80  }
0x92: {  	[tilespmem:s21], [sflag:$0x1] =	stream.indirect.gather [hbm4b:s5+s20], $0x80, s2, s20, $0xb8;
	[tilespmem:$0x1EB00] =	vst v63  }
0x93: {  	_ =	swait.ge [sflag:s25], $0x4000  }
0x94: {  	[sflag:s25] =	ssyncset.done $0x0  }
0x95: {  	s29 =	simm.s32 $0x1480;
	[sflag:s25] =	ssyncadd.s32 $0xFFFFC000  }
0x96: {  	[spmem:s1] =	stream.indirect.scatter.add.f32 [tilespmem:s22], [sflag:$0x3], $0x80, s29, s20, $0xb8;
	[tilespmem:$0x1EB00] =	vst v63  }
0x97: {  	_ =	swait.ge [sflag:s17], $0x4000  }
0x98: {  	[sflag:s17] =	ssyncset.done $0x0  }
0x99: {  	[sflag:s17] =	ssyncadd.s32 $0xFFFFC000  }
0x9a: {  	[spmem:s3] =	stream.indirect.scatter.add.f32 [tilespmem:s24], [sflag:$0x3], $0x1, s29, s20, $0xb8;
	[tilespmem:$0x1EB00] =	vst v63  }
0x9b: {  	_ =	swait.ge [sflag:s17], $0x80  }
0x9c: {  	[sflag:s17] =	ssyncset.done $0x0  }
0x9d: {  	s0 =	simm.s32 $0x400;
	s2 =	simm.s32 $0x180;
	[sflag:s17] =	ssyncadd.s32 $0xFFFFFF80  }
.LBB2_4:
0x9e: {  	[tilespmem:s22], [sflag:$0x2] =	stream.indirect.gather [hbm4b:s5+s20], $0x80, s2, s20, $0xb8;
	[tilespmem:$0x1EB00] =	vst v63  }
0x9f: {  	s2 =	smov.u32 s0  }
0xa0: {  	p0 =	sne.s32 s0, $0x4800;
	s0 =	sadd.s32 $0x400, s0;
	_ =	swait.ge [sflag:s23], $0x4000  }
0xa1: {  	s2 =	sshra.s32 s2, $0x2;
	[sflag:s23] =	ssyncset.done $0x0  }
0xa2: {  	s29 =	sadd.s32 $0x1400, s2;
	[sflag:s23] =	ssyncadd.s32 $0xFFFFC000  }
0xa3: {  	[spmem:s1] =	stream.indirect.scatter.add.f32 [tilespmem:s21], [sflag:$0x3], $0x80, s29, s20, $0xb8;
	[tilespmem:$0x1EB00] =	vst v63  }
0xa4: {  	_ =	swait.ge [sflag:s17], $0x4000  }
0xa5: {  	[sflag:s17] =	ssyncset.done $0x0  }
0xa6: {  	[sflag:s17] =	ssyncadd.s32 $0xFFFFC000  }
0xa7: {  	[spmem:s3] =	stream.indirect.scatter.add.f32 [tilespmem:s24], [sflag:$0x3], $0x1, s29, s20, $0xb8;
	[tilespmem:$0x1EB00] =	vst v63  }
0xa8: {  	_ =	swait.ge [sflag:s17], $0x80  }
0xa9: {  	[sflag:s17] =	ssyncset.done $0x0  }
0xaa: {  	s29 =	sadd.s32 $0x100, s2;
	[sflag:s17] =	ssyncadd.s32 $0xFFFFFF80  }
0xab: {  	[tilespmem:s21], [sflag:$0x1] =	stream.indirect.gather [hbm4b:s5+s20], $0x80, s29, s20, $0xb8;
	[tilespmem:$0x1EB00] =	vst v63  }
0xac: {  	_ =	swait.ge [sflag:s25], $0x4000  }
0xad: {  	[sflag:s25] =	ssyncset.done $0x0  }
0xae: {  	s29 =	sadd.s32 $0x1480, s2;
	[sflag:s25] =	ssyncadd.s32 $0xFFFFC000  }
0xaf: {  	[spmem:s1] =	stream.indirect.scatter.add.f32 [tilespmem:s22], [sflag:$0x3], $0x80, s29, s20, $0xb8;
	[tilespmem:$0x1EB00] =	vst v63  }
0xb0: {  	_ =	swait.ge [sflag:s17], $0x4000  }
0xb1: {  	[sflag:s17] =	ssyncset.done $0x0  }
.Ltmp1:
0xb2: {  	[sflag:s17] =	ssyncadd.s32 $0xFFFFC000;
	(pc) =	sbr.rel @p0 .LBB2_4-.Ltmp1, $4  }
0xb3: {  	[spmem:s3] =	stream.indirect.scatter.add.f32 [tilespmem:s24], [sflag:$0x3], $0x1, s29, s20, $0xb8;
	[tilespmem:$0x1EB00] =	vst v63  }
0xb4: {  	_ =	swait.ge [sflag:s17], $0x80  }
0xb5: {  	[sflag:s17] =	ssyncset.done $0x0  }
0xb6: {  	s2 =	sadd.s32 $0x180, s2;
	[sflag:s17] =	ssyncadd.s32 $0xFFFFFF80  }
0xb7: {  	[tilespmem:s22], [sflag:$0x2] =	stream.indirect.gather [hbm4b:s5+s20], $0x80, s2, s20, $0xb8;
	[tilespmem:$0x1EB00] =	vst v63  }
0xb8: {  	_ =	swait.ge [sflag:s23], $0x4000  }
0xb9: {  	[sflag:s23] =	ssyncset.done $0x0  }
0xba: {  	[sflag:s23] =	ssyncadd.s32 $0xFFFFC000  }
0xbb: {  	[spmem:s1] =	stream.indirect.scatter.add.f32 [tilespmem:s21], [sflag:$0x3], $0x80, s26, s20, $0xb8;
	[tilespmem:$0x1EB00] =	vst v63  }
0xbc: {  	_ =	swait.ge [sflag:s17], $0x4000  }
0xbd: {  	[sflag:s17] =	ssyncset.done $0x0  }
0xbe: {  	[sflag:s17] =	ssyncadd.s32 $0xFFFFC000  }
0xbf: {  	[spmem:s3] =	stream.indirect.scatter.add.f32 [tilespmem:s24], [sflag:$0x3], $0x1, s26, s20, $0xb8;
	[tilespmem:$0x1EB00] =	vst v63  }
0xc0: {  	_ =	swait.ge [sflag:s17], $0x80  }
0xc1: {  	[sflag:s17] =	ssyncset.done $0x0  }
0xc2: {  	[sflag:s17] =	ssyncadd.s32 $0xFFFFFF80  }
0xc3: {  	_ =	swait.ge [sflag:s25], $0x4000  }
0xc4: {  	[sflag:s25] =	ssyncset.done $0x0  }
0xc5: {  	[sflag:s25] =	ssyncadd.s32 $0xFFFFC000  }
0xc6: {  	[spmem:s1] =	stream.indirect.scatter.add.f32 [tilespmem:s22], [sflag:$0x3], $0x80, s28, s20, $0xb8;
	[tilespmem:$0x1EB00] =	vst v63  }
0xc7: {  	_ =	swait.ge [sflag:s17], $0x4000  }
0xc8: {  	[sflag:s17] =	ssyncset.done $0x0  }
0xc9: {  	[sflag:s17] =	ssyncadd.s32 $0xFFFFC000  }
0xca: {  	[spmem:s3] =	stream.indirect.scatter.add.f32 [tilespmem:s24], [sflag:$0x3], $0x1, s28, s20, $0xb8;
	[tilespmem:$0x1EB00] =	vst v63  }
0xcb: {  	_ =	swait.ge [sflag:s17], $0x80  }
0xcc: {  	[sflag:s17] =	ssyncset.done $0x0  }
0xcd: {  	[sflag:s17] =	ssyncadd.s32 $0xFFFFFF80  }
0xce: {  	[bflag:$0x0] =	sbarrier.arrive $0xFFFF  }
0xcf: {  	[hbm:s13], [sflag:s7] =	dma.local [spmem:s16], $0x2800  }
0xd0: {  	s31 =	sadd.s32 $0x1, s31;
	_ =	swait.ge [sflag:s17], $0x2800  }
0xd1: {  	p0 =	sne.s32 s31, s15;
	[sflag:s17] =	ssyncset.done $0x0  }
.Ltmp2:
0xd2: {  	s0 =	simm.s32 $0x20;
	[sflag:s17] =	ssyncadd.s32 $0xFFFFD800;
	(pc) =	sbr.rel @p0 .LBB2_1-.Ltmp2, $4  }
0xd3: {  	[hbm:s14@s0], [sflag:s7] =	dma.strided [spmem:s18@s30], $0x50, s23, $0x10   }
0xd4: {  	_ =	swait.ge [sflag:s17], $0x50  }
0xd5: {  	[sflag:s17] =	ssyncset.done $0x0  }
0xd6: {  	[sflag:s17] =	ssyncadd.s32 $0xFFFFFFB0  }
0xd7: {  	_ =	sfence.sel $0x180000  }
0xd8: {  	[bflag:$0x0] =	sbarrier.arrive $0xFFFF  }
0xd9: {  	_ =	strace $0x90000047  }
0xda: {  	s0 =	stileid.u32;
	[bflag:$0x2] =	sbarrier.arrive $0xFFFF  }
0xdb: {  	p0 =	sne.s32 s0, $0x0;
	s0 =	rddreg [dreg:$0x4]  }
0xdc: {  	s0 =	sadd.s32 @!p0 $0x100000, s0  }
0xdd: {  	[sflag:s0] =	ssyncadd.tile.s32 @!p0 $0x1;
	_ =	shalt  }
.Lfunc_end2:
_tile_overlayer_lowered:
.L_overlay_start_2:
0xde: {  	(tag) =	ssettag $0x2  }
0xdf: {  	s0 =	rddreg [dreg:$0x0];
	s2 =	stileid.u32  }
0xe0: {  	s1 =	rddreg [dreg:$0x1];
	p0 =	sne.s32 s2, $0x0  }
0xe1: {  	s3 =	rddreg [dreg:$0x2];
	[bflag:$0x3] =	sbarrier.arrive $0xFFFF;
	s2 =	simm.s32 @!p0 $0x1C03  }
0xe2: {  	[timem:s3], [sflag:s2] =	dma.local @!p0 [hbm:s0], s1  }
0xe3: {  	s0 =	simm.s32 @!p0 $0x3  }
0xe4: {  	_ =	swait.ge @!p0 [sflag:s0], s1  }
0xe5: {  	s1 =	ssub.s32 @!p0 $0x0, s1;
	[sflag:s0] =	ssyncset.done @!p0 $0x0  }
0xe6: {  	[sflag:s0] =	ssyncadd.s32 @!p0 s1  }
0xe7: {  	[bflag:$0x3] =	sbarrier.arrive $0xFFFF  }
0xe8: {  	_ =	shalt  }

</sc_bundles>
